<compile_context>
chip_gen: v7x
topology: tpu7x:2x2x1
jax: 0.10.2.dev20260603
libtpu: 0.0.44.dev20260713+nightly
codegen_flags: <defaults>
</compile_context>

<pallas_src>
import functools

import jax
import jax.numpy as jnp
from jax import lax
from jax.experimental import pallas as pl
from jax.experimental.pallas import tpu as pltpu
from jax.experimental.pallas import tpu_sc as plsc

_NB = 8192
_NBC = _NB // 16
_U = 16


_G = 8


def _walk(hist, j):

    def gcond(st):
        g, fg, _ = st
        return (fg < 0) & (g < _NBC // _G)

    def gbody(st):
        g, fg, acc = st
        s = jnp.int32(0)
        for u in range(_G):
            s = s + jnp.sum(hist[pl.ds((g * _G + u) * 16, 16)])
        hit = (acc + s) >= j
        fg_new = jnp.where(hit, g, -1)
        return (g + 1, fg_new, jnp.where(hit, acc, acc + s))

    _, g, gacc = lax.while_loop(
        gcond, gbody, (jnp.int32(0), jnp.int32(-1), jnp.int32(0)))

    def cond(st):
        c, b, _, _ = st
        return (b < 0) & (c < _G)

    def body(st):
        c, b, above, acc = st
        v = hist[pl.ds((g * _G + c) * 16, 16)]
        s = jnp.sum(v)
        cs = plsc.cumsum(v)
        jrel = j - acc
        hit = (acc + s) >= j
        lane = jnp.sum(jnp.where(cs < jrel, 1, 0).astype(jnp.int32))
        wabove = jnp.sum(jnp.where(cs < jrel, v, 0))
        b_new = jnp.where(hit, (g * _G + c) * 16 + lane, -1)
        above_new = jnp.where(hit, acc + wabove, 0)
        return (c + 1, b_new, above_new, acc + s)

    _, b, above, _ = lax.while_loop(
        cond, body, (jnp.int32(0), jnp.int32(-1), jnp.int32(0), gacc))
    return b, above


@functools.lru_cache(maxsize=None)
def _build(rows, n, k):
    vecs = n // 16
    assert vecs % _U == 0
    info = plsc.get_sparse_core_info()
    nw = info.num_cores * info.num_subcores
    rpw = rows // nw
    assert rpw % 2 == 0
    pairs = rpw // 2
    mesh = plsc.VectorSubcoreMesh(core_axis_name="c", subcore_axis_name="s")

    @functools.partial(
        pl.kernel,
        mesh=mesh,
        out_type=jax.ShapeDtypeStruct((rows, n), jnp.float32),
        scratch_types=[
            pltpu.VMEM((n,), jnp.float32),
            pltpu.VMEM((n,), jnp.float32),
            pltpu.VMEM((_NB,), jnp.int32),
            pltpu.VMEM((16,), jnp.float32),
            pltpu.VMEM((16,), jnp.float32),
            pltpu.VMEM((16,), jnp.float32),
            pltpu.VMEM((16,), jnp.int32),
            pltpu.SemaphoreType.DMA,
            pltpu.SemaphoreType.DMA,
            pltpu.SemaphoreType.DMA,
            pltpu.SemaphoreType.DMA,
        ],
        compiler_params=pltpu.CompilerParams(needs_layout_passes=False),
    )
    def kern(x_hbm, out_hbm, buf_a, buf_b, hist, lo_r, hi_r, thr_r, sgn_r,
             sin_a, sin_b, sout_a, sout_b):
        wid = lax.axis_index("s") * info.num_cores + lax.axis_index("c")
        base = wid * rpw
        zeros16 = jnp.zeros((16,), jnp.int32)
        ones16 = jnp.ones((16,), jnp.int32)

        def clear_hist():
            @plsc.parallel_loop(0, _NBC, step=1, unroll=_U)
            def _clr(c):
                hist[pl.ds(c * 16, 16)] = zeros16

        def pass1_pos(buf):
            @plsc.parallel_loop(0, vecs, step=1, unroll=_U)
            def _p1(c):
                v = buf[pl.ds(c * 16, 16)]
                ix = lax.bitcast_convert_type(v, jnp.int32)
                rbin = 4095 - (ix >> 19)
                plsc.addupdate_scatter(hist, [rbin], ones16, mask=ix >= 0)

        def pass1_neg(buf):
            @plsc.parallel_loop(0, vecs, step=1, unroll=_U)
            def _p1n(c):
                v = buf[pl.ds(c * 16, 16)]
                ix = lax.bitcast_convert_type(v, jnp.int32)
                skey = ix ^ jnp.int32(0x7FFFFFFF)
                rbin = 4095 - (skey >> 19)
                plsc.addupdate_scatter(hist, [rbin], ones16, mask=ix < 0)

        def key2f(key):
            kv = jnp.full((16,), key, jnp.int32)
            bits = jnp.where(kv >= 0, kv, kv ^ jnp.int32(0x7FFFFFFF))
            return lax.bitcast_convert_type(bits, jnp.float32)

        def pass2(buf):
            @plsc.parallel_loop(0, vecs, step=1, unroll=_U)
            def _p2(c):
                v = buf[pl.ds(c * 16, 16)]
                ix = lax.bitcast_convert_type(v, jnp.int32)
                pred = (v >= lo_r[...]) & (v < hi_r[...])
                rbin2 = 8191 - (((ix >> 6) & jnp.int32(0x1FFF)) ^ sgn_r[...])
                plsc.addupdate_scatter(hist, [rbin2], ones16, mask=pred)

        def mask_pass(buf):
            @plsc.parallel_loop(0, vecs, step=1, unroll=_U)
            def _p3(c):
                v = buf[pl.ds(c * 16, 16)]
                buf[pl.ds(c * 16, 16)] = jnp.where(v >= thr_r[...], v, 0.0)

        def stage_a(buf):
            clear_hist()
            pass1_pos(buf)
            b1, above1 = _walk(hist, jnp.int32(k))

            def fallback(_):
                pass1_neg(buf)
                return _walk(hist, jnp.int32(k))

            b1, above1 = lax.cond(b1 < 0, fallback,
                                  lambda _: (b1, above1), 0)
            return b1, above1

        def stage_b(buf, b1, above1):
            clear_hist()
            t13 = 4095 - b1
            lo_r[...] = key2f(t13 << 19)
            hi_r[...] = jnp.where(t13 >= 4095,
                                  jnp.full((16,), jnp.inf, jnp.float32),
                                  key2f((t13 + 1) << 19))
            sgn_r[...] = jnp.full((16,), jnp.where(t13 < 0, 0x1FFF, 0),
                                  jnp.int32)
            pass2(buf)
            b2, _ = _walk(hist, jnp.int32(k) - above1)
            return (t13 << 19) | ((8191 - b2) << 6)

        half = n // 2

        def start_in(row, buf, sem):
            for h in range(2):
                pltpu.async_copy(x_hbm.at[row, pl.ds(h * half, half)],
                                 buf.at[pl.ds(h * half, half)], sem)

        def wait_in(row, buf, sem):
            for h in range(2):
                pltpu.make_async_copy(x_hbm.at[row, pl.ds(h * half, half)],
                                      buf.at[pl.ds(h * half, half)],
                                      sem).wait()

        def start_out(row, buf, sem):
            for h in range(2):
                pltpu.async_copy(buf.at[pl.ds(h * half, half)],
                                 out_hbm.at[row, pl.ds(h * half, half)], sem)

        def wait_out(row, buf, sem):
            for h in range(2):
                pltpu.make_async_copy(buf.at[pl.ds(h * half, half)],
                                      out_hbm.at[row, pl.ds(h * half, half)],
                                      sem).wait()

        def process(cur, oth, sin_cur, sout_oth, sin_oth, sout_cur,
                    row, prev_row, next_row, do_wait_out, do_start_in):
            wait_in(row, cur, sin_cur)
            b1, above1 = stage_a(cur)
            @pl.when(do_wait_out)
            def _():
                wait_out(prev_row, oth, sout_oth)

            @pl.when(do_start_in)
            def _():
                start_in(next_row, oth, sin_oth)
            skey_t = stage_b(cur, b1, above1)
            thr_r[...] = key2f(skey_t)
            mask_pass(cur)
            start_out(row, cur, sout_cur)

        start_in(base, buf_a, sin_a)

        def pair(p, _c):
            ra = base + 2 * p
            process(buf_a, buf_b, sin_a, sout_b, sin_b, sout_a,
                    ra, ra - 1, ra + 1, p >= 1, p >= 0)
            process(buf_b, buf_a, sin_b, sout_a, sin_a, sout_b,
                    ra + 1, ra, ra + 2, p >= 0, p < pairs - 1)
            return _c

        lax.fori_loop(0, pairs, pair, 0)
        wait_out(base + rpw - 1, buf_b, sout_b)

    return kern


def kernel(x):
    b, c, h, w = x.shape
    n = h * w
    k = int(0.05 * n)
    out = _build(b * c, n, k)(x.reshape(b * c, n))
    return out.reshape(b, c, h, w)

# --- scband reference (transcript-rebuilt; emitter-appended) ---
"""Pipeline reference for scband-kwinner-layer2-d-57088705298666 (READ-ONLY COPY).

The authoritative reference and input builder live on the scoring server;
editing this copy changes nothing except your own understanding.
"""

import jax, jax.numpy as jnp
import numpy as np

DENSITY = 0.05

def setup_inputs(seed: int = 0) -> dict:
    key = jax.random.key(seed)
    x = jax.random.normal(key, (16, 96, 224, 224), dtype=jnp.float32)
    return {"x": x}

def reference(x):
    # KWinnerLayer2D with boost_factor=0 path: plain k-winners-take-all over spatial dims.
    B, C, H, W = x.shape
    k = int(DENSITY * H * W)
    xp = x.reshape(B, C, H * W)
    v, _ = jax.lax.top_k(xp, k)  # sorted descending, matches torch.topk(sorted=True)
    threshold = v[:, :, k - 1].reshape(B, C, 1, 1)
    mask = (x >= threshold).astype(x.dtype)
    res = x * mask
    return res

if __name__ == "__main__":
    import jax
    _d = setup_inputs()
    print(jax.jit(kernel)(*tuple(_d.values())))

</pallas_src>

<mosaic_0001>
#map = affine_map<(d0, d1) -> (0, 0)>
module attributes {stable_mosaic.version = 14 : i64} {
  func.func @kern(%arg0: i32, %arg1: i32, %arg2: memref<1536x50176xf32, #tpu.memory_space<hbm>>, %arg3: memref<1536x50176xf32, #tpu.memory_space<hbm>>, %arg4: memref<50176xf32, #tpu.memory_space<vmem>>, %arg5: memref<50176xf32, #tpu.memory_space<vmem>>, %arg6: memref<8192xi32, #tpu.memory_space<vmem>>, %arg7: memref<16xf32, #tpu.memory_space<vmem>>, %arg8: memref<16xf32, #tpu.memory_space<vmem>>, %arg9: memref<16xf32, #tpu.memory_space<vmem>>, %arg10: memref<16xi32, #tpu.memory_space<vmem>>, %arg11: memref<!tpu.dma_semaphore, #tpu.memory_space<semaphore_mem>>, %arg12: memref<!tpu.dma_semaphore, #tpu.memory_space<semaphore_mem>>, %arg13: memref<!tpu.dma_semaphore, #tpu.memory_space<semaphore_mem>>, %arg14: memref<!tpu.dma_semaphore, #tpu.memory_space<semaphore_mem>>) attributes {dimension_semantics = [#tpu.dimension_semantics<core_parallel>, #tpu.dimension_semantics<subcore_parallel>], iteration_bounds = array<i64: 2, 16>, scalar_prefetch = 0 : i64, scratch_operands = 11 : i64, tpu.core_type = #tpu.core_type<sc_vector_subcore>, window_params = [{transform_indices = #map}, {transform_indices = #map}]} {
    %mul3A = arith.constant 2 : i32
    %mul3A_0 = arith.muli %arg1, %mul3A : i32
    %add3A = arith.addi %mul3A_0, %arg0 : i32
    %mul3A_1 = arith.constant 48 : i32
    %mul3A_2 = arith.muli %add3A, %mul3A_1 : i32
    %broadcast_in_dim3A = arith.constant 0 : i32
    %broadcast_in_dim3A_3 = vector.broadcast %broadcast_in_dim3A : i32 to vector<16xi32>
    %broadcast_in_dim3A_4 = arith.constant 1 : i32
    %broadcast_in_dim3A_5 = vector.broadcast %broadcast_in_dim3A_4 : i32 to vector<16xi32>
    %dma_start3A = arith.constant 0 : i32
    %dma_start3A_6 = tpu.memref_slice %arg4[%dma_start3A] : memref<50176xf32, #tpu.memory_space<vmem>> -> memref<25088xf32, #tpu.memory_space<vmem>>
    %dma_start3A_7 = arith.constant 0 : i32
    %dma_start3A_8 = tpu.memref_slice %arg2[%mul3A_2, %dma_start3A_7] : memref<1536x50176xf32, #tpu.memory_space<hbm>> -> memref<1x25088xf32, #tpu.memory_space<hbm>>
    %dma_start3A_9 = tpu.memref_squeeze %dma_start3A_8 : memref<1x25088xf32, #tpu.memory_space<hbm>> -> memref<25088xf32, #tpu.memory_space<hbm>>
    %dma_start3A_10 = arith.constant 0 : i32
    %dma_start3A_11 = tpu.memref_slice %arg4[%dma_start3A_10] : memref<50176xf32, #tpu.memory_space<vmem>> -> memref<25088xf32, #tpu.memory_space<vmem>>
    %dma_start3A_12 = arith.constant 0 : i32
    %dma_start3A_13 = tpu.memref_slice %arg2[%mul3A_2, %dma_start3A_12] : memref<1536x50176xf32, #tpu.memory_space<hbm>> -> memref<1x25088xf32, #tpu.memory_space<hbm>>
    %dma_start3A_14 = tpu.memref_squeeze %dma_start3A_13 : memref<1x25088xf32, #tpu.memory_space<hbm>> -> memref<25088xf32, #tpu.memory_space<hbm>>
    tpu.enqueue_dma source(%dma_start3A_14 : memref<25088xf32, #tpu.memory_space<hbm>>) target(%dma_start3A_11 : memref<25088xf32, #tpu.memory_space<vmem>>) target_semaphore(%arg11 : memref<!tpu.dma_semaphore, #tpu.memory_space<semaphore_mem>>)
    %dma_start3A_15 = arith.constant 25088 : i32
    %dma_start3A_16 = tpu.memref_slice %arg4[%dma_start3A_15] : memref<50176xf32, #tpu.memory_space<vmem>> -> memref<25088xf32, #tpu.memory_space<vmem>>
    %dma_start3A_17 = arith.constant 25088 : i32
    %dma_start3A_18 = tpu.memref_slice %arg2[%mul3A_2, %dma_start3A_17] : memref<1536x50176xf32, #tpu.memory_space<hbm>> -> memref<1x25088xf32, #tpu.memory_space<hbm>>
    %dma_start3A_19 = tpu.memref_squeeze %dma_start3A_18 : memref<1x25088xf32, #tpu.memory_space<hbm>> -> memref<25088xf32, #tpu.memory_space<hbm>>
    %dma_start3A_20 = arith.constant 25088 : i32
    %dma_start3A_21 = tpu.memref_slice %arg4[%dma_start3A_20] : memref<50176xf32, #tpu.memory_space<vmem>> -> memref<25088xf32, #tpu.memory_space<vmem>>
    %dma_start3A_22 = arith.constant 25088 : i32
    %dma_start3A_23 = tpu.memref_slice %arg2[%mul3A_2, %dma_start3A_22] : memref<1536x50176xf32, #tpu.memory_space<hbm>> -> memref<1x25088xf32, #tpu.memory_space<hbm>>
    %dma_start3A_24 = tpu.memref_squeeze %dma_start3A_23 : memref<1x25088xf32, #tpu.memory_space<hbm>> -> memref<25088xf32, #tpu.memory_space<hbm>>
    tpu.enqueue_dma source(%dma_start3A_24 : memref<25088xf32, #tpu.memory_space<hbm>>) target(%dma_start3A_21 : memref<25088xf32, #tpu.memory_space<vmem>>) target_semaphore(%arg11 : memref<!tpu.dma_semaphore, #tpu.memory_space<semaphore_mem>>)
    %scan3A = arith.constant 0 : i32
    %scan3A_25 = arith.constant 0 : i32
    %scan3A_26 = arith.constant 24 : i32
    %scan3A_27 = arith.addi %scan3A_25, %scan3A_26 : i32
    %scan3A_28 = arith.constant 1 : i32
    scf.for %scan3A_52 = %scan3A_25 to %scan3A_27 step %scan3A_28  : i32 {
      %mul3A_53 = arith.constant 2 : i32
      %mul3A_54 = arith.muli %mul3A_53, %scan3A_52 : i32
      %add3A_55 = arith.addi %mul3A_2, %mul3A_54 : i32
      %sub3A_56 = arith.constant 1 : i32
      %sub3A_57 = arith.subi %add3A_55, %sub3A_56 : i32
      %add3A_58 = arith.constant 1 : i32
      %add3A_59 = arith.addi %add3A_55, %add3A_58 : i32
      %ge3A = arith.constant 1 : i32
      %ge3A_60 = arith.cmpi sge, %scan3A_52, %ge3A : i32
      %ge3A_61 = arith.constant 0 : i32
      %ge3A_62 = arith.cmpi sge, %scan3A_52, %ge3A_61 : i32
      %dma_wait3A_63 = arith.constant 0 : i32
      %dma_wait3A_64 = tpu.memref_slice %arg4[%dma_wait3A_63] : memref<50176xf32, #tpu.memory_space<vmem>> -> memref<25088xf32, #tpu.memory_space<vmem>>
      %dma_wait3A_65 = arith.constant 0 : i32
      %dma_wait3A_66 = tpu.memref_slice %arg2[%add3A_55, %dma_wait3A_65] : memref<1536x50176xf32, #tpu.memory_space<hbm>> -> memref<1x25088xf32, #tpu.memory_space<hbm>>
      %dma_wait3A_67 = tpu.memref_squeeze %dma_wait3A_66 : memref<1x25088xf32, #tpu.memory_space<hbm>> -> memref<25088xf32, #tpu.memory_space<hbm>>
      %dma_wait3A_68 = arith.constant 0 : i32
      %dma_wait3A_69 = tpu.memref_slice %arg4[%dma_wait3A_68] : memref<50176xf32, #tpu.memory_space<vmem>> -> memref<25088xf32, #tpu.memory_space<vmem>>
      %dma_wait3A_70 = arith.constant 0 : i32
      %dma_wait3A_71 = tpu.memref_slice %arg2[%add3A_55, %dma_wait3A_70] : memref<1536x50176xf32, #tpu.memory_space<hbm>> -> memref<1x25088xf32, #tpu.memory_space<hbm>>
      %dma_wait3A_72 = tpu.memref_squeeze %dma_wait3A_71 : memref<1x25088xf32, #tpu.memory_space<hbm>> -> memref<25088xf32, #tpu.memory_space<hbm>>
      tpu.wait_dma2 semaphore(%arg11 : memref<!tpu.dma_semaphore, #tpu.memory_space<semaphore_mem>>) src(%dma_wait3A_72 : memref<25088xf32, #tpu.memory_space<hbm>>) dst(%dma_wait3A_69 : memref<25088xf32, #tpu.memory_space<vmem>>)
      %dma_wait3A_73 = arith.constant 25088 : i32
      %dma_wait3A_74 = tpu.memref_slice %arg4[%dma_wait3A_73] : memref<50176xf32, #tpu.memory_space<vmem>> -> memref<25088xf32, #tpu.memory_space<vmem>>
      %dma_wait3A_75 = arith.constant 25088 : i32
      %dma_wait3A_76 = tpu.memref_slice %arg2[%add3A_55, %dma_wait3A_75] : memref<1536x50176xf32, #tpu.memory_space<hbm>> -> memref<1x25088xf32, #tpu.memory_space<hbm>>
      %dma_wait3A_77 = tpu.memref_squeeze %dma_wait3A_76 : memref<1x25088xf32, #tpu.memory_space<hbm>> -> memref<25088xf32, #tpu.memory_space<hbm>>
      %dma_wait3A_78 = arith.constant 25088 : i32
      %dma_wait3A_79 = tpu.memref_slice %arg4[%dma_wait3A_78] : memref<50176xf32, #tpu.memory_space<vmem>> -> memref<25088xf32, #tpu.memory_space<vmem>>
      %dma_wait3A_80 = arith.constant 25088 : i32
      %dma_wait3A_81 = tpu.memref_slice %arg2[%add3A_55, %dma_wait3A_80] : memref<1536x50176xf32, #tpu.memory_space<hbm>> -> memref<1x25088xf32, #tpu.memory_space<hbm>>
      %dma_wait3A_82 = tpu.memref_squeeze %dma_wait3A_81 : memref<1x25088xf32, #tpu.memory_space<hbm>> -> memref<25088xf32, #tpu.memory_space<hbm>>
      tpu.wait_dma2 semaphore(%arg11 : memref<!tpu.dma_semaphore, #tpu.memory_space<semaphore_mem>>) src(%dma_wait3A_82 : memref<25088xf32, #tpu.memory_space<hbm>>) dst(%dma_wait3A_79 : memref<25088xf32, #tpu.memory_space<vmem>>)
      %parallel_loop3A = arith.constant 0 : i32
      %parallel_loop3A_83 = arith.constant 512 : i32
      %parallel_loop3A_84 = arith.constant 1 : i32
      scf.for %parallel_loop3A_357 = %parallel_loop3A to %parallel_loop3A_83 step %parallel_loop3A_84  : i32 {
        %parallel_loop3A_358 = arith.constant 16 : i32
        %parallel_loop3A_359 = arith.muli %parallel_loop3A_357, %parallel_loop3A_358 : i32
        %parallel_loop3A_360 = arith.index_cast %parallel_loop3A_359 : i32 to index
        %parallel_loop3A_361 = tpu.vector_load %arg6[%parallel_loop3A_360] {strides = array<i32>} : memref<8192xi32, #tpu.memory_space<vmem>>, vector<16xi32>,
        tpu.vector_store %arg6[%parallel_loop3A_360], %broadcast_in_dim3A_3 {strides = array<i32>} : memref<8192xi32, #tpu.memory_space<vmem>>, vector<16xi32>,
      } {sc.loop_unroll_factor = 16 : i64, sc.parallel_access}
      %parallel_loop3A_85 = arith.constant 0 : i32
      %parallel_loop3A_86 = arith.constant 3136 : i32
      %parallel_loop3A_87 = arith.constant 1 : i32
      scf.for %parallel_loop3A_357 = %parallel_loop3A_85 to %parallel_loop3A_86 step %parallel_loop3A_87  : i32 {
        %parallel_loop3A_358 = arith.constant 16 : i32
        %parallel_loop3A_359 = arith.muli %parallel_loop3A_357, %parallel_loop3A_358 : i32
        %parallel_loop3A_360 = arith.index_cast %parallel_loop3A_359 : i32 to index
        %parallel_loop3A_361 = tpu.vector_load %arg4[%parallel_loop3A_360] {strides = array<i32>} : memref<50176xf32, #tpu.memory_space<vmem>>, vector<16xf32>,
        %parallel_loop3A_362 = tpu.bitcast %parallel_loop3A_361 : vector<16xf32> -> vector<16xi32>
        %parallel_loop3A_363 = arith.constant 19 : i32
        %parallel_loop3A_364 = vector.broadcast %parallel_loop3A_363 : i32 to vector<16xi32>
        %parallel_loop3A_365 = arith.shrsi %parallel_loop3A_362, %parallel_loop3A_364 : vector<16xi32>
        %parallel_loop3A_366 = arith.constant 4095 : i32
        %parallel_loop3A_367 = vector.broadcast %parallel_loop3A_366 : i32 to vector<16xi32>
        %parallel_loop3A_368 = arith.subi %parallel_loop3A_367, %parallel_loop3A_365 : vector<16xi32>
        %parallel_loop3A_369 = arith.constant 0 : i32
        %parallel_loop3A_370 = vector.broadcast %parallel_loop3A_369 : i32 to vector<16xi32>
        %parallel_loop3A_371 = arith.cmpi sge, %parallel_loop3A_362, %parallel_loop3A_370 : vector<16xi32>
        tpu.vector_store_idx %arg6[%parallel_loop3A_368], %broadcast_in_dim3A_5 masked %parallel_loop3A_371 {add = true} : memref<8192xi32, #tpu.memory_space<vmem>>[vector<16xi32>], vector<16xi32>, vector<16xi1>
      } {sc.loop_unroll_factor = 16 : i64, sc.parallel_access}
      %while3A = arith.constant 2508 : i32
      %while3A_88 = arith.constant 0 : i32
      %while3A_89 = arith.constant -1 : i32
      %while3A_90 = arith.constant 0 : i32
      %while3A_91:3 = scf.while (%while3A_357 = %while3A_88, %while3A_358 = %while3A_89, %while3A_359 = %while3A_90) : (i32, i32, i32) -> (i32, i32, i32) {
        %lt3A_360 = arith.constant 0 : i32
        %lt3A_361 = arith.cmpi slt, %while3A_358, %lt3A_360 : i32
        %lt3A_362 = arith.constant 64 : i32
        %lt3A_363 = arith.cmpi slt, %while3A_357, %lt3A_362 : i32
        %and3A = arith.andi %lt3A_361, %lt3A_363 : i1
        scf.condition(%and3A) %while3A_357, %while3A_358, %while3A_359 : i32, i32, i32
      } do {
      ^bb0(%while3A_357: i32, %while3A_358: i32, %while3A_359: i32):
        %mul3A_360 = arith.constant 8 : i32
        %mul3A_361 = arith.muli %while3A_357, %mul3A_360 : i32
        %add3A_362 = arith.constant 0 : i32
        %add3A_363 = arith.addi %mul3A_361, %add3A_362 : i32
        %mul3A_364 = arith.constant 16 : i32
        %mul3A_365 = arith.muli %add3A_363, %mul3A_364 : i32
        %get3A = arith.index_cast %mul3A_365 : i32 to index
        %get3A_366 = tpu.vector_load %arg6[%get3A] {strides = array<i32>} : memref<8192xi32, #tpu.memory_space<vmem>>, vector<16xi32>,
        %reduce_sum3A = arith.constant true
        %reduce_sum3A_367 = vector.broadcast %reduce_sum3A : i1 to vector<16xi1>
        %reduce_sum3A_368 = tpu.scan <sum>, %get3A_366 masked %reduce_sum3A_367 : vector<16xi32>, vector<16xi1> -> vector<16xi32>
        %reduce_sum3A_369 = vector.extract %reduce_sum3A_368[15] : i32 from vector<16xi32>
        %add3A_370 = arith.constant 0 : i32
        %add3A_371 = arith.addi %add3A_370, %reduce_sum3A_369 : i32
        %mul3A_372 = arith.constant 8 : i32
        %mul3A_373 = arith.muli %while3A_357, %mul3A_372 : i32
        %add3A_374 = arith.constant 1 : i32
        %add3A_375 = arith.addi %mul3A_373, %add3A_374 : i32
        %mul3A_376 = arith.constant 16 : i32
        %mul3A_377 = arith.muli %add3A_375, %mul3A_376 : i32
        %get3A_378 = arith.index_cast %mul3A_377 : i32 to index
        %get3A_379 = tpu.vector_load %arg6[%get3A_378] {strides = array<i32>} : memref<8192xi32, #tpu.memory_space<vmem>>, vector<16xi32>,
        %reduce_sum3A_380 = arith.constant true
        %reduce_sum3A_381 = vector.broadcast %reduce_sum3A_380 : i1 to vector<16xi1>
        %reduce_sum3A_382 = tpu.scan <sum>, %get3A_379 masked %reduce_sum3A_381 : vector<16xi32>, vector<16xi1> -> vector<16xi32>
        %reduce_sum3A_383 = vector.extract %reduce_sum3A_382[15] : i32 from vector<16xi32>
        %add3A_384 = arith.addi %add3A_371, %reduce_sum3A_383 : i32
        %mul3A_385 = arith.constant 8 : i32
        %mul3A_386 = arith.muli %while3A_357, %mul3A_385 : i32
        %add3A_387 = arith.constant 2 : i32
        %add3A_388 = arith.addi %mul3A_386, %add3A_387 : i32
        %mul3A_389 = arith.constant 16 : i32
        %mul3A_390 = arith.muli %add3A_388, %mul3A_389 : i32
        %get3A_391 = arith.index_cast %mul3A_390 : i32 to index
        %get3A_392 = tpu.vector_load %arg6[%get3A_391] {strides = array<i32>} : memref<8192xi32, #tpu.memory_space<vmem>>, vector<16xi32>,
        %reduce_sum3A_393 = arith.constant true
        %reduce_sum3A_394 = vector.broadcast %reduce_sum3A_393 : i1 to vector<16xi1>
        %reduce_sum3A_395 = tpu.scan <sum>, %get3A_392 masked %reduce_sum3A_394 : vector<16xi32>, vector<16xi1> -> vector<16xi32>
        %reduce_sum3A_396 = vector.extract %reduce_sum3A_395[15] : i32 from vector<16xi32>
        %add3A_397 = arith.addi %add3A_384, %reduce_sum3A_396 : i32
        %mul3A_398 = arith.constant 8 : i32
        %mul3A_399 = arith.muli %while3A_357, %mul3A_398 : i32
        %add3A_400 = arith.constant 3 : i32
        %add3A_401 = arith.addi %mul3A_399, %add3A_400 : i32
        %mul3A_402 = arith.constant 16 : i32
        %mul3A_403 = arith.muli %add3A_401, %mul3A_402 : i32
        %get3A_404 = arith.index_cast %mul3A_403 : i32 to index
        %get3A_405 = tpu.vector_load %arg6[%get3A_404] {strides = array<i32>} : memref<8192xi32, #tpu.memory_space<vmem>>, vector<16xi32>,
        %reduce_sum3A_406 = arith.constant true
        %reduce_sum3A_407 = vector.broadcast %reduce_sum3A_406 : i1 to vector<16xi1>
        %reduce_sum3A_408 = tpu.scan <sum>, %get3A_405 masked %reduce_sum3A_407 : vector<16xi32>, vector<16xi1> -> vector<16xi32>
        %reduce_sum3A_409 = vector.extract %reduce_sum3A_408[15] : i32 from vector<16xi32>
        %add3A_410 = arith.addi %add3A_397, %reduce_sum3A_409 : i32
        %mul3A_411 = arith.constant 8 : i32
        %mul3A_412 = arith.muli %while3A_357, %mul3A_411 : i32
        %add3A_413 = arith.constant 4 : i32
        %add3A_414 = arith.addi %mul3A_412, %add3A_413 : i32
        %mul3A_415 = arith.constant 16 : i32
        %mul3A_416 = arith.muli %add3A_414, %mul3A_415 : i32
        %get3A_417 = arith.index_cast %mul3A_416 : i32 to index
        %get3A_418 = tpu.vector_load %arg6[%get3A_417] {strides = array<i32>} : memref<8192xi32, #tpu.memory_space<vmem>>, vector<16xi32>,
        %reduce_sum3A_419 = arith.constant true
        %reduce_sum3A_420 = vector.broadcast %reduce_sum3A_419 : i1 to vector<16xi1>
        %reduce_sum3A_421 = tpu.scan <sum>, %get3A_418 masked %reduce_sum3A_420 : vector<16xi32>, vector<16xi1> -> vector<16xi32>
        %reduce_sum3A_422 = vector.extract %reduce_sum3A_421[15] : i32 from vector<16xi32>
        %add3A_423 = arith.addi %add3A_410, %reduce_sum3A_422 : i32
        %mul3A_424 = arith.constant 8 : i32
        %mul3A_425 = arith.muli %while3A_357, %mul3A_424 : i32
        %add3A_426 = arith.constant 5 : i32
        %add3A_427 = arith.addi %mul3A_425, %add3A_426 : i32
        %mul3A_428 = arith.constant 16 : i32
        %mul3A_429 = arith.muli %add3A_427, %mul3A_428 : i32
        %get3A_430 = arith.index_cast %mul3A_429 : i32 to index
        %get3A_431 = tpu.vector_load %arg6[%get3A_430] {strides = array<i32>} : memref<8192xi32, #tpu.memory_space<vmem>>, vector<16xi32>,
        %reduce_sum3A_432 = arith.constant true
        %reduce_sum3A_433 = vector.broadcast %reduce_sum3A_432 : i1 to vector<16xi1>
        %reduce_sum3A_434 = tpu.scan <sum>, %get3A_431 masked %reduce_sum3A_433 : vector<16xi32>, vector<16xi1> -> vector<16xi32>
        %reduce_sum3A_435 = vector.extract %reduce_sum3A_434[15] : i32 from vector<16xi32>
        %add3A_436 = arith.addi %add3A_423, %reduce_sum3A_435 : i32
        %mul3A_437 = arith.constant 8 : i32
        %mul3A_438 = arith.muli %while3A_357, %mul3A_437 : i32
        %add3A_439 = arith.constant 6 : i32
        %add3A_440 = arith.addi %mul3A_438, %add3A_439 : i32
        %mul3A_441 = arith.constant 16 : i32
        %mul3A_442 = arith.muli %add3A_440, %mul3A_441 : i32
        %get3A_443 = arith.index_cast %mul3A_442 : i32 to index
        %get3A_444 = tpu.vector_load %arg6[%get3A_443] {strides = array<i32>} : memref<8192xi32, #tpu.memory_space<vmem>>, vector<16xi32>,
        %reduce_sum3A_445 = arith.constant true
        %reduce_sum3A_446 = vector.broadcast %reduce_sum3A_445 : i1 to vector<16xi1>
        %reduce_sum3A_447 = tpu.scan <sum>, %get3A_444 masked %reduce_sum3A_446 : vector<16xi32>, vector<16xi1> -> vector<16xi32>
        %reduce_sum3A_448 = vector.extract %reduce_sum3A_447[15] : i32 from vector<16xi32>
        %add3A_449 = arith.addi %add3A_436, %reduce_sum3A_448 : i32
        %mul3A_450 = arith.constant 8 : i32
        %mul3A_451 = arith.muli %while3A_357, %mul3A_450 : i32
        %add3A_452 = arith.constant 7 : i32
        %add3A_453 = arith.addi %mul3A_451, %add3A_452 : i32
        %mul3A_454 = arith.constant 16 : i32
        %mul3A_455 = arith.muli %add3A_453, %mul3A_454 : i32
        %get3A_456 = arith.index_cast %mul3A_455 : i32 to index
        %get3A_457 = tpu.vector_load %arg6[%get3A_456] {strides = array<i32>} : memref<8192xi32, #tpu.memory_space<vmem>>, vector<16xi32>,
        %reduce_sum3A_458 = arith.constant true
        %reduce_sum3A_459 = vector.broadcast %reduce_sum3A_458 : i1 to vector<16xi1>
        %reduce_sum3A_460 = tpu.scan <sum>, %get3A_457 masked %reduce_sum3A_459 : vector<16xi32>, vector<16xi1> -> vector<16xi32>
        %reduce_sum3A_461 = vector.extract %reduce_sum3A_460[15] : i32 from vector<16xi32>
        %add3A_462 = arith.addi %add3A_449, %reduce_sum3A_461 : i32
        %add3A_463 = arith.addi %while3A_359, %add3A_462 : i32
        %ge3A_464 = arith.cmpi sge, %add3A_463, %while3A : i32
        %jit3A_465 = arith.constant -1 : i32
        %select_n3A_466 = arith.select %ge3A_464, %while3A_357, %jit3A_465 : i32
        %add3A_467 = arith.constant 1 : i32
        %add3A_468 = arith.addi %while3A_357, %add3A_467 : i32
        %add3A_469 = arith.addi %while3A_359, %add3A_462 : i32
        %select_n3A_470 = arith.select %ge3A_464, %while3A_359, %add3A_469 : i32
        scf.yield %add3A_468, %select_n3A_466, %select_n3A_470 : i32, i32, i32
      }
      %while3A_92 = arith.constant 2508 : i32
      %while3A_93 = arith.constant 0 : i32
      %while3A_94 = arith.constant -1 : i32
      %while3A_95 = arith.constant 0 : i32
      %while3A_96:4 = scf.while (%while3A_357 = %while3A_93, %while3A_358 = %while3A_94, %while3A_359 = %while3A_95, %while3A_360 = %while3A_91#2) : (i32, i32, i32, i32) -> (i32, i32, i32, i32) {
        %lt3A_361 = arith.constant 0 : i32
        %lt3A_362 = arith.cmpi slt, %while3A_358, %lt3A_361 : i32
        %lt3A_363 = arith.constant 8 : i32
        %lt3A_364 = arith.cmpi slt, %while3A_357, %lt3A_363 : i32
        %and3A = arith.andi %lt3A_362, %lt3A_364 : i1
        scf.condition(%and3A) %while3A_357, %while3A_358, %while3A_359, %while3A_360 : i32, i32, i32, i32
      } do {
      ^bb0(%while3A_357: i32, %while3A_358: i32, %while3A_359: i32, %while3A_360: i32):
        %mul3A_361 = arith.constant 8 : i32
        %mul3A_362 = arith.muli %while3A_91#1, %mul3A_361 : i32
        %add3A_363 = arith.addi %mul3A_362, %while3A_357 : i32
        %mul3A_364 = arith.constant 16 : i32
        %mul3A_365 = arith.muli %add3A_363, %mul3A_364 : i32
        %get3A = arith.index_cast %mul3A_365 : i32 to index
        %get3A_366 = tpu.vector_load %arg6[%get3A] {strides = array<i32>} : memref<8192xi32, #tpu.memory_space<vmem>>, vector<16xi32>,
        %reduce_sum3A = arith.constant true
        %reduce_sum3A_367 = vector.broadcast %reduce_sum3A : i1 to vector<16xi1>
        %reduce_sum3A_368 = tpu.scan <sum>, %get3A_366 masked %reduce_sum3A_367 : vector<16xi32>, vector<16xi1> -> vector<16xi32>
        %reduce_sum3A_369 = vector.extract %reduce_sum3A_368[15] : i32 from vector<16xi32>
        %broadcast_in_dim3A_370 = arith.constant true
        %broadcast_in_dim3A_371 = vector.broadcast %broadcast_in_dim3A_370 : i1 to vector<16xi1>
        %masked_cumsum3A = tpu.scan <sum>, %get3A_366 masked %broadcast_in_dim3A_371 : vector<16xi32>, vector<16xi1> -> vector<16xi32>
        %sub3A_372 = arith.subi %while3A_92, %while3A_360 : i32
        %add3A_373 = arith.addi %while3A_360, %reduce_sum3A_369 : i32
        %ge3A_374 = arith.cmpi sge, %add3A_373, %while3A_92 : i32
        %lt3A_375 = vector.broadcast %sub3A_372 : i32 to vector<16xi32>
        %lt3A_376 = arith.cmpi slt, %masked_cumsum3A, %lt3A_375 : vector<16xi32>
        %jit3A_377 = arith.constant 1 : i32
        %jit3A_378 = arith.constant 0 : i32
        %broadcast_in_dim3A_379 = vector.broadcast %jit3A_377 : i32 to vector<16xi32>
        %broadcast_in_dim3A_380 = vector.broadcast %jit3A_378 : i32 to vector<16xi32>
        %select_n3A_381 = arith.select %lt3A_376, %broadcast_in_dim3A_379, %broadcast_in_dim3A_380 : vector<16xi1>, vector<16xi32>
        %reduce_sum3A_382 = arith.constant true
        %reduce_sum3A_383 = vector.broadcast %reduce_sum3A_382 : i1 to vector<16xi1>
        %reduce_sum3A_384 = tpu.scan <sum>, %select_n3A_381 masked %reduce_sum3A_383 : vector<16xi32>, vector<16xi1> -> vector<16xi32>
        %reduce_sum3A_385 = vector.extract %reduce_sum3A_384[15] : i32 from vector<16xi32>
        %lt3A_386 = vector.broadcast %sub3A_372 : i32 to vector<16xi32>
        %lt3A_387 = arith.cmpi slt, %masked_cumsum3A, %lt3A_386 : vector<16xi32>
        %jit3A_388 = arith.constant 0 : i32
        %broadcast_in_dim3A_389 = vector.broadcast %jit3A_388 : i32 to vector<16xi32>
        %select_n3A_390 = arith.select %lt3A_387, %get3A_366, %broadcast_in_dim3A_389 : vector<16xi1>, vector<16xi32>
        %reduce_sum3A_391 = arith.constant true
        %reduce_sum3A_392 = vector.broadcast %reduce_sum3A_391 : i1 to vector<16xi1>
        %reduce_sum3A_393 = tpu.scan <sum>, %select_n3A_390 masked %reduce_sum3A_392 : vector<16xi32>, vector<16xi1> -> vector<16xi32>
        %reduce_sum3A_394 = vector.extract %reduce_sum3A_393[15] : i32 from vector<16xi32>
        %mul3A_395 = arith.constant 8 : i32
        %mul3A_396 = arith.muli %while3A_91#1, %mul3A_395 : i32
        %add3A_397 = arith.addi %mul3A_396, %while3A_357 : i32
        %mul3A_398 = arith.constant 16 : i32
        %mul3A_399 = arith.muli %add3A_397, %mul3A_398 : i32
        %add3A_400 = arith.addi %mul3A_399, %reduce_sum3A_385 : i32
        %jit3A_401 = arith.constant -1 : i32
        %select_n3A_402 = arith.select %ge3A_374, %add3A_400, %jit3A_401 : i32
        %add3A_403 = arith.addi %while3A_360, %reduce_sum3A_394 : i32
        %jit3A_404 = arith.constant 0 : i32
        %select_n3A_405 = arith.select %ge3A_374, %add3A_403, %jit3A_404 : i32
        %add3A_406 = arith.constant 1 : i32
        %add3A_407 = arith.addi %while3A_357, %add3A_406 : i32
        %add3A_408 = arith.addi %while3A_360, %reduce_sum3A_369 : i32
        scf.yield %add3A_407, %select_n3A_402, %select_n3A_405, %add3A_408 : i32, i32, i32, i32
      }
      %lt3A = arith.constant 0 : i32
      %lt3A_97 = arith.cmpi slt, %while3A_96#1, %lt3A : i32
      %convert_element_type3A = arith.extui %lt3A_97 : i1 to i32
      %cond3A = arith.constant 0 : i32
      %cond3A_98 = arith.constant 0 : i32
      %cond3A_99 = arith.cmpi ne, %convert_element_type3A, %cond3A_98 : i32
      %cond3A_100:2 = scf.if %cond3A_99 -> (i32, i32) {
        %parallel_loop3A_357 = arith.constant 0 : i32
        %parallel_loop3A_358 = arith.constant 3136 : i32
        %parallel_loop3A_359 = arith.constant 1 : i32
        scf.for %parallel_loop3A_370 = %parallel_loop3A_357 to %parallel_loop3A_358 step %parallel_loop3A_359  : i32 {
          %parallel_loop3A_371 = arith.constant 16 : i32
          %parallel_loop3A_372 = arith.muli %parallel_loop3A_370, %parallel_loop3A_371 : i32
          %parallel_loop3A_373 = arith.index_cast %parallel_loop3A_372 : i32 to index
          %parallel_loop3A_374 = tpu.vector_load %arg4[%parallel_loop3A_373] {strides = array<i32>} : memref<50176xf32, #tpu.memory_space<vmem>>, vector<16xf32>,
          %parallel_loop3A_375 = tpu.bitcast %parallel_loop3A_374 : vector<16xf32> -> vector<16xi32>
          %parallel_loop3A_376 = arith.constant 2147483647 : i32
          %parallel_loop3A_377 = vector.broadcast %parallel_loop3A_376 : i32 to vector<16xi32>
          %parallel_loop3A_378 = arith.xori %parallel_loop3A_375, %parallel_loop3A_377 : vector<16xi32>
          %parallel_loop3A_379 = arith.constant 19 : i32
          %parallel_loop3A_380 = vector.broadcast %parallel_loop3A_379 : i32 to vector<16xi32>
          %parallel_loop3A_381 = arith.shrsi %parallel_loop3A_378, %parallel_loop3A_380 : vector<16xi32>
          %parallel_loop3A_382 = arith.constant 4095 : i32
          %parallel_loop3A_383 = vector.broadcast %parallel_loop3A_382 : i32 to vector<16xi32>
          %parallel_loop3A_384 = arith.subi %parallel_loop3A_383, %parallel_loop3A_381 : vector<16xi32>
          %parallel_loop3A_385 = arith.constant 0 : i32
          %parallel_loop3A_386 = vector.broadcast %parallel_loop3A_385 : i32 to vector<16xi32>
          %parallel_loop3A_387 = arith.cmpi slt, %parallel_loop3A_375, %parallel_loop3A_386 : vector<16xi32>
          tpu.vector_store_idx %arg6[%parallel_loop3A_384], %broadcast_in_dim3A_5 masked %parallel_loop3A_387 {add = true} : memref<8192xi32, #tpu.memory_space<vmem>>[vector<16xi32>], vector<16xi32>, vector<16xi1>
        } {sc.loop_unroll_factor = 16 : i64, sc.parallel_access}
        %while3A_360 = arith.constant 2508 : i32
        %while3A_361 = arith.constant 0 : i32
        %while3A_362 = arith.constant -1 : i32
        %while3A_363 = arith.constant 0 : i32
        %while3A_364:3 = scf.while (%while3A_370 = %while3A_361, %while3A_371 = %while3A_362, %while3A_372 = %while3A_363) : (i32, i32, i32) -> (i32, i32, i32) {
          %lt3A_373 = arith.constant 0 : i32
          %lt3A_374 = arith.cmpi slt, %while3A_371, %lt3A_373 : i32
          %lt3A_375 = arith.constant 64 : i32
          %lt3A_376 = arith.cmpi slt, %while3A_370, %lt3A_375 : i32
          %and3A = arith.andi %lt3A_374, %lt3A_376 : i1
          scf.condition(%and3A) %while3A_370, %while3A_371, %while3A_372 : i32, i32, i32
        } do {
        ^bb0(%while3A_370: i32, %while3A_371: i32, %while3A_372: i32):
          %mul3A_373 = arith.constant 8 : i32
          %mul3A_374 = arith.muli %while3A_370, %mul3A_373 : i32
          %add3A_375 = arith.constant 0 : i32
          %add3A_376 = arith.addi %mul3A_374, %add3A_375 : i32
          %mul3A_377 = arith.constant 16 : i32
          %mul3A_378 = arith.muli %add3A_376, %mul3A_377 : i32
          %get3A = arith.index_cast %mul3A_378 : i32 to index
          %get3A_379 = tpu.vector_load %arg6[%get3A] {strides = array<i32>} : memref<8192xi32, #tpu.memory_space<vmem>>, vector<16xi32>,
          %reduce_sum3A = arith.constant true
          %reduce_sum3A_380 = vector.broadcast %reduce_sum3A : i1 to vector<16xi1>
          %reduce_sum3A_381 = tpu.scan <sum>, %get3A_379 masked %reduce_sum3A_380 : vector<16xi32>, vector<16xi1> -> vector<16xi32>
          %reduce_sum3A_382 = vector.extract %reduce_sum3A_381[15] : i32 from vector<16xi32>
          %add3A_383 = arith.constant 0 : i32
          %add3A_384 = arith.addi %add3A_383, %reduce_sum3A_382 : i32
          %mul3A_385 = arith.constant 8 : i32
          %mul3A_386 = arith.muli %while3A_370, %mul3A_385 : i32
          %add3A_387 = arith.constant 1 : i32
          %add3A_388 = arith.addi %mul3A_386, %add3A_387 : i32
          %mul3A_389 = arith.constant 16 : i32
          %mul3A_390 = arith.muli %add3A_388, %mul3A_389 : i32
          %get3A_391 = arith.index_cast %mul3A_390 : i32 to index
          %get3A_392 = tpu.vector_load %arg6[%get3A_391] {strides = array<i32>} : memref<8192xi32, #tpu.memory_space<vmem>>, vector<16xi32>,
          %reduce_sum3A_393 = arith.constant true
          %reduce_sum3A_394 = vector.broadcast %reduce_sum3A_393 : i1 to vector<16xi1>
          %reduce_sum3A_395 = tpu.scan <sum>, %get3A_392 masked %reduce_sum3A_394 : vector<16xi32>, vector<16xi1> -> vector<16xi32>
          %reduce_sum3A_396 = vector.extract %reduce_sum3A_395[15] : i32 from vector<16xi32>
          %add3A_397 = arith.addi %add3A_384, %reduce_sum3A_396 : i32
          %mul3A_398 = arith.constant 8 : i32
          %mul3A_399 = arith.muli %while3A_370, %mul3A_398 : i32
          %add3A_400 = arith.constant 2 : i32
          %add3A_401 = arith.addi %mul3A_399, %add3A_400 : i32
          %mul3A_402 = arith.constant 16 : i32
          %mul3A_403 = arith.muli %add3A_401, %mul3A_402 : i32
          %get3A_404 = arith.index_cast %mul3A_403 : i32 to index
          %get3A_405 = tpu.vector_load %arg6[%get3A_404] {strides = array<i32>} : memref<8192xi32, #tpu.memory_space<vmem>>, vector<16xi32>,
          %reduce_sum3A_406 = arith.constant true
          %reduce_sum3A_407 = vector.broadcast %reduce_sum3A_406 : i1 to vector<16xi1>
          %reduce_sum3A_408 = tpu.scan <sum>, %get3A_405 masked %reduce_sum3A_407 : vector<16xi32>, vector<16xi1> -> vector<16xi32>
          %reduce_sum3A_409 = vector.extract %reduce_sum3A_408[15] : i32 from vector<16xi32>
          %add3A_410 = arith.addi %add3A_397, %reduce_sum3A_409 : i32
          %mul3A_411 = arith.constant 8 : i32
          %mul3A_412 = arith.muli %while3A_370, %mul3A_411 : i32
          %add3A_413 = arith.constant 3 : i32
          %add3A_414 = arith.addi %mul3A_412, %add3A_413 : i32
          %mul3A_415 = arith.constant 16 : i32
          %mul3A_416 = arith.muli %add3A_414, %mul3A_415 : i32
          %get3A_417 = arith.index_cast %mul3A_416 : i32 to index
          %get3A_418 = tpu.vector_load %arg6[%get3A_417] {strides = array<i32>} : memref<8192xi32, #tpu.memory_space<vmem>>, vector<16xi32>,
          %reduce_sum3A_419 = arith.constant true
          %reduce_sum3A_420 = vector.broadcast %reduce_sum3A_419 : i1 to vector<16xi1>
          %reduce_sum3A_421 = tpu.scan <sum>, %get3A_418 masked %reduce_sum3A_420 : vector<16xi32>, vector<16xi1> -> vector<16xi32>
          %reduce_sum3A_422 = vector.extract %reduce_sum3A_421[15] : i32 from vector<16xi32>
          %add3A_423 = arith.addi %add3A_410, %reduce_sum3A_422 : i32
          %mul3A_424 = arith.constant 8 : i32
          %mul3A_425 = arith.muli %while3A_370, %mul3A_424 : i32
          %add3A_426 = arith.constant 4 : i32
          %add3A_427 = arith.addi %mul3A_425, %add3A_426 : i32
          %mul3A_428 = arith.constant 16 : i32
          %mul3A_429 = arith.muli %add3A_427, %mul3A_428 : i32
          %get3A_430 = arith.index_cast %mul3A_429 : i32 to index
          %get3A_431 = tpu.vector_load %arg6[%get3A_430] {strides = array<i32>} : memref<8192xi32, #tpu.memory_space<vmem>>, vector<16xi32>,
          %reduce_sum3A_432 = arith.constant true
          %reduce_sum3A_433 = vector.broadcast %reduce_sum3A_432 : i1 to vector<16xi1>
          %reduce_sum3A_434 = tpu.scan <sum>, %get3A_431 masked %reduce_sum3A_433 : vector<16xi32>, vector<16xi1> -> vector<16xi32>
          %reduce_sum3A_435 = vector.extract %reduce_sum3A_434[15] : i32 from vector<16xi32>
          %add3A_436 = arith.addi %add3A_423, %reduce_sum3A_435 : i32
          %mul3A_437 = arith.constant 8 : i32
          %mul3A_438 = arith.muli %while3A_370, %mul3A_437 : i32
          %add3A_439 = arith.constant 5 : i32
          %add3A_440 = arith.addi %mul3A_438, %add3A_439 : i32
          %mul3A_441 = arith.constant 16 : i32
          %mul3A_442 = arith.muli %add3A_440, %mul3A_441 : i32
          %get3A_443 = arith.index_cast %mul3A_442 : i32 to index
          %get3A_444 = tpu.vector_load %arg6[%get3A_443] {strides = array<i32>} : memref<8192xi32, #tpu.memory_space<vmem>>, vector<16xi32>,
          %reduce_sum3A_445 = arith.constant true
          %reduce_sum3A_446 = vector.broadcast %reduce_sum3A_445 : i1 to vector<16xi1>
          %reduce_sum3A_447 = tpu.scan <sum>, %get3A_444 masked %reduce_sum3A_446 : vector<16xi32>, vector<16xi1> -> vector<16xi32>
          %reduce_sum3A_448 = vector.extract %reduce_sum3A_447[15] : i32 from vector<16xi32>
          %add3A_449 = arith.addi %add3A_436, %reduce_sum3A_448 : i32
          %mul3A_450 = arith.constant 8 : i32
          %mul3A_451 = arith.muli %while3A_370, %mul3A_450 : i32
          %add3A_452 = arith.constant 6 : i32
          %add3A_453 = arith.addi %mul3A_451, %add3A_452 : i32
          %mul3A_454 = arith.constant 16 : i32
          %mul3A_455 = arith.muli %add3A_453, %mul3A_454 : i32
          %get3A_456 = arith.index_cast %mul3A_455 : i32 to index
          %get3A_457 = tpu.vector_load %arg6[%get3A_456] {strides = array<i32>} : memref<8192xi32, #tpu.memory_space<vmem>>, vector<16xi32>,
          %reduce_sum3A_458 = arith.constant true
          %reduce_sum3A_459 = vector.broadcast %reduce_sum3A_458 : i1 to vector<16xi1>
          %reduce_sum3A_460 = tpu.scan <sum>, %get3A_457 masked %reduce_sum3A_459 : vector<16xi32>, vector<16xi1> -> vector<16xi32>
          %reduce_sum3A_461 = vector.extract %reduce_sum3A_460[15] : i32 from vector<16xi32>
          %add3A_462 = arith.addi %add3A_449, %reduce_sum3A_461 : i32
          %mul3A_463 = arith.constant 8 : i32
          %mul3A_464 = arith.muli %while3A_370, %mul3A_463 : i32
          %add3A_465 = arith.constant 7 : i32
          %add3A_466 = arith.addi %mul3A_464, %add3A_465 : i32
          %mul3A_467 = arith.constant 16 : i32
          %mul3A_468 = arith.muli %add3A_466, %mul3A_467 : i32
          %get3A_469 = arith.index_cast %mul3A_468 : i32 to index
          %get3A_470 = tpu.vector_load %arg6[%get3A_469] {strides = array<i32>} : memref<8192xi32, #tpu.memory_space<vmem>>, vector<16xi32>,
          %reduce_sum3A_471 = arith.constant true
          %reduce_sum3A_472 = vector.broadcast %reduce_sum3A_471 : i1 to vector<16xi1>
          %reduce_sum3A_473 = tpu.scan <sum>, %get3A_470 masked %reduce_sum3A_472 : vector<16xi32>, vector<16xi1> -> vector<16xi32>
          %reduce_sum3A_474 = vector.extract %reduce_sum3A_473[15] : i32 from vector<16xi32>
          %add3A_475 = arith.addi %add3A_462, %reduce_sum3A_474 : i32
          %add3A_476 = arith.addi %while3A_372, %add3A_475 : i32
          %ge3A_477 = arith.cmpi sge, %add3A_476, %while3A_360 : i32
          %jit3A_478 = arith.constant -1 : i32
          %select_n3A_479 = arith.select %ge3A_477, %while3A_370, %jit3A_478 : i32
          %add3A_480 = arith.constant 1 : i32
          %add3A_481 = arith.addi %while3A_370, %add3A_480 : i32
          %add3A_482 = arith.addi %while3A_372, %add3A_475 : i32
          %select_n3A_483 = arith.select %ge3A_477, %while3A_372, %add3A_482 : i32
          scf.yield %add3A_481, %select_n3A_479, %select_n3A_483 : i32, i32, i32
        }
        %while3A_365 = arith.constant 2508 : i32
        %while3A_366 = arith.constant 0 : i32
        %while3A_367 = arith.constant -1 : i32
        %while3A_368 = arith.constant 0 : i32
        %while3A_369:4 = scf.while (%while3A_370 = %while3A_366, %while3A_371 = %while3A_367, %while3A_372 = %while3A_368, %while3A_373 = %while3A_364#2) : (i32, i32, i32, i32) -> (i32, i32, i32, i32) {
          %lt3A_374 = arith.constant 0 : i32
          %lt3A_375 = arith.cmpi slt, %while3A_371, %lt3A_374 : i32
          %lt3A_376 = arith.constant 8 : i32
          %lt3A_377 = arith.cmpi slt, %while3A_370, %lt3A_376 : i32
          %and3A = arith.andi %lt3A_375, %lt3A_377 : i1
          scf.condition(%and3A) %while3A_370, %while3A_371, %while3A_372, %while3A_373 : i32, i32, i32, i32
        } do {
        ^bb0(%while3A_370: i32, %while3A_371: i32, %while3A_372: i32, %while3A_373: i32):
          %mul3A_374 = arith.constant 8 : i32
          %mul3A_375 = arith.muli %while3A_364#1, %mul3A_374 : i32
          %add3A_376 = arith.addi %mul3A_375, %while3A_370 : i32
          %mul3A_377 = arith.constant 16 : i32
          %mul3A_378 = arith.muli %add3A_376, %mul3A_377 : i32
          %get3A = arith.index_cast %mul3A_378 : i32 to index
          %get3A_379 = tpu.vector_load %arg6[%get3A] {strides = array<i32>} : memref<8192xi32, #tpu.memory_space<vmem>>, vector<16xi32>,
          %reduce_sum3A = arith.constant true
          %reduce_sum3A_380 = vector.broadcast %reduce_sum3A : i1 to vector<16xi1>
          %reduce_sum3A_381 = tpu.scan <sum>, %get3A_379 masked %reduce_sum3A_380 : vector<16xi32>, vector<16xi1> -> vector<16xi32>
          %reduce_sum3A_382 = vector.extract %reduce_sum3A_381[15] : i32 from vector<16xi32>
          %broadcast_in_dim3A_383 = arith.constant true
          %broadcast_in_dim3A_384 = vector.broadcast %broadcast_in_dim3A_383 : i1 to vector<16xi1>
          %masked_cumsum3A = tpu.scan <sum>, %get3A_379 masked %broadcast_in_dim3A_384 : vector<16xi32>, vector<16xi1> -> vector<16xi32>
          %sub3A_385 = arith.subi %while3A_365, %while3A_373 : i32
          %add3A_386 = arith.addi %while3A_373, %reduce_sum3A_382 : i32
          %ge3A_387 = arith.cmpi sge, %add3A_386, %while3A_365 : i32
          %lt3A_388 = vector.broadcast %sub3A_385 : i32 to vector<16xi32>
          %lt3A_389 = arith.cmpi slt, %masked_cumsum3A, %lt3A_388 : vector<16xi32>
          %jit3A_390 = arith.constant 1 : i32
          %jit3A_391 = arith.constant 0 : i32
          %broadcast_in_dim3A_392 = vector.broadcast %jit3A_390 : i32 to vector<16xi32>
          %broadcast_in_dim3A_393 = vector.broadcast %jit3A_391 : i32 to vector<16xi32>
          %select_n3A_394 = arith.select %lt3A_389, %broadcast_in_dim3A_392, %broadcast_in_dim3A_393 : vector<16xi1>, vector<16xi32>
          %reduce_sum3A_395 = arith.constant true
          %reduce_sum3A_396 = vector.broadcast %reduce_sum3A_395 : i1 to vector<16xi1>
          %reduce_sum3A_397 = tpu.scan <sum>, %select_n3A_394 masked %reduce_sum3A_396 : vector<16xi32>, vector<16xi1> -> vector<16xi32>
          %reduce_sum3A_398 = vector.extract %reduce_sum3A_397[15] : i32 from vector<16xi32>
          %lt3A_399 = vector.broadcast %sub3A_385 : i32 to vector<16xi32>
          %lt3A_400 = arith.cmpi slt, %masked_cumsum3A, %lt3A_399 : vector<16xi32>
          %jit3A_401 = arith.constant 0 : i32
          %broadcast_in_dim3A_402 = vector.broadcast %jit3A_401 : i32 to vector<16xi32>
          %select_n3A_403 = arith.select %lt3A_400, %get3A_379, %broadcast_in_dim3A_402 : vector<16xi1>, vector<16xi32>
          %reduce_sum3A_404 = arith.constant true
          %reduce_sum3A_405 = vector.broadcast %reduce_sum3A_404 : i1 to vector<16xi1>
          %reduce_sum3A_406 = tpu.scan <sum>, %select_n3A_403 masked %reduce_sum3A_405 : vector<16xi32>, vector<16xi1> -> vector<16xi32>
          %reduce_sum3A_407 = vector.extract %reduce_sum3A_406[15] : i32 from vector<16xi32>
          %mul3A_408 = arith.constant 8 : i32
          %mul3A_409 = arith.muli %while3A_364#1, %mul3A_408 : i32
          %add3A_410 = arith.addi %mul3A_409, %while3A_370 : i32
          %mul3A_411 = arith.constant 16 : i32
          %mul3A_412 = arith.muli %add3A_410, %mul3A_411 : i32
          %add3A_413 = arith.addi %mul3A_412, %reduce_sum3A_398 : i32
          %jit3A_414 = arith.constant -1 : i32
          %select_n3A_415 = arith.select %ge3A_387, %add3A_413, %jit3A_414 : i32
          %add3A_416 = arith.addi %while3A_373, %reduce_sum3A_407 : i32
          %jit3A_417 = arith.constant 0 : i32
          %select_n3A_418 = arith.select %ge3A_387, %add3A_416, %jit3A_417 : i32
          %add3A_419 = arith.constant 1 : i32
          %add3A_420 = arith.addi %while3A_370, %add3A_419 : i32
          %add3A_421 = arith.addi %while3A_373, %reduce_sum3A_382 : i32
          scf.yield %add3A_420, %select_n3A_415, %select_n3A_418, %add3A_421 : i32, i32, i32, i32
        }
        scf.yield %while3A_369#1, %while3A_369#2 : i32, i32
      } else {
        scf.yield %while3A_96#1, %while3A_96#2 : i32, i32
      }
      %convert_element_type3A_101 = arith.extui %ge3A_60 : i1 to i32
      %cond3A_102 = arith.constant 0 : i32
      %cond3A_103 = arith.cmpi ne, %convert_element_type3A_101, %cond3A_102 : i32
      scf.if %cond3A_103 {
        %dma_wait3A_357 = arith.constant 0 : i32
        %dma_wait3A_358 = tpu.memref_slice %arg5[%dma_wait3A_357] : memref<50176xf32, #tpu.memory_space<vmem>> -> memref<25088xf32, #tpu.memory_space<vmem>>
        %dma_wait3A_359 = arith.constant 0 : i32
        %dma_wait3A_360 = tpu.memref_slice %arg3[%sub3A_57, %dma_wait3A_359] : memref<1536x50176xf32, #tpu.memory_space<hbm>> -> memref<1x25088xf32, #tpu.memory_space<hbm>>
        %dma_wait3A_361 = tpu.memref_squeeze %dma_wait3A_360 : memref<1x25088xf32, #tpu.memory_space<hbm>> -> memref<25088xf32, #tpu.memory_space<hbm>>
        %dma_wait3A_362 = arith.constant 0 : i32
        %dma_wait3A_363 = tpu.memref_slice %arg3[%sub3A_57, %dma_wait3A_362] : memref<1536x50176xf32, #tpu.memory_space<hbm>> -> memref<1x25088xf32, #tpu.memory_space<hbm>>
        %dma_wait3A_364 = tpu.memref_squeeze %dma_wait3A_363 : memref<1x25088xf32, #tpu.memory_space<hbm>> -> memref<25088xf32, #tpu.memory_space<hbm>>
        %dma_wait3A_365 = arith.constant 0 : i32
        %dma_wait3A_366 = tpu.memref_slice %arg5[%dma_wait3A_365] : memref<50176xf32, #tpu.memory_space<vmem>> -> memref<25088xf32, #tpu.memory_space<vmem>>
        tpu.wait_dma2 semaphore(%arg14 : memref<!tpu.dma_semaphore, #tpu.memory_space<semaphore_mem>>) src(%dma_wait3A_366 : memref<25088xf32, #tpu.memory_space<vmem>>) dst(%dma_wait3A_364 : memref<25088xf32, #tpu.memory_space<hbm>>)
        %dma_wait3A_367 = arith.constant 25088 : i32
        %dma_wait3A_368 = tpu.memref_slice %arg5[%dma_wait3A_367] : memref<50176xf32, #tpu.memory_space<vmem>> -> memref<25088xf32, #tpu.memory_space<vmem>>
        %dma_wait3A_369 = arith.constant 25088 : i32
        %dma_wait3A_370 = tpu.memref_slice %arg3[%sub3A_57, %dma_wait3A_369] : memref<1536x50176xf32, #tpu.memory_space<hbm>> -> memref<1x25088xf32, #tpu.memory_space<hbm>>
        %dma_wait3A_371 = tpu.memref_squeeze %dma_wait3A_370 : memref<1x25088xf32, #tpu.memory_space<hbm>> -> memref<25088xf32, #tpu.memory_space<hbm>>
        %dma_wait3A_372 = arith.constant 25088 : i32
        %dma_wait3A_373 = tpu.memref_slice %arg3[%sub3A_57, %dma_wait3A_372] : memref<1536x50176xf32, #tpu.memory_space<hbm>> -> memref<1x25088xf32, #tpu.memory_space<hbm>>
        %dma_wait3A_374 = tpu.memref_squeeze %dma_wait3A_373 : memref<1x25088xf32, #tpu.memory_space<hbm>> -> memref<25088xf32, #tpu.memory_space<hbm>>
        %dma_wait3A_375 = arith.constant 25088 : i32
        %dma_wait3A_376 = tpu.memref_slice %arg5[%dma_wait3A_375] : memref<50176xf32, #tpu.memory_space<vmem>> -> memref<25088xf32, #tpu.memory_space<vmem>>
        tpu.wait_dma2 semaphore(%arg14 : memref<!tpu.dma_semaphore, #tpu.memory_space<semaphore_mem>>) src(%dma_wait3A_376 : memref<25088xf32, #tpu.memory_space<vmem>>) dst(%dma_wait3A_374 : memref<25088xf32, #tpu.memory_space<hbm>>)
      } else {
      }
      %convert_element_type3A_104 = arith.extui %ge3A_62 : i1 to i32
      %cond3A_105 = arith.constant 0 : i32
      %cond3A_106 = arith.cmpi ne, %convert_element_type3A_104, %cond3A_105 : i32
      scf.if %cond3A_106 {
        %dma_start3A_357 = arith.constant 0 : i32
        %dma_start3A_358 = tpu.memref_slice %arg5[%dma_start3A_357] : memref<50176xf32, #tpu.memory_space<vmem>> -> memref<25088xf32, #tpu.memory_space<vmem>>
        %dma_start3A_359 = arith.constant 0 : i32
        %dma_start3A_360 = tpu.memref_slice %arg2[%add3A_59, %dma_start3A_359] : memref<1536x50176xf32, #tpu.memory_space<hbm>> -> memref<1x25088xf32, #tpu.memory_space<hbm>>
        %dma_start3A_361 = tpu.memref_squeeze %dma_start3A_360 : memref<1x25088xf32, #tpu.memory_space<hbm>> -> memref<25088xf32, #tpu.memory_space<hbm>>
        %dma_start3A_362 = arith.constant 0 : i32
        %dma_start3A_363 = tpu.memref_slice %arg5[%dma_start3A_362] : memref<50176xf32, #tpu.memory_space<vmem>> -> memref<25088xf32, #tpu.memory_space<vmem>>
        %dma_start3A_364 = arith.constant 0 : i32
        %dma_start3A_365 = tpu.memref_slice %arg2[%add3A_59, %dma_start3A_364] : memref<1536x50176xf32, #tpu.memory_space<hbm>> -> memref<1x25088xf32, #tpu.memory_space<hbm>>
        %dma_start3A_366 = tpu.memref_squeeze %dma_start3A_365 : memref<1x25088xf32, #tpu.memory_space<hbm>> -> memref<25088xf32, #tpu.memory_space<hbm>>
        tpu.enqueue_dma source(%dma_start3A_366 : memref<25088xf32, #tpu.memory_space<hbm>>) target(%dma_start3A_363 : memref<25088xf32, #tpu.memory_space<vmem>>) target_semaphore(%arg12 : memref<!tpu.dma_semaphore, #tpu.memory_space<semaphore_mem>>)
        %dma_start3A_367 = arith.constant 25088 : i32
        %dma_start3A_368 = tpu.memref_slice %arg5[%dma_start3A_367] : memref<50176xf32, #tpu.memory_space<vmem>> -> memref<25088xf32, #tpu.memory_space<vmem>>
        %dma_start3A_369 = arith.constant 25088 : i32
        %dma_start3A_370 = tpu.memref_slice %arg2[%add3A_59, %dma_start3A_369] : memref<1536x50176xf32, #tpu.memory_space<hbm>> -> memref<1x25088xf32, #tpu.memory_space<hbm>>
        %dma_start3A_371 = tpu.memref_squeeze %dma_start3A_370 : memref<1x25088xf32, #tpu.memory_space<hbm>> -> memref<25088xf32, #tpu.memory_space<hbm>>
        %dma_start3A_372 = arith.constant 25088 : i32
        %dma_start3A_373 = tpu.memref_slice %arg5[%dma_start3A_372] : memref<50176xf32, #tpu.memory_space<vmem>> -> memref<25088xf32, #tpu.memory_space<vmem>>
        %dma_start3A_374 = arith.constant 25088 : i32
        %dma_start3A_375 = tpu.memref_slice %arg2[%add3A_59, %dma_start3A_374] : memref<1536x50176xf32, #tpu.memory_space<hbm>> -> memref<1x25088xf32, #tpu.memory_space<hbm>>
        %dma_start3A_376 = tpu.memref_squeeze %dma_start3A_375 : memref<1x25088xf32, #tpu.memory_space<hbm>> -> memref<25088xf32, #tpu.memory_space<hbm>>
        tpu.enqueue_dma source(%dma_start3A_376 : memref<25088xf32, #tpu.memory_space<hbm>>) target(%dma_start3A_373 : memref<25088xf32, #tpu.memory_space<vmem>>) target_semaphore(%arg12 : memref<!tpu.dma_semaphore, #tpu.memory_space<semaphore_mem>>)
      } else {
      }
      %parallel_loop3A_107 = arith.constant 0 : i32
      %parallel_loop3A_108 = arith.constant 512 : i32
      %parallel_loop3A_109 = arith.constant 1 : i32
      scf.for %parallel_loop3A_357 = %parallel_loop3A_107 to %parallel_loop3A_108 step %parallel_loop3A_109  : i32 {
        %parallel_loop3A_358 = arith.constant 16 : i32
        %parallel_loop3A_359 = arith.muli %parallel_loop3A_357, %parallel_loop3A_358 : i32
        %parallel_loop3A_360 = arith.index_cast %parallel_loop3A_359 : i32 to index
        %parallel_loop3A_361 = tpu.vector_load %arg6[%parallel_loop3A_360] {strides = array<i32>} : memref<8192xi32, #tpu.memory_space<vmem>>, vector<16xi32>,
        tpu.vector_store %arg6[%parallel_loop3A_360], %broadcast_in_dim3A_3 {strides = array<i32>} : memref<8192xi32, #tpu.memory_space<vmem>>, vector<16xi32>,
      } {sc.loop_unroll_factor = 16 : i64, sc.parallel_access}
      %sub3A_110 = arith.constant 4095 : i32
      %sub3A_111 = arith.subi %sub3A_110, %cond3A_100#0 : i32
      %shift_left3A = arith.constant 19 : i32
      %shift_left3A_112 = arith.shli %sub3A_111, %shift_left3A : i32
      %broadcast_in_dim3A_113 = vector.broadcast %shift_left3A_112 : i32 to vector<16xi32>
      %ge3A_114 = arith.constant 0 : i32
      %ge3A_115 = vector.broadcast %ge3A_114 : i32 to vector<16xi32>
      %ge3A_116 = arith.cmpi sge, %broadcast_in_dim3A_113, %ge3A_115 : vector<16xi32>
      %xor3A = arith.constant 2147483647 : i32
      %xor3A_117 = vector.broadcast %xor3A : i32 to vector<16xi32>
      %xor3A_118 = arith.xori %broadcast_in_dim3A_113, %xor3A_117 : vector<16xi32>
      %select_n3A = arith.select %ge3A_116, %broadcast_in_dim3A_113, %xor3A_118 : vector<16xi1>, vector<16xi32>
      %bitcast_convert_type3A = tpu.bitcast %select_n3A : vector<16xi32> -> vector<16xf32>
      %swap3A = arith.constant 0 : index
      %swap3A_119 = tpu.vector_load %arg7[%swap3A] {strides = array<i32>} : memref<16xf32, #tpu.memory_space<vmem>>, vector<16xf32>,
      tpu.vector_store %arg7[%swap3A], %bitcast_convert_type3A {strides = array<i32>} : memref<16xf32, #tpu.memory_space<vmem>>, vector<16xf32>,
      %ge3A_120 = arith.constant 4095 : i32
      %ge3A_121 = arith.cmpi sge, %sub3A_111, %ge3A_120 : i32
      %broadcast_in_dim3A_122 = arith.constant 0x7F800000 : f32
      %broadcast_in_dim3A_123 = vector.broadcast %broadcast_in_dim3A_122 : f32 to vector<16xf32>
      %add3A_124 = arith.constant 1 : i32
      %add3A_125 = arith.addi %sub3A_111, %add3A_124 : i32
      %shift_left3A_126 = arith.constant 19 : i32
      %shift_left3A_127 = arith.shli %add3A_125, %shift_left3A_126 : i32
      %broadcast_in_dim3A_128 = vector.broadcast %shift_left3A_127 : i32 to vector<16xi32>
      %ge3A_129 = arith.constant 0 : i32
      %ge3A_130 = vector.broadcast %ge3A_129 : i32 to vector<16xi32>
      %ge3A_131 = arith.cmpi sge, %broadcast_in_dim3A_128, %ge3A_130 : vector<16xi32>
      %xor3A_132 = arith.constant 2147483647 : i32
      %xor3A_133 = vector.broadcast %xor3A_132 : i32 to vector<16xi32>
      %xor3A_134 = arith.xori %broadcast_in_dim3A_128, %xor3A_133 : vector<16xi32>
      %select_n3A_135 = arith.select %ge3A_131, %broadcast_in_dim3A_128, %xor3A_134 : vector<16xi1>, vector<16xi32>
      %bitcast_convert_type3A_136 = tpu.bitcast %select_n3A_135 : vector<16xi32> -> vector<16xf32>
      %select_n3A_137 = arith.select %ge3A_121, %broadcast_in_dim3A_123, %bitcast_convert_type3A_136 : vector<16xf32>
      %swap3A_138 = arith.constant 0 : index
      %swap3A_139 = tpu.vector_load %arg8[%swap3A_138] {strides = array<i32>} : memref<16xf32, #tpu.memory_space<vmem>>, vector<16xf32>,
      tpu.vector_store %arg8[%swap3A_138], %select_n3A_137 {strides = array<i32>} : memref<16xf32, #tpu.memory_space<vmem>>, vector<16xf32>,
      %lt3A_140 = arith.constant 0 : i32
      %lt3A_141 = arith.cmpi slt, %sub3A_111, %lt3A_140 : i32
      %jit3A = arith.constant 8191 : i32
      %jit3A_142 = arith.constant 0 : i32
      %select_n3A_143 = arith.select %lt3A_141, %jit3A, %jit3A_142 : i32
      %broadcast_in_dim3A_144 = vector.broadcast %select_n3A_143 : i32 to vector<16xi32>
      %swap3A_145 = arith.constant 0 : index
      %swap3A_146 = tpu.vector_load %arg10[%swap3A_145] {strides = array<i32>} : memref<16xi32, #tpu.memory_space<vmem>>, vector<16xi32>,
      tpu.vector_store %arg10[%swap3A_145], %broadcast_in_dim3A_144 {strides = array<i32>} : memref<16xi32, #tpu.memory_space<vmem>>, vector<16xi32>,
      %parallel_loop3A_147 = arith.constant 0 : i32
      %parallel_loop3A_148 = arith.constant 3136 : i32
      %parallel_loop3A_149 = arith.constant 1 : i32
      scf.for %parallel_loop3A_357 = %parallel_loop3A_147 to %parallel_loop3A_148 step %parallel_loop3A_149  : i32 {
        %parallel_loop3A_358 = arith.constant 16 : i32
        %parallel_loop3A_359 = arith.muli %parallel_loop3A_357, %parallel_loop3A_358 : i32
        %parallel_loop3A_360 = arith.index_cast %parallel_loop3A_359 : i32 to index
        %parallel_loop3A_361 = tpu.vector_load %arg4[%parallel_loop3A_360] {strides = array<i32>} : memref<50176xf32, #tpu.memory_space<vmem>>, vector<16xf32>,
        %parallel_loop3A_362 = tpu.bitcast %parallel_loop3A_361 : vector<16xf32> -> vector<16xi32>
        %parallel_loop3A_363 = arith.constant 0 : index
        %parallel_loop3A_364 = tpu.vector_load %arg7[%parallel_loop3A_363] {strides = array<i32>} : memref<16xf32, #tpu.memory_space<vmem>>, vector<16xf32>,
        %parallel_loop3A_365 = arith.cmpf oge, %parallel_loop3A_361, %parallel_loop3A_364 : vector<16xf32>
        %parallel_loop3A_366 = arith.constant 0 : index
        %parallel_loop3A_367 = tpu.vector_load %arg8[%parallel_loop3A_366] {strides = array<i32>} : memref<16xf32, #tpu.memory_space<vmem>>, vector<16xf32>,
        %parallel_loop3A_368 = arith.cmpf olt, %parallel_loop3A_361, %parallel_loop3A_367 : vector<16xf32>
        %parallel_loop3A_369 = arith.andi %parallel_loop3A_365, %parallel_loop3A_368 : vector<16xi1>
        %parallel_loop3A_370 = arith.constant 6 : i32
        %parallel_loop3A_371 = vector.broadcast %parallel_loop3A_370 : i32 to vector<16xi32>
        %parallel_loop3A_372 = arith.shrsi %parallel_loop3A_362, %parallel_loop3A_371 : vector<16xi32>
        %parallel_loop3A_373 = arith.constant 8191 : i32
        %parallel_loop3A_374 = vector.broadcast %parallel_loop3A_373 : i32 to vector<16xi32>
        %parallel_loop3A_375 = arith.andi %parallel_loop3A_372, %parallel_loop3A_374 : vector<16xi32>
        %parallel_loop3A_376 = arith.constant 0 : index
        %parallel_loop3A_377 = tpu.vector_load %arg10[%parallel_loop3A_376] {strides = array<i32>} : memref<16xi32, #tpu.memory_space<vmem>>, vector<16xi32>,
        %parallel_loop3A_378 = arith.xori %parallel_loop3A_375, %parallel_loop3A_377 : vector<16xi32>
        %parallel_loop3A_379 = arith.constant 8191 : i32
        %parallel_loop3A_380 = vector.broadcast %parallel_loop3A_379 : i32 to vector<16xi32>
        %parallel_loop3A_381 = arith.subi %parallel_loop3A_380, %parallel_loop3A_378 : vector<16xi32>
        tpu.vector_store_idx %arg6[%parallel_loop3A_381], %broadcast_in_dim3A_5 masked %parallel_loop3A_369 {add = true} : memref<8192xi32, #tpu.memory_space<vmem>>[vector<16xi32>], vector<16xi32>, vector<16xi1>
      } {sc.loop_unroll_factor = 16 : i64, sc.parallel_access}
      %sub3A_150 = arith.constant 2508 : i32
      %sub3A_151 = arith.subi %sub3A_150, %cond3A_100#1 : i32
      %while3A_152 = arith.constant 0 : i32
      %while3A_153 = arith.constant -1 : i32
      %while3A_154 = arith.constant 0 : i32
      %while3A_155:3 = scf.while (%while3A_357 = %while3A_152, %while3A_358 = %while3A_153, %while3A_359 = %while3A_154) : (i32, i32, i32) -> (i32, i32, i32) {
        %lt3A_360 = arith.constant 0 : i32
        %lt3A_361 = arith.cmpi slt, %while3A_358, %lt3A_360 : i32
        %lt3A_362 = arith.constant 64 : i32
        %lt3A_363 = arith.cmpi slt, %while3A_357, %lt3A_362 : i32
        %and3A = arith.andi %lt3A_361, %lt3A_363 : i1
        scf.condition(%and3A) %while3A_357, %while3A_358, %while3A_359 : i32, i32, i32
      } do {
      ^bb0(%while3A_357: i32, %while3A_358: i32, %while3A_359: i32):
        %mul3A_360 = arith.constant 8 : i32
        %mul3A_361 = arith.muli %while3A_357, %mul3A_360 : i32
        %add3A_362 = arith.constant 0 : i32
        %add3A_363 = arith.addi %mul3A_361, %add3A_362 : i32
        %mul3A_364 = arith.constant 16 : i32
        %mul3A_365 = arith.muli %add3A_363, %mul3A_364 : i32
        %get3A = arith.index_cast %mul3A_365 : i32 to index
        %get3A_366 = tpu.vector_load %arg6[%get3A] {strides = array<i32>} : memref<8192xi32, #tpu.memory_space<vmem>>, vector<16xi32>,
        %reduce_sum3A = arith.constant true
        %reduce_sum3A_367 = vector.broadcast %reduce_sum3A : i1 to vector<16xi1>
        %reduce_sum3A_368 = tpu.scan <sum>, %get3A_366 masked %reduce_sum3A_367 : vector<16xi32>, vector<16xi1> -> vector<16xi32>
        %reduce_sum3A_369 = vector.extract %reduce_sum3A_368[15] : i32 from vector<16xi32>
        %add3A_370 = arith.constant 0 : i32
        %add3A_371 = arith.addi %add3A_370, %reduce_sum3A_369 : i32
        %mul3A_372 = arith.constant 8 : i32
        %mul3A_373 = arith.muli %while3A_357, %mul3A_372 : i32
        %add3A_374 = arith.constant 1 : i32
        %add3A_375 = arith.addi %mul3A_373, %add3A_374 : i32
        %mul3A_376 = arith.constant 16 : i32
        %mul3A_377 = arith.muli %add3A_375, %mul3A_376 : i32
        %get3A_378 = arith.index_cast %mul3A_377 : i32 to index
        %get3A_379 = tpu.vector_load %arg6[%get3A_378] {strides = array<i32>} : memref<8192xi32, #tpu.memory_space<vmem>>, vector<16xi32>,
        %reduce_sum3A_380 = arith.constant true
        %reduce_sum3A_381 = vector.broadcast %reduce_sum3A_380 : i1 to vector<16xi1>
        %reduce_sum3A_382 = tpu.scan <sum>, %get3A_379 masked %reduce_sum3A_381 : vector<16xi32>, vector<16xi1> -> vector<16xi32>
        %reduce_sum3A_383 = vector.extract %reduce_sum3A_382[15] : i32 from vector<16xi32>
        %add3A_384 = arith.addi %add3A_371, %reduce_sum3A_383 : i32
        %mul3A_385 = arith.constant 8 : i32
        %mul3A_386 = arith.muli %while3A_357, %mul3A_385 : i32
        %add3A_387 = arith.constant 2 : i32
        %add3A_388 = arith.addi %mul3A_386, %add3A_387 : i32
        %mul3A_389 = arith.constant 16 : i32
        %mul3A_390 = arith.muli %add3A_388, %mul3A_389 : i32
        %get3A_391 = arith.index_cast %mul3A_390 : i32 to index
        %get3A_392 = tpu.vector_load %arg6[%get3A_391] {strides = array<i32>} : memref<8192xi32, #tpu.memory_space<vmem>>, vector<16xi32>,
        %reduce_sum3A_393 = arith.constant true
        %reduce_sum3A_394 = vector.broadcast %reduce_sum3A_393 : i1 to vector<16xi1>
        %reduce_sum3A_395 = tpu.scan <sum>, %get3A_392 masked %reduce_sum3A_394 : vector<16xi32>, vector<16xi1> -> vector<16xi32>
        %reduce_sum3A_396 = vector.extract %reduce_sum3A_395[15] : i32 from vector<16xi32>
        %add3A_397 = arith.addi %add3A_384, %reduce_sum3A_396 : i32
        %mul3A_398 = arith.constant 8 : i32
        %mul3A_399 = arith.muli %while3A_357, %mul3A_398 : i32
        %add3A_400 = arith.constant 3 : i32
        %add3A_401 = arith.addi %mul3A_399, %add3A_400 : i32
        %mul3A_402 = arith.constant 16 : i32
        %mul3A_403 = arith.muli %add3A_401, %mul3A_402 : i32
        %get3A_404 = arith.index_cast %mul3A_403 : i32 to index
        %get3A_405 = tpu.vector_load %arg6[%get3A_404] {strides = array<i32>} : memref<8192xi32, #tpu.memory_space<vmem>>, vector<16xi32>,
        %reduce_sum3A_406 = arith.constant true
        %reduce_sum3A_407 = vector.broadcast %reduce_sum3A_406 : i1 to vector<16xi1>
        %reduce_sum3A_408 = tpu.scan <sum>, %get3A_405 masked %reduce_sum3A_407 : vector<16xi32>, vector<16xi1> -> vector<16xi32>
        %reduce_sum3A_409 = vector.extract %reduce_sum3A_408[15] : i32 from vector<16xi32>
        %add3A_410 = arith.addi %add3A_397, %reduce_sum3A_409 : i32
        %mul3A_411 = arith.constant 8 : i32
        %mul3A_412 = arith.muli %while3A_357, %mul3A_411 : i32
        %add3A_413 = arith.constant 4 : i32
        %add3A_414 = arith.addi %mul3A_412, %add3A_413 : i32
        %mul3A_415 = arith.constant 16 : i32
        %mul3A_416 = arith.muli %add3A_414, %mul3A_415 : i32
        %get3A_417 = arith.index_cast %mul3A_416 : i32 to index
        %get3A_418 = tpu.vector_load %arg6[%get3A_417] {strides = array<i32>} : memref<8192xi32, #tpu.memory_space<vmem>>, vector<16xi32>,
        %reduce_sum3A_419 = arith.constant true
        %reduce_sum3A_420 = vector.broadcast %reduce_sum3A_419 : i1 to vector<16xi1>
        %reduce_sum3A_421 = tpu.scan <sum>, %get3A_418 masked %reduce_sum3A_420 : vector<16xi32>, vector<16xi1> -> vector<16xi32>
        %reduce_sum3A_422 = vector.extract %reduce_sum3A_421[15] : i32 from vector<16xi32>
        %add3A_423 = arith.addi %add3A_410, %reduce_sum3A_422 : i32
        %mul3A_424 = arith.constant 8 : i32
        %mul3A_425 = arith.muli %while3A_357, %mul3A_424 : i32
        %add3A_426 = arith.constant 5 : i32
        %add3A_427 = arith.addi %mul3A_425, %add3A_426 : i32
        %mul3A_428 = arith.constant 16 : i32
        %mul3A_429 = arith.muli %add3A_427, %mul3A_428 : i32
        %get3A_430 = arith.index_cast %mul3A_429 : i32 to index
        %get3A_431 = tpu.vector_load %arg6[%get3A_430] {strides = array<i32>} : memref<8192xi32, #tpu.memory_space<vmem>>, vector<16xi32>,
        %reduce_sum3A_432 = arith.constant true
        %reduce_sum3A_433 = vector.broadcast %reduce_sum3A_432 : i1 to vector<16xi1>
        %reduce_sum3A_434 = tpu.scan <sum>, %get3A_431 masked %reduce_sum3A_433 : vector<16xi32>, vector<16xi1> -> vector<16xi32>
        %reduce_sum3A_435 = vector.extract %reduce_sum3A_434[15] : i32 from vector<16xi32>
        %add3A_436 = arith.addi %add3A_423, %reduce_sum3A_435 : i32
        %mul3A_437 = arith.constant 8 : i32
        %mul3A_438 = arith.muli %while3A_357, %mul3A_437 : i32
        %add3A_439 = arith.constant 6 : i32
        %add3A_440 = arith.addi %mul3A_438, %add3A_439 : i32
        %mul3A_441 = arith.constant 16 : i32
        %mul3A_442 = arith.muli %add3A_440, %mul3A_441 : i32
        %get3A_443 = arith.index_cast %mul3A_442 : i32 to index
        %get3A_444 = tpu.vector_load %arg6[%get3A_443] {strides = array<i32>} : memref<8192xi32, #tpu.memory_space<vmem>>, vector<16xi32>,
        %reduce_sum3A_445 = arith.constant true
        %reduce_sum3A_446 = vector.broadcast %reduce_sum3A_445 : i1 to vector<16xi1>
        %reduce_sum3A_447 = tpu.scan <sum>, %get3A_444 masked %reduce_sum3A_446 : vector<16xi32>, vector<16xi1> -> vector<16xi32>
        %reduce_sum3A_448 = vector.extract %reduce_sum3A_447[15] : i32 from vector<16xi32>
        %add3A_449 = arith.addi %add3A_436, %reduce_sum3A_448 : i32
        %mul3A_450 = arith.constant 8 : i32
        %mul3A_451 = arith.muli %while3A_357, %mul3A_450 : i32
        %add3A_452 = arith.constant 7 : i32
        %add3A_453 = arith.addi %mul3A_451, %add3A_452 : i32
        %mul3A_454 = arith.constant 16 : i32
        %mul3A_455 = arith.muli %add3A_453, %mul3A_454 : i32
        %get3A_456 = arith.index_cast %mul3A_455 : i32 to index
        %get3A_457 = tpu.vector_load %arg6[%get3A_456] {strides = array<i32>} : memref<8192xi32, #tpu.memory_space<vmem>>, vector<16xi32>,
        %reduce_sum3A_458 = arith.constant true
        %reduce_sum3A_459 = vector.broadcast %reduce_sum3A_458 : i1 to vector<16xi1>
        %reduce_sum3A_460 = tpu.scan <sum>, %get3A_457 masked %reduce_sum3A_459 : vector<16xi32>, vector<16xi1> -> vector<16xi32>
        %reduce_sum3A_461 = vector.extract %reduce_sum3A_460[15] : i32 from vector<16xi32>
        %add3A_462 = arith.addi %add3A_449, %reduce_sum3A_461 : i32
        %add3A_463 = arith.addi %while3A_359, %add3A_462 : i32
        %ge3A_464 = arith.cmpi sge, %add3A_463, %sub3A_151 : i32
        %jit3A_465 = arith.constant -1 : i32
        %select_n3A_466 = arith.select %ge3A_464, %while3A_357, %jit3A_465 : i32
        %add3A_467 = arith.constant 1 : i32
        %add3A_468 = arith.addi %while3A_357, %add3A_467 : i32
        %add3A_469 = arith.addi %while3A_359, %add3A_462 : i32
        %select_n3A_470 = arith.select %ge3A_464, %while3A_359, %add3A_469 : i32
        scf.yield %add3A_468, %select_n3A_466, %select_n3A_470 : i32, i32, i32
      }
      %while3A_156 = arith.constant 0 : i32
      %while3A_157 = arith.constant -1 : i32
      %while3A_158 = arith.constant 0 : i32
      %while3A_159:4 = scf.while (%while3A_357 = %while3A_156, %while3A_358 = %while3A_157, %while3A_359 = %while3A_158, %while3A_360 = %while3A_155#2) : (i32, i32, i32, i32) -> (i32, i32, i32, i32) {
        %lt3A_361 = arith.constant 0 : i32
        %lt3A_362 = arith.cmpi slt, %while3A_358, %lt3A_361 : i32
        %lt3A_363 = arith.constant 8 : i32
        %lt3A_364 = arith.cmpi slt, %while3A_357, %lt3A_363 : i32
        %and3A = arith.andi %lt3A_362, %lt3A_364 : i1
        scf.condition(%and3A) %while3A_357, %while3A_358, %while3A_359, %while3A_360 : i32, i32, i32, i32
      } do {
      ^bb0(%while3A_357: i32, %while3A_358: i32, %while3A_359: i32, %while3A_360: i32):
        %mul3A_361 = arith.constant 8 : i32
        %mul3A_362 = arith.muli %while3A_155#1, %mul3A_361 : i32
        %add3A_363 = arith.addi %mul3A_362, %while3A_357 : i32
        %mul3A_364 = arith.constant 16 : i32
        %mul3A_365 = arith.muli %add3A_363, %mul3A_364 : i32
        %get3A = arith.index_cast %mul3A_365 : i32 to index
        %get3A_366 = tpu.vector_load %arg6[%get3A] {strides = array<i32>} : memref<8192xi32, #tpu.memory_space<vmem>>, vector<16xi32>,
        %reduce_sum3A = arith.constant true
        %reduce_sum3A_367 = vector.broadcast %reduce_sum3A : i1 to vector<16xi1>
        %reduce_sum3A_368 = tpu.scan <sum>, %get3A_366 masked %reduce_sum3A_367 : vector<16xi32>, vector<16xi1> -> vector<16xi32>
        %reduce_sum3A_369 = vector.extract %reduce_sum3A_368[15] : i32 from vector<16xi32>
        %broadcast_in_dim3A_370 = arith.constant true
        %broadcast_in_dim3A_371 = vector.broadcast %broadcast_in_dim3A_370 : i1 to vector<16xi1>
        %masked_cumsum3A = tpu.scan <sum>, %get3A_366 masked %broadcast_in_dim3A_371 : vector<16xi32>, vector<16xi1> -> vector<16xi32>
        %sub3A_372 = arith.subi %sub3A_151, %while3A_360 : i32
        %add3A_373 = arith.addi %while3A_360, %reduce_sum3A_369 : i32
        %ge3A_374 = arith.cmpi sge, %add3A_373, %sub3A_151 : i32
        %lt3A_375 = vector.broadcast %sub3A_372 : i32 to vector<16xi32>
        %lt3A_376 = arith.cmpi slt, %masked_cumsum3A, %lt3A_375 : vector<16xi32>
        %jit3A_377 = arith.constant 1 : i32
        %jit3A_378 = arith.constant 0 : i32
        %broadcast_in_dim3A_379 = vector.broadcast %jit3A_377 : i32 to vector<16xi32>
        %broadcast_in_dim3A_380 = vector.broadcast %jit3A_378 : i32 to vector<16xi32>
        %select_n3A_381 = arith.select %lt3A_376, %broadcast_in_dim3A_379, %broadcast_in_dim3A_380 : vector<16xi1>, vector<16xi32>
        %reduce_sum3A_382 = arith.constant true
        %reduce_sum3A_383 = vector.broadcast %reduce_sum3A_382 : i1 to vector<16xi1>
        %reduce_sum3A_384 = tpu.scan <sum>, %select_n3A_381 masked %reduce_sum3A_383 : vector<16xi32>, vector<16xi1> -> vector<16xi32>
        %reduce_sum3A_385 = vector.extract %reduce_sum3A_384[15] : i32 from vector<16xi32>
        %lt3A_386 = vector.broadcast %sub3A_372 : i32 to vector<16xi32>
        %lt3A_387 = arith.cmpi slt, %masked_cumsum3A, %lt3A_386 : vector<16xi32>
        %jit3A_388 = arith.constant 0 : i32
        %broadcast_in_dim3A_389 = vector.broadcast %jit3A_388 : i32 to vector<16xi32>
        %select_n3A_390 = arith.select %lt3A_387, %get3A_366, %broadcast_in_dim3A_389 : vector<16xi1>, vector<16xi32>
        %reduce_sum3A_391 = arith.constant true
        %reduce_sum3A_392 = vector.broadcast %reduce_sum3A_391 : i1 to vector<16xi1>
        %reduce_sum3A_393 = tpu.scan <sum>, %select_n3A_390 masked %reduce_sum3A_392 : vector<16xi32>, vector<16xi1> -> vector<16xi32>
        %reduce_sum3A_394 = vector.extract %reduce_sum3A_393[15] : i32 from vector<16xi32>
        %mul3A_395 = arith.constant 8 : i32
        %mul3A_396 = arith.muli %while3A_155#1, %mul3A_395 : i32
        %add3A_397 = arith.addi %mul3A_396, %while3A_357 : i32
        %mul3A_398 = arith.constant 16 : i32
        %mul3A_399 = arith.muli %add3A_397, %mul3A_398 : i32
        %add3A_400 = arith.addi %mul3A_399, %reduce_sum3A_385 : i32
        %jit3A_401 = arith.constant -1 : i32
        %select_n3A_402 = arith.select %ge3A_374, %add3A_400, %jit3A_401 : i32
        %add3A_403 = arith.addi %while3A_360, %reduce_sum3A_394 : i32
        %jit3A_404 = arith.constant 0 : i32
        %select_n3A_405 = arith.select %ge3A_374, %add3A_403, %jit3A_404 : i32
        %add3A_406 = arith.constant 1 : i32
        %add3A_407 = arith.addi %while3A_357, %add3A_406 : i32
        %add3A_408 = arith.addi %while3A_360, %reduce_sum3A_369 : i32
        scf.yield %add3A_407, %select_n3A_402, %select_n3A_405, %add3A_408 : i32, i32, i32, i32
      }
      %shift_left3A_160 = arith.constant 19 : i32
      %shift_left3A_161 = arith.shli %sub3A_111, %shift_left3A_160 : i32
      %sub3A_162 = arith.constant 8191 : i32
      %sub3A_163 = arith.subi %sub3A_162, %while3A_159#1 : i32
      %shift_left3A_164 = arith.constant 6 : i32
      %shift_left3A_165 = arith.shli %sub3A_163, %shift_left3A_164 : i32
      %or3A = arith.ori %shift_left3A_161, %shift_left3A_165 : i32
      %broadcast_in_dim3A_166 = vector.broadcast %or3A : i32 to vector<16xi32>
      %ge3A_167 = arith.constant 0 : i32
      %ge3A_168 = vector.broadcast %ge3A_167 : i32 to vector<16xi32>
      %ge3A_169 = arith.cmpi sge, %broadcast_in_dim3A_166, %ge3A_168 : vector<16xi32>
      %xor3A_170 = arith.constant 2147483647 : i32
      %xor3A_171 = vector.broadcast %xor3A_170 : i32 to vector<16xi32>
      %xor3A_172 = arith.xori %broadcast_in_dim3A_166, %xor3A_171 : vector<16xi32>
      %select_n3A_173 = arith.select %ge3A_169, %broadcast_in_dim3A_166, %xor3A_172 : vector<16xi1>, vector<16xi32>
      %bitcast_convert_type3A_174 = tpu.bitcast %select_n3A_173 : vector<16xi32> -> vector<16xf32>
      %swap3A_175 = arith.constant 0 : index
      %swap3A_176 = tpu.vector_load %arg9[%swap3A_175] {strides = array<i32>} : memref<16xf32, #tpu.memory_space<vmem>>, vector<16xf32>,
      tpu.vector_store %arg9[%swap3A_175], %bitcast_convert_type3A_174 {strides = array<i32>} : memref<16xf32, #tpu.memory_space<vmem>>, vector<16xf32>,
      %parallel_loop3A_177 = arith.constant 0 : i32
      %parallel_loop3A_178 = arith.constant 3136 : i32
      %parallel_loop3A_179 = arith.constant 1 : i32
      scf.for %parallel_loop3A_357 = %parallel_loop3A_177 to %parallel_loop3A_178 step %parallel_loop3A_179  : i32 {
        %parallel_loop3A_358 = arith.constant 16 : i32
        %parallel_loop3A_359 = arith.muli %parallel_loop3A_357, %parallel_loop3A_358 : i32
        %parallel_loop3A_360 = arith.index_cast %parallel_loop3A_359 : i32 to index
        %parallel_loop3A_361 = tpu.vector_load %arg4[%parallel_loop3A_360] {strides = array<i32>} : memref<50176xf32, #tpu.memory_space<vmem>>, vector<16xf32>,
        %parallel_loop3A_362 = arith.constant 0 : index
        %parallel_loop3A_363 = tpu.vector_load %arg9[%parallel_loop3A_362] {strides = array<i32>} : memref<16xf32, #tpu.memory_space<vmem>>, vector<16xf32>,
        %parallel_loop3A_364 = arith.cmpf oge, %parallel_loop3A_361, %parallel_loop3A_363 : vector<16xf32>
        %parallel_loop3A_365 = arith.constant 0.000000e+00 : f32
        %parallel_loop3A_366 = vector.broadcast %parallel_loop3A_365 : f32 to vector<16xf32>
        %parallel_loop3A_367 = arith.select %parallel_loop3A_364, %parallel_loop3A_361, %parallel_loop3A_366 : vector<16xi1>, vector<16xf32>
        %parallel_loop3A_368 = arith.constant 16 : i32
        %parallel_loop3A_369 = arith.muli %parallel_loop3A_357, %parallel_loop3A_368 : i32
        %parallel_loop3A_370 = arith.index_cast %parallel_loop3A_369 : i32 to index
        %parallel_loop3A_371 = tpu.vector_load %arg4[%parallel_loop3A_370] {strides = array<i32>} : memref<50176xf32, #tpu.memory_space<vmem>>, vector<16xf32>,
        tpu.vector_store %arg4[%parallel_loop3A_370], %parallel_loop3A_367 {strides = array<i32>} : memref<50176xf32, #tpu.memory_space<vmem>>, vector<16xf32>,
      } {sc.loop_unroll_factor = 16 : i64, sc.parallel_access}
      %dma_start3A_180 = arith.constant 0 : i32
      %dma_start3A_181 = tpu.memref_slice %arg4[%dma_start3A_180] : memref<50176xf32, #tpu.memory_space<vmem>> -> memref<25088xf32, #tpu.memory_space<vmem>>
      %dma_start3A_182 = arith.constant 0 : i32
      %dma_start3A_183 = tpu.memref_slice %arg3[%add3A_55, %dma_start3A_182] : memref<1536x50176xf32, #tpu.memory_space<hbm>> -> memref<1x25088xf32, #tpu.memory_space<hbm>>
      %dma_start3A_184 = tpu.memref_squeeze %dma_start3A_183 : memref<1x25088xf32, #tpu.memory_space<hbm>> -> memref<25088xf32, #tpu.memory_space<hbm>>
      %dma_start3A_185 = arith.constant 0 : i32
      %dma_start3A_186 = tpu.memref_slice %arg3[%add3A_55, %dma_start3A_185] : memref<1536x50176xf32, #tpu.memory_space<hbm>> -> memref<1x25088xf32, #tpu.memory_space<hbm>>
      %dma_start3A_187 = tpu.memref_squeeze %dma_start3A_186 : memref<1x25088xf32, #tpu.memory_space<hbm>> -> memref<25088xf32, #tpu.memory_space<hbm>>
      %dma_start3A_188 = arith.constant 0 : i32
      %dma_start3A_189 = tpu.memref_slice %arg4[%dma_start3A_188] : memref<50176xf32, #tpu.memory_space<vmem>> -> memref<25088xf32, #tpu.memory_space<vmem>>
      tpu.enqueue_dma source(%dma_start3A_189 : memref<25088xf32, #tpu.memory_space<vmem>>) target(%dma_start3A_187 : memref<25088xf32, #tpu.memory_space<hbm>>) target_semaphore(%arg13 : memref<!tpu.dma_semaphore, #tpu.memory_space<semaphore_mem>>)
      %dma_start3A_190 = arith.constant 25088 : i32
      %dma_start3A_191 = tpu.memref_slice %arg4[%dma_start3A_190] : memref<50176xf32, #tpu.memory_space<vmem>> -> memref<25088xf32, #tpu.memory_space<vmem>>
      %dma_start3A_192 = arith.constant 25088 : i32
      %dma_start3A_193 = tpu.memref_slice %arg3[%add3A_55, %dma_start3A_192] : memref<1536x50176xf32, #tpu.memory_space<hbm>> -> memref<1x25088xf32, #tpu.memory_space<hbm>>
      %dma_start3A_194 = tpu.memref_squeeze %dma_start3A_193 : memref<1x25088xf32, #tpu.memory_space<hbm>> -> memref<25088xf32, #tpu.memory_space<hbm>>
      %dma_start3A_195 = arith.constant 25088 : i32
      %dma_start3A_196 = tpu.memref_slice %arg3[%add3A_55, %dma_start3A_195] : memref<1536x50176xf32, #tpu.memory_space<hbm>> -> memref<1x25088xf32, #tpu.memory_space<hbm>>
      %dma_start3A_197 = tpu.memref_squeeze %dma_start3A_196 : memref<1x25088xf32, #tpu.memory_space<hbm>> -> memref<25088xf32, #tpu.memory_space<hbm>>
      %dma_start3A_198 = arith.constant 25088 : i32
      %dma_start3A_199 = tpu.memref_slice %arg4[%dma_start3A_198] : memref<50176xf32, #tpu.memory_space<vmem>> -> memref<25088xf32, #tpu.memory_space<vmem>>
      tpu.enqueue_dma source(%dma_start3A_199 : memref<25088xf32, #tpu.memory_space<vmem>>) target(%dma_start3A_197 : memref<25088xf32, #tpu.memory_space<hbm>>) target_semaphore(%arg13 : memref<!tpu.dma_semaphore, #tpu.memory_space<semaphore_mem>>)
      %add3A_200 = arith.constant 1 : i32
      %add3A_201 = arith.addi %add3A_55, %add3A_200 : i32
      %add3A_202 = arith.constant 2 : i32
      %add3A_203 = arith.addi %add3A_55, %add3A_202 : i32
      %ge3A_204 = arith.constant 0 : i32
      %ge3A_205 = arith.cmpi sge, %scan3A_52, %ge3A_204 : i32
      %lt3A_206 = arith.constant 23 : i32
      %lt3A_207 = arith.cmpi slt, %scan3A_52, %lt3A_206 : i32
      %dma_wait3A_208 = arith.constant 0 : i32
      %dma_wait3A_209 = tpu.memref_slice %arg5[%dma_wait3A_208] : memref<50176xf32, #tpu.memory_space<vmem>> -> memref<25088xf32, #tpu.memory_space<vmem>>
      %dma_wait3A_210 = arith.constant 0 : i32
      %dma_wait3A_211 = tpu.memref_slice %arg2[%add3A_201, %dma_wait3A_210] : memref<1536x50176xf32, #tpu.memory_space<hbm>> -> memref<1x25088xf32, #tpu.memory_space<hbm>>
      %dma_wait3A_212 = tpu.memref_squeeze %dma_wait3A_211 : memref<1x25088xf32, #tpu.memory_space<hbm>> -> memref<25088xf32, #tpu.memory_space<hbm>>
      %dma_wait3A_213 = arith.constant 0 : i32
      %dma_wait3A_214 = tpu.memref_slice %arg5[%dma_wait3A_213] : memref<50176xf32, #tpu.memory_space<vmem>> -> memref<25088xf32, #tpu.memory_space<vmem>>
      %dma_wait3A_215 = arith.constant 0 : i32
      %dma_wait3A_216 = tpu.memref_slice %arg2[%add3A_201, %dma_wait3A_215] : memref<1536x50176xf32, #tpu.memory_space<hbm>> -> memref<1x25088xf32, #tpu.memory_space<hbm>>
      %dma_wait3A_217 = tpu.memref_squeeze %dma_wait3A_216 : memref<1x25088xf32, #tpu.memory_space<hbm>> -> memref<25088xf32, #tpu.memory_space<hbm>>
      tpu.wait_dma2 semaphore(%arg12 : memref<!tpu.dma_semaphore, #tpu.memory_space<semaphore_mem>>) src(%dma_wait3A_217 : memref<25088xf32, #tpu.memory_space<hbm>>) dst(%dma_wait3A_214 : memref<25088xf32, #tpu.memory_space<vmem>>)
      %dma_wait3A_218 = arith.constant 25088 : i32
      %dma_wait3A_219 = tpu.memref_slice %arg5[%dma_wait3A_218] : memref<50176xf32, #tpu.memory_space<vmem>> -> memref<25088xf32, #tpu.memory_space<vmem>>
      %dma_wait3A_220 = arith.constant 25088 : i32
      %dma_wait3A_221 = tpu.memref_slice %arg2[%add3A_201, %dma_wait3A_220] : memref<1536x50176xf32, #tpu.memory_space<hbm>> -> memref<1x25088xf32, #tpu.memory_space<hbm>>
      %dma_wait3A_222 = tpu.memref_squeeze %dma_wait3A_221 : memref<1x25088xf32, #tpu.memory_space<hbm>> -> memref<25088xf32, #tpu.memory_space<hbm>>
      %dma_wait3A_223 = arith.constant 25088 : i32
      %dma_wait3A_224 = tpu.memref_slice %arg5[%dma_wait3A_223] : memref<50176xf32, #tpu.memory_space<vmem>> -> memref<25088xf32, #tpu.memory_space<vmem>>
      %dma_wait3A_225 = arith.constant 25088 : i32
      %dma_wait3A_226 = tpu.memref_slice %arg2[%add3A_201, %dma_wait3A_225] : memref<1536x50176xf32, #tpu.memory_space<hbm>> -> memref<1x25088xf32, #tpu.memory_space<hbm>>
      %dma_wait3A_227 = tpu.memref_squeeze %dma_wait3A_226 : memref<1x25088xf32, #tpu.memory_space<hbm>> -> memref<25088xf32, #tpu.memory_space<hbm>>
      tpu.wait_dma2 semaphore(%arg12 : memref<!tpu.dma_semaphore, #tpu.memory_space<semaphore_mem>>) src(%dma_wait3A_227 : memref<25088xf32, #tpu.memory_space<hbm>>) dst(%dma_wait3A_224 : memref<25088xf32, #tpu.memory_space<vmem>>)
      %parallel_loop3A_228 = arith.constant 0 : i32
      %parallel_loop3A_229 = arith.constant 512 : i32
      %parallel_loop3A_230 = arith.constant 1 : i32
      scf.for %parallel_loop3A_357 = %parallel_loop3A_228 to %parallel_loop3A_229 step %parallel_loop3A_230  : i32 {
        %parallel_loop3A_358 = arith.constant 16 : i32
        %parallel_loop3A_359 = arith.muli %parallel_loop3A_357, %parallel_loop3A_358 : i32
        %parallel_loop3A_360 = arith.index_cast %parallel_loop3A_359 : i32 to index
        %parallel_loop3A_361 = tpu.vector_load %arg6[%parallel_loop3A_360] {strides = array<i32>} : memref<8192xi32, #tpu.memory_space<vmem>>, vector<16xi32>,
        tpu.vector_store %arg6[%parallel_loop3A_360], %broadcast_in_dim3A_3 {strides = array<i32>} : memref<8192xi32, #tpu.memory_space<vmem>>, vector<16xi32>,
      } {sc.loop_unroll_factor = 16 : i64, sc.parallel_access}
      %parallel_loop3A_231 = arith.constant 0 : i32
      %parallel_loop3A_232 = arith.constant 3136 : i32
      %parallel_loop3A_233 = arith.constant 1 : i32
      scf.for %parallel_loop3A_357 = %parallel_loop3A_231 to %parallel_loop3A_232 step %parallel_loop3A_233  : i32 {
        %parallel_loop3A_358 = arith.constant 16 : i32
        %parallel_loop3A_359 = arith.muli %parallel_loop3A_357, %parallel_loop3A_358 : i32
        %parallel_loop3A_360 = arith.index_cast %parallel_loop3A_359 : i32 to index
        %parallel_loop3A_361 = tpu.vector_load %arg5[%parallel_loop3A_360] {strides = array<i32>} : memref<50176xf32, #tpu.memory_space<vmem>>, vector<16xf32>,
        %parallel_loop3A_362 = tpu.bitcast %parallel_loop3A_361 : vector<16xf32> -> vector<16xi32>
        %parallel_loop3A_363 = arith.constant 19 : i32
        %parallel_loop3A_364 = vector.broadcast %parallel_loop3A_363 : i32 to vector<16xi32>
        %parallel_loop3A_365 = arith.shrsi %parallel_loop3A_362, %parallel_loop3A_364 : vector<16xi32>
        %parallel_loop3A_366 = arith.constant 4095 : i32
        %parallel_loop3A_367 = vector.broadcast %parallel_loop3A_366 : i32 to vector<16xi32>
        %parallel_loop3A_368 = arith.subi %parallel_loop3A_367, %parallel_loop3A_365 : vector<16xi32>
        %parallel_loop3A_369 = arith.constant 0 : i32
        %parallel_loop3A_370 = vector.broadcast %parallel_loop3A_369 : i32 to vector<16xi32>
        %parallel_loop3A_371 = arith.cmpi sge, %parallel_loop3A_362, %parallel_loop3A_370 : vector<16xi32>
        tpu.vector_store_idx %arg6[%parallel_loop3A_368], %broadcast_in_dim3A_5 masked %parallel_loop3A_371 {add = true} : memref<8192xi32, #tpu.memory_space<vmem>>[vector<16xi32>], vector<16xi32>, vector<16xi1>
      } {sc.loop_unroll_factor = 16 : i64, sc.parallel_access}
      %while3A_234 = arith.constant 2508 : i32
      %while3A_235 = arith.constant 0 : i32
      %while3A_236 = arith.constant -1 : i32
      %while3A_237 = arith.constant 0 : i32
      %while3A_238:3 = scf.while (%while3A_357 = %while3A_235, %while3A_358 = %while3A_236, %while3A_359 = %while3A_237) : (i32, i32, i32) -> (i32, i32, i32) {
        %lt3A_360 = arith.constant 0 : i32
        %lt3A_361 = arith.cmpi slt, %while3A_358, %lt3A_360 : i32
        %lt3A_362 = arith.constant 64 : i32
        %lt3A_363 = arith.cmpi slt, %while3A_357, %lt3A_362 : i32
        %and3A = arith.andi %lt3A_361, %lt3A_363 : i1
        scf.condition(%and3A) %while3A_357, %while3A_358, %while3A_359 : i32, i32, i32
      } do {
      ^bb0(%while3A_357: i32, %while3A_358: i32, %while3A_359: i32):
        %mul3A_360 = arith.constant 8 : i32
        %mul3A_361 = arith.muli %while3A_357, %mul3A_360 : i32
        %add3A_362 = arith.constant 0 : i32
        %add3A_363 = arith.addi %mul3A_361, %add3A_362 : i32
        %mul3A_364 = arith.constant 16 : i32
        %mul3A_365 = arith.muli %add3A_363, %mul3A_364 : i32
        %get3A = arith.index_cast %mul3A_365 : i32 to index
        %get3A_366 = tpu.vector_load %arg6[%get3A] {strides = array<i32>} : memref<8192xi32, #tpu.memory_space<vmem>>, vector<16xi32>,
        %reduce_sum3A = arith.constant true
        %reduce_sum3A_367 = vector.broadcast %reduce_sum3A : i1 to vector<16xi1>
        %reduce_sum3A_368 = tpu.scan <sum>, %get3A_366 masked %reduce_sum3A_367 : vector<16xi32>, vector<16xi1> -> vector<16xi32>
        %reduce_sum3A_369 = vector.extract %reduce_sum3A_368[15] : i32 from vector<16xi32>
        %add3A_370 = arith.constant 0 : i32
        %add3A_371 = arith.addi %add3A_370, %reduce_sum3A_369 : i32
        %mul3A_372 = arith.constant 8 : i32
        %mul3A_373 = arith.muli %while3A_357, %mul3A_372 : i32
        %add3A_374 = arith.constant 1 : i32
        %add3A_375 = arith.addi %mul3A_373, %add3A_374 : i32
        %mul3A_376 = arith.constant 16 : i32
        %mul3A_377 = arith.muli %add3A_375, %mul3A_376 : i32
        %get3A_378 = arith.index_cast %mul3A_377 : i32 to index
        %get3A_379 = tpu.vector_load %arg6[%get3A_378] {strides = array<i32>} : memref<8192xi32, #tpu.memory_space<vmem>>, vector<16xi32>,
        %reduce_sum3A_380 = arith.constant true
        %reduce_sum3A_381 = vector.broadcast %reduce_sum3A_380 : i1 to vector<16xi1>
        %reduce_sum3A_382 = tpu.scan <sum>, %get3A_379 masked %reduce_sum3A_381 : vector<16xi32>, vector<16xi1> -> vector<16xi32>
        %reduce_sum3A_383 = vector.extract %reduce_sum3A_382[15] : i32 from vector<16xi32>
        %add3A_384 = arith.addi %add3A_371, %reduce_sum3A_383 : i32
        %mul3A_385 = arith.constant 8 : i32
        %mul3A_386 = arith.muli %while3A_357, %mul3A_385 : i32
        %add3A_387 = arith.constant 2 : i32
        %add3A_388 = arith.addi %mul3A_386, %add3A_387 : i32
        %mul3A_389 = arith.constant 16 : i32
        %mul3A_390 = arith.muli %add3A_388, %mul3A_389 : i32
        %get3A_391 = arith.index_cast %mul3A_390 : i32 to index
        %get3A_392 = tpu.vector_load %arg6[%get3A_391] {strides = array<i32>} : memref<8192xi32, #tpu.memory_space<vmem>>, vector<16xi32>,
        %reduce_sum3A_393 = arith.constant true
        %reduce_sum3A_394 = vector.broadcast %reduce_sum3A_393 : i1 to vector<16xi1>
        %reduce_sum3A_395 = tpu.scan <sum>, %get3A_392 masked %reduce_sum3A_394 : vector<16xi32>, vector<16xi1> -> vector<16xi32>
        %reduce_sum3A_396 = vector.extract %reduce_sum3A_395[15] : i32 from vector<16xi32>
        %add3A_397 = arith.addi %add3A_384, %reduce_sum3A_396 : i32
        %mul3A_398 = arith.constant 8 : i32
        %mul3A_399 = arith.muli %while3A_357, %mul3A_398 : i32
        %add3A_400 = arith.constant 3 : i32
        %add3A_401 = arith.addi %mul3A_399, %add3A_400 : i32
        %mul3A_402 = arith.constant 16 : i32
        %mul3A_403 = arith.muli %add3A_401, %mul3A_402 : i32
        %get3A_404 = arith.index_cast %mul3A_403 : i32 to index
        %get3A_405 = tpu.vector_load %arg6[%get3A_404] {strides = array<i32>} : memref<8192xi32, #tpu.memory_space<vmem>>, vector<16xi32>,
        %reduce_sum3A_406 = arith.constant true
        %reduce_sum3A_407 = vector.broadcast %reduce_sum3A_406 : i1 to vector<16xi1>
        %reduce_sum3A_408 = tpu.scan <sum>, %get3A_405 masked %reduce_sum3A_407 : vector<16xi32>, vector<16xi1> -> vector<16xi32>
        %reduce_sum3A_409 = vector.extract %reduce_sum3A_408[15] : i32 from vector<16xi32>
        %add3A_410 = arith.addi %add3A_397, %reduce_sum3A_409 : i32
        %mul3A_411 = arith.constant 8 : i32
        %mul3A_412 = arith.muli %while3A_357, %mul3A_411 : i32
        %add3A_413 = arith.constant 4 : i32
        %add3A_414 = arith.addi %mul3A_412, %add3A_413 : i32
        %mul3A_415 = arith.constant 16 : i32
        %mul3A_416 = arith.muli %add3A_414, %mul3A_415 : i32
        %get3A_417 = arith.index_cast %mul3A_416 : i32 to index
        %get3A_418 = tpu.vector_load %arg6[%get3A_417] {strides = array<i32>} : memref<8192xi32, #tpu.memory_space<vmem>>, vector<16xi32>,
        %reduce_sum3A_419 = arith.constant true
        %reduce_sum3A_420 = vector.broadcast %reduce_sum3A_419 : i1 to vector<16xi1>
        %reduce_sum3A_421 = tpu.scan <sum>, %get3A_418 masked %reduce_sum3A_420 : vector<16xi32>, vector<16xi1> -> vector<16xi32>
        %reduce_sum3A_422 = vector.extract %reduce_sum3A_421[15] : i32 from vector<16xi32>
        %add3A_423 = arith.addi %add3A_410, %reduce_sum3A_422 : i32
        %mul3A_424 = arith.constant 8 : i32
        %mul3A_425 = arith.muli %while3A_357, %mul3A_424 : i32
        %add3A_426 = arith.constant 5 : i32
        %add3A_427 = arith.addi %mul3A_425, %add3A_426 : i32
        %mul3A_428 = arith.constant 16 : i32
        %mul3A_429 = arith.muli %add3A_427, %mul3A_428 : i32
        %get3A_430 = arith.index_cast %mul3A_429 : i32 to index
        %get3A_431 = tpu.vector_load %arg6[%get3A_430] {strides = array<i32>} : memref<8192xi32, #tpu.memory_space<vmem>>, vector<16xi32>,
        %reduce_sum3A_432 = arith.constant true
        %reduce_sum3A_433 = vector.broadcast %reduce_sum3A_432 : i1 to vector<16xi1>
        %reduce_sum3A_434 = tpu.scan <sum>, %get3A_431 masked %reduce_sum3A_433 : vector<16xi32>, vector<16xi1> -> vector<16xi32>
        %reduce_sum3A_435 = vector.extract %reduce_sum3A_434[15] : i32 from vector<16xi32>
        %add3A_436 = arith.addi %add3A_423, %reduce_sum3A_435 : i32
        %mul3A_437 = arith.constant 8 : i32
        %mul3A_438 = arith.muli %while3A_357, %mul3A_437 : i32
        %add3A_439 = arith.constant 6 : i32
        %add3A_440 = arith.addi %mul3A_438, %add3A_439 : i32
        %mul3A_441 = arith.constant 16 : i32
        %mul3A_442 = arith.muli %add3A_440, %mul3A_441 : i32
        %get3A_443 = arith.index_cast %mul3A_442 : i32 to index
        %get3A_444 = tpu.vector_load %arg6[%get3A_443] {strides = array<i32>} : memref<8192xi32, #tpu.memory_space<vmem>>, vector<16xi32>,
        %reduce_sum3A_445 = arith.constant true
        %reduce_sum3A_446 = vector.broadcast %reduce_sum3A_445 : i1 to vector<16xi1>
        %reduce_sum3A_447 = tpu.scan <sum>, %get3A_444 masked %reduce_sum3A_446 : vector<16xi32>, vector<16xi1> -> vector<16xi32>
        %reduce_sum3A_448 = vector.extract %reduce_sum3A_447[15] : i32 from vector<16xi32>
        %add3A_449 = arith.addi %add3A_436, %reduce_sum3A_448 : i32
        %mul3A_450 = arith.constant 8 : i32
        %mul3A_451 = arith.muli %while3A_357, %mul3A_450 : i32
        %add3A_452 = arith.constant 7 : i32
        %add3A_453 = arith.addi %mul3A_451, %add3A_452 : i32
        %mul3A_454 = arith.constant 16 : i32
        %mul3A_455 = arith.muli %add3A_453, %mul3A_454 : i32
        %get3A_456 = arith.index_cast %mul3A_455 : i32 to index
        %get3A_457 = tpu.vector_load %arg6[%get3A_456] {strides = array<i32>} : memref<8192xi32, #tpu.memory_space<vmem>>, vector<16xi32>,
        %reduce_sum3A_458 = arith.constant true
        %reduce_sum3A_459 = vector.broadcast %reduce_sum3A_458 : i1 to vector<16xi1>
        %reduce_sum3A_460 = tpu.scan <sum>, %get3A_457 masked %reduce_sum3A_459 : vector<16xi32>, vector<16xi1> -> vector<16xi32>
        %reduce_sum3A_461 = vector.extract %reduce_sum3A_460[15] : i32 from vector<16xi32>
        %add3A_462 = arith.addi %add3A_449, %reduce_sum3A_461 : i32
        %add3A_463 = arith.addi %while3A_359, %add3A_462 : i32
        %ge3A_464 = arith.cmpi sge, %add3A_463, %while3A_234 : i32
        %jit3A_465 = arith.constant -1 : i32
        %select_n3A_466 = arith.select %ge3A_464, %while3A_357, %jit3A_465 : i32
        %add3A_467 = arith.constant 1 : i32
        %add3A_468 = arith.addi %while3A_357, %add3A_467 : i32
        %add3A_469 = arith.addi %while3A_359, %add3A_462 : i32
        %select_n3A_470 = arith.select %ge3A_464, %while3A_359, %add3A_469 : i32
        scf.yield %add3A_468, %select_n3A_466, %select_n3A_470 : i32, i32, i32
      }
      %while3A_239 = arith.constant 2508 : i32
      %while3A_240 = arith.constant 0 : i32
      %while3A_241 = arith.constant -1 : i32
      %while3A_242 = arith.constant 0 : i32
      %while3A_243:4 = scf.while (%while3A_357 = %while3A_240, %while3A_358 = %while3A_241, %while3A_359 = %while3A_242, %while3A_360 = %while3A_238#2) : (i32, i32, i32, i32) -> (i32, i32, i32, i32) {
        %lt3A_361 = arith.constant 0 : i32
        %lt3A_362 = arith.cmpi slt, %while3A_358, %lt3A_361 : i32
        %lt3A_363 = arith.constant 8 : i32
        %lt3A_364 = arith.cmpi slt, %while3A_357, %lt3A_363 : i32
        %and3A = arith.andi %lt3A_362, %lt3A_364 : i1
        scf.condition(%and3A) %while3A_357, %while3A_358, %while3A_359, %while3A_360 : i32, i32, i32, i32
      } do {
      ^bb0(%while3A_357: i32, %while3A_358: i32, %while3A_359: i32, %while3A_360: i32):
        %mul3A_361 = arith.constant 8 : i32
        %mul3A_362 = arith.muli %while3A_238#1, %mul3A_361 : i32
        %add3A_363 = arith.addi %mul3A_362, %while3A_357 : i32
        %mul3A_364 = arith.constant 16 : i32
        %mul3A_365 = arith.muli %add3A_363, %mul3A_364 : i32
        %get3A = arith.index_cast %mul3A_365 : i32 to index
        %get3A_366 = tpu.vector_load %arg6[%get3A] {strides = array<i32>} : memref<8192xi32, #tpu.memory_space<vmem>>, vector<16xi32>,
        %reduce_sum3A = arith.constant true
        %reduce_sum3A_367 = vector.broadcast %reduce_sum3A : i1 to vector<16xi1>
        %reduce_sum3A_368 = tpu.scan <sum>, %get3A_366 masked %reduce_sum3A_367 : vector<16xi32>, vector<16xi1> -> vector<16xi32>
        %reduce_sum3A_369 = vector.extract %reduce_sum3A_368[15] : i32 from vector<16xi32>
        %broadcast_in_dim3A_370 = arith.constant true
        %broadcast_in_dim3A_371 = vector.broadcast %broadcast_in_dim3A_370 : i1 to vector<16xi1>
        %masked_cumsum3A = tpu.scan <sum>, %get3A_366 masked %broadcast_in_dim3A_371 : vector<16xi32>, vector<16xi1> -> vector<16xi32>
        %sub3A_372 = arith.subi %while3A_239, %while3A_360 : i32
        %add3A_373 = arith.addi %while3A_360, %reduce_sum3A_369 : i32
        %ge3A_374 = arith.cmpi sge, %add3A_373, %while3A_239 : i32
        %lt3A_375 = vector.broadcast %sub3A_372 : i32 to vector<16xi32>
        %lt3A_376 = arith.cmpi slt, %masked_cumsum3A, %lt3A_375 : vector<16xi32>
        %jit3A_377 = arith.constant 1 : i32
        %jit3A_378 = arith.constant 0 : i32
        %broadcast_in_dim3A_379 = vector.broadcast %jit3A_377 : i32 to vector<16xi32>
        %broadcast_in_dim3A_380 = vector.broadcast %jit3A_378 : i32 to vector<16xi32>
        %select_n3A_381 = arith.select %lt3A_376, %broadcast_in_dim3A_379, %broadcast_in_dim3A_380 : vector<16xi1>, vector<16xi32>
        %reduce_sum3A_382 = arith.constant true
        %reduce_sum3A_383 = vector.broadcast %reduce_sum3A_382 : i1 to vector<16xi1>
        %reduce_sum3A_384 = tpu.scan <sum>, %select_n3A_381 masked %reduce_sum3A_383 : vector<16xi32>, vector<16xi1> -> vector<16xi32>
        %reduce_sum3A_385 = vector.extract %reduce_sum3A_384[15] : i32 from vector<16xi32>
        %lt3A_386 = vector.broadcast %sub3A_372 : i32 to vector<16xi32>
        %lt3A_387 = arith.cmpi slt, %masked_cumsum3A, %lt3A_386 : vector<16xi32>
        %jit3A_388 = arith.constant 0 : i32
        %broadcast_in_dim3A_389 = vector.broadcast %jit3A_388 : i32 to vector<16xi32>
        %select_n3A_390 = arith.select %lt3A_387, %get3A_366, %broadcast_in_dim3A_389 : vector<16xi1>, vector<16xi32>
        %reduce_sum3A_391 = arith.constant true
        %reduce_sum3A_392 = vector.broadcast %reduce_sum3A_391 : i1 to vector<16xi1>
        %reduce_sum3A_393 = tpu.scan <sum>, %select_n3A_390 masked %reduce_sum3A_392 : vector<16xi32>, vector<16xi1> -> vector<16xi32>
        %reduce_sum3A_394 = vector.extract %reduce_sum3A_393[15] : i32 from vector<16xi32>
        %mul3A_395 = arith.constant 8 : i32
        %mul3A_396 = arith.muli %while3A_238#1, %mul3A_395 : i32
        %add3A_397 = arith.addi %mul3A_396, %while3A_357 : i32
        %mul3A_398 = arith.constant 16 : i32
        %mul3A_399 = arith.muli %add3A_397, %mul3A_398 : i32
        %add3A_400 = arith.addi %mul3A_399, %reduce_sum3A_385 : i32
        %jit3A_401 = arith.constant -1 : i32
        %select_n3A_402 = arith.select %ge3A_374, %add3A_400, %jit3A_401 : i32
        %add3A_403 = arith.addi %while3A_360, %reduce_sum3A_394 : i32
        %jit3A_404 = arith.constant 0 : i32
        %select_n3A_405 = arith.select %ge3A_374, %add3A_403, %jit3A_404 : i32
        %add3A_406 = arith.constant 1 : i32
        %add3A_407 = arith.addi %while3A_357, %add3A_406 : i32
        %add3A_408 = arith.addi %while3A_360, %reduce_sum3A_369 : i32
        scf.yield %add3A_407, %select_n3A_402, %select_n3A_405, %add3A_408 : i32, i32, i32, i32
      }
      %lt3A_244 = arith.constant 0 : i32
      %lt3A_245 = arith.cmpi slt, %while3A_243#1, %lt3A_244 : i32
      %convert_element_type3A_246 = arith.extui %lt3A_245 : i1 to i32
      %cond3A_247 = arith.constant 0 : i32
      %cond3A_248 = arith.constant 0 : i32
      %cond3A_249 = arith.cmpi ne, %convert_element_type3A_246, %cond3A_248 : i32
      %cond3A_250:2 = scf.if %cond3A_249 -> (i32, i32) {
        %parallel_loop3A_357 = arith.constant 0 : i32
        %parallel_loop3A_358 = arith.constant 3136 : i32
        %parallel_loop3A_359 = arith.constant 1 : i32
        scf.for %parallel_loop3A_370 = %parallel_loop3A_357 to %parallel_loop3A_358 step %parallel_loop3A_359  : i32 {
          %parallel_loop3A_371 = arith.constant 16 : i32
          %parallel_loop3A_372 = arith.muli %parallel_loop3A_370, %parallel_loop3A_371 : i32
          %parallel_loop3A_373 = arith.index_cast %parallel_loop3A_372 : i32 to index
          %parallel_loop3A_374 = tpu.vector_load %arg5[%parallel_loop3A_373] {strides = array<i32>} : memref<50176xf32, #tpu.memory_space<vmem>>, vector<16xf32>,
          %parallel_loop3A_375 = tpu.bitcast %parallel_loop3A_374 : vector<16xf32> -> vector<16xi32>
          %parallel_loop3A_376 = arith.constant 2147483647 : i32
          %parallel_loop3A_377 = vector.broadcast %parallel_loop3A_376 : i32 to vector<16xi32>
          %parallel_loop3A_378 = arith.xori %parallel_loop3A_375, %parallel_loop3A_377 : vector<16xi32>
          %parallel_loop3A_379 = arith.constant 19 : i32
          %parallel_loop3A_380 = vector.broadcast %parallel_loop3A_379 : i32 to vector<16xi32>
          %parallel_loop3A_381 = arith.shrsi %parallel_loop3A_378, %parallel_loop3A_380 : vector<16xi32>
          %parallel_loop3A_382 = arith.constant 4095 : i32
          %parallel_loop3A_383 = vector.broadcast %parallel_loop3A_382 : i32 to vector<16xi32>
          %parallel_loop3A_384 = arith.subi %parallel_loop3A_383, %parallel_loop3A_381 : vector<16xi32>
          %parallel_loop3A_385 = arith.constant 0 : i32
          %parallel_loop3A_386 = vector.broadcast %parallel_loop3A_385 : i32 to vector<16xi32>
          %parallel_loop3A_387 = arith.cmpi slt, %parallel_loop3A_375, %parallel_loop3A_386 : vector<16xi32>
          tpu.vector_store_idx %arg6[%parallel_loop3A_384], %broadcast_in_dim3A_5 masked %parallel_loop3A_387 {add = true} : memref<8192xi32, #tpu.memory_space<vmem>>[vector<16xi32>], vector<16xi32>, vector<16xi1>
        } {sc.loop_unroll_factor = 16 : i64, sc.parallel_access}
        %while3A_360 = arith.constant 2508 : i32
        %while3A_361 = arith.constant 0 : i32
        %while3A_362 = arith.constant -1 : i32
        %while3A_363 = arith.constant 0 : i32
        %while3A_364:3 = scf.while (%while3A_370 = %while3A_361, %while3A_371 = %while3A_362, %while3A_372 = %while3A_363) : (i32, i32, i32) -> (i32, i32, i32) {
          %lt3A_373 = arith.constant 0 : i32
          %lt3A_374 = arith.cmpi slt, %while3A_371, %lt3A_373 : i32
          %lt3A_375 = arith.constant 64 : i32
          %lt3A_376 = arith.cmpi slt, %while3A_370, %lt3A_375 : i32
          %and3A = arith.andi %lt3A_374, %lt3A_376 : i1
          scf.condition(%and3A) %while3A_370, %while3A_371, %while3A_372 : i32, i32, i32
        } do {
        ^bb0(%while3A_370: i32, %while3A_371: i32, %while3A_372: i32):
          %mul3A_373 = arith.constant 8 : i32
          %mul3A_374 = arith.muli %while3A_370, %mul3A_373 : i32
          %add3A_375 = arith.constant 0 : i32
          %add3A_376 = arith.addi %mul3A_374, %add3A_375 : i32
          %mul3A_377 = arith.constant 16 : i32
          %mul3A_378 = arith.muli %add3A_376, %mul3A_377 : i32
          %get3A = arith.index_cast %mul3A_378 : i32 to index
          %get3A_379 = tpu.vector_load %arg6[%get3A] {strides = array<i32>} : memref<8192xi32, #tpu.memory_space<vmem>>, vector<16xi32>,
          %reduce_sum3A = arith.constant true
          %reduce_sum3A_380 = vector.broadcast %reduce_sum3A : i1 to vector<16xi1>
          %reduce_sum3A_381 = tpu.scan <sum>, %get3A_379 masked %reduce_sum3A_380 : vector<16xi32>, vector<16xi1> -> vector<16xi32>
          %reduce_sum3A_382 = vector.extract %reduce_sum3A_381[15] : i32 from vector<16xi32>
          %add3A_383 = arith.constant 0 : i32
          %add3A_384 = arith.addi %add3A_383, %reduce_sum3A_382 : i32
          %mul3A_385 = arith.constant 8 : i32
          %mul3A_386 = arith.muli %while3A_370, %mul3A_385 : i32
          %add3A_387 = arith.constant 1 : i32
          %add3A_388 = arith.addi %mul3A_386, %add3A_387 : i32
          %mul3A_389 = arith.constant 16 : i32
          %mul3A_390 = arith.muli %add3A_388, %mul3A_389 : i32
          %get3A_391 = arith.index_cast %mul3A_390 : i32 to index
          %get3A_392 = tpu.vector_load %arg6[%get3A_391] {strides = array<i32>} : memref<8192xi32, #tpu.memory_space<vmem>>, vector<16xi32>,
          %reduce_sum3A_393 = arith.constant true
          %reduce_sum3A_394 = vector.broadcast %reduce_sum3A_393 : i1 to vector<16xi1>
          %reduce_sum3A_395 = tpu.scan <sum>, %get3A_392 masked %reduce_sum3A_394 : vector<16xi32>, vector<16xi1> -> vector<16xi32>
          %reduce_sum3A_396 = vector.extract %reduce_sum3A_395[15] : i32 from vector<16xi32>
          %add3A_397 = arith.addi %add3A_384, %reduce_sum3A_396 : i32
          %mul3A_398 = arith.constant 8 : i32
          %mul3A_399 = arith.muli %while3A_370, %mul3A_398 : i32
          %add3A_400 = arith.constant 2 : i32
          %add3A_401 = arith.addi %mul3A_399, %add3A_400 : i32
          %mul3A_402 = arith.constant 16 : i32
          %mul3A_403 = arith.muli %add3A_401, %mul3A_402 : i32
          %get3A_404 = arith.index_cast %mul3A_403 : i32 to index
          %get3A_405 = tpu.vector_load %arg6[%get3A_404] {strides = array<i32>} : memref<8192xi32, #tpu.memory_space<vmem>>, vector<16xi32>,
          %reduce_sum3A_406 = arith.constant true
          %reduce_sum3A_407 = vector.broadcast %reduce_sum3A_406 : i1 to vector<16xi1>
          %reduce_sum3A_408 = tpu.scan <sum>, %get3A_405 masked %reduce_sum3A_407 : vector<16xi32>, vector<16xi1> -> vector<16xi32>
          %reduce_sum3A_409 = vector.extract %reduce_sum3A_408[15] : i32 from vector<16xi32>
          %add3A_410 = arith.addi %add3A_397, %reduce_sum3A_409 : i32
          %mul3A_411 = arith.constant 8 : i32
          %mul3A_412 = arith.muli %while3A_370, %mul3A_411 : i32
          %add3A_413 = arith.constant 3 : i32
          %add3A_414 = arith.addi %mul3A_412, %add3A_413 : i32
          %mul3A_415 = arith.constant 16 : i32
          %mul3A_416 = arith.muli %add3A_414, %mul3A_415 : i32
          %get3A_417 = arith.index_cast %mul3A_416 : i32 to index
          %get3A_418 = tpu.vector_load %arg6[%get3A_417] {strides = array<i32>} : memref<8192xi32, #tpu.memory_space<vmem>>, vector<16xi32>,
          %reduce_sum3A_419 = arith.constant true
          %reduce_sum3A_420 = vector.broadcast %reduce_sum3A_419 : i1 to vector<16xi1>
          %reduce_sum3A_421 = tpu.scan <sum>, %get3A_418 masked %reduce_sum3A_420 : vector<16xi32>, vector<16xi1> -> vector<16xi32>
          %reduce_sum3A_422 = vector.extract %reduce_sum3A_421[15] : i32 from vector<16xi32>
          %add3A_423 = arith.addi %add3A_410, %reduce_sum3A_422 : i32
          %mul3A_424 = arith.constant 8 : i32
          %mul3A_425 = arith.muli %while3A_370, %mul3A_424 : i32
          %add3A_426 = arith.constant 4 : i32
          %add3A_427 = arith.addi %mul3A_425, %add3A_426 : i32
          %mul3A_428 = arith.constant 16 : i32
          %mul3A_429 = arith.muli %add3A_427, %mul3A_428 : i32
          %get3A_430 = arith.index_cast %mul3A_429 : i32 to index
          %get3A_431 = tpu.vector_load %arg6[%get3A_430] {strides = array<i32>} : memref<8192xi32, #tpu.memory_space<vmem>>, vector<16xi32>,
          %reduce_sum3A_432 = arith.constant true
          %reduce_sum3A_433 = vector.broadcast %reduce_sum3A_432 : i1 to vector<16xi1>
          %reduce_sum3A_434 = tpu.scan <sum>, %get3A_431 masked %reduce_sum3A_433 : vector<16xi32>, vector<16xi1> -> vector<16xi32>
          %reduce_sum3A_435 = vector.extract %reduce_sum3A_434[15] : i32 from vector<16xi32>
          %add3A_436 = arith.addi %add3A_423, %reduce_sum3A_435 : i32
          %mul3A_437 = arith.constant 8 : i32
          %mul3A_438 = arith.muli %while3A_370, %mul3A_437 : i32
          %add3A_439 = arith.constant 5 : i32
          %add3A_440 = arith.addi %mul3A_438, %add3A_439 : i32
          %mul3A_441 = arith.constant 16 : i32
          %mul3A_442 = arith.muli %add3A_440, %mul3A_441 : i32
          %get3A_443 = arith.index_cast %mul3A_442 : i32 to index
          %get3A_444 = tpu.vector_load %arg6[%get3A_443] {strides = array<i32>} : memref<8192xi32, #tpu.memory_space<vmem>>, vector<16xi32>,
          %reduce_sum3A_445 = arith.constant true
          %reduce_sum3A_446 = vector.broadcast %reduce_sum3A_445 : i1 to vector<16xi1>
          %reduce_sum3A_447 = tpu.scan <sum>, %get3A_444 masked %reduce_sum3A_446 : vector<16xi32>, vector<16xi1> -> vector<16xi32>
          %reduce_sum3A_448 = vector.extract %reduce_sum3A_447[15] : i32 from vector<16xi32>
          %add3A_449 = arith.addi %add3A_436, %reduce_sum3A_448 : i32
          %mul3A_450 = arith.constant 8 : i32
          %mul3A_451 = arith.muli %while3A_370, %mul3A_450 : i32
          %add3A_452 = arith.constant 6 : i32
          %add3A_453 = arith.addi %mul3A_451, %add3A_452 : i32
          %mul3A_454 = arith.constant 16 : i32
          %mul3A_455 = arith.muli %add3A_453, %mul3A_454 : i32
          %get3A_456 = arith.index_cast %mul3A_455 : i32 to index
          %get3A_457 = tpu.vector_load %arg6[%get3A_456] {strides = array<i32>} : memref<8192xi32, #tpu.memory_space<vmem>>, vector<16xi32>,
          %reduce_sum3A_458 = arith.constant true
          %reduce_sum3A_459 = vector.broadcast %reduce_sum3A_458 : i1 to vector<16xi1>
          %reduce_sum3A_460 = tpu.scan <sum>, %get3A_457 masked %reduce_sum3A_459 : vector<16xi32>, vector<16xi1> -> vector<16xi32>
          %reduce_sum3A_461 = vector.extract %reduce_sum3A_460[15] : i32 from vector<16xi32>
          %add3A_462 = arith.addi %add3A_449, %reduce_sum3A_461 : i32
          %mul3A_463 = arith.constant 8 : i32
          %mul3A_464 = arith.muli %while3A_370, %mul3A_463 : i32
          %add3A_465 = arith.constant 7 : i32
          %add3A_466 = arith.addi %mul3A_464, %add3A_465 : i32
          %mul3A_467 = arith.constant 16 : i32
          %mul3A_468 = arith.muli %add3A_466, %mul3A_467 : i32
          %get3A_469 = arith.index_cast %mul3A_468 : i32 to index
          %get3A_470 = tpu.vector_load %arg6[%get3A_469] {strides = array<i32>} : memref<8192xi32, #tpu.memory_space<vmem>>, vector<16xi32>,
          %reduce_sum3A_471 = arith.constant true
          %reduce_sum3A_472 = vector.broadcast %reduce_sum3A_471 : i1 to vector<16xi1>
          %reduce_sum3A_473 = tpu.scan <sum>, %get3A_470 masked %reduce_sum3A_472 : vector<16xi32>, vector<16xi1> -> vector<16xi32>
          %reduce_sum3A_474 = vector.extract %reduce_sum3A_473[15] : i32 from vector<16xi32>
          %add3A_475 = arith.addi %add3A_462, %reduce_sum3A_474 : i32
          %add3A_476 = arith.addi %while3A_372, %add3A_475 : i32
          %ge3A_477 = arith.cmpi sge, %add3A_476, %while3A_360 : i32
          %jit3A_478 = arith.constant -1 : i32
          %select_n3A_479 = arith.select %ge3A_477, %while3A_370, %jit3A_478 : i32
          %add3A_480 = arith.constant 1 : i32
          %add3A_481 = arith.addi %while3A_370, %add3A_480 : i32
          %add3A_482 = arith.addi %while3A_372, %add3A_475 : i32
          %select_n3A_483 = arith.select %ge3A_477, %while3A_372, %add3A_482 : i32
          scf.yield %add3A_481, %select_n3A_479, %select_n3A_483 : i32, i32, i32
        }
        %while3A_365 = arith.constant 2508 : i32
        %while3A_366 = arith.constant 0 : i32
        %while3A_367 = arith.constant -1 : i32
        %while3A_368 = arith.constant 0 : i32
        %while3A_369:4 = scf.while (%while3A_370 = %while3A_366, %while3A_371 = %while3A_367, %while3A_372 = %while3A_368, %while3A_373 = %while3A_364#2) : (i32, i32, i32, i32) -> (i32, i32, i32, i32) {
          %lt3A_374 = arith.constant 0 : i32
          %lt3A_375 = arith.cmpi slt, %while3A_371, %lt3A_374 : i32
          %lt3A_376 = arith.constant 8 : i32
          %lt3A_377 = arith.cmpi slt, %while3A_370, %lt3A_376 : i32
          %and3A = arith.andi %lt3A_375, %lt3A_377 : i1
          scf.condition(%and3A) %while3A_370, %while3A_371, %while3A_372, %while3A_373 : i32, i32, i32, i32
        } do {
        ^bb0(%while3A_370: i32, %while3A_371: i32, %while3A_372: i32, %while3A_373: i32):
          %mul3A_374 = arith.constant 8 : i32
          %mul3A_375 = arith.muli %while3A_364#1, %mul3A_374 : i32
          %add3A_376 = arith.addi %mul3A_375, %while3A_370 : i32
          %mul3A_377 = arith.constant 16 : i32
          %mul3A_378 = arith.muli %add3A_376, %mul3A_377 : i32
          %get3A = arith.index_cast %mul3A_378 : i32 to index
          %get3A_379 = tpu.vector_load %arg6[%get3A] {strides = array<i32>} : memref<8192xi32, #tpu.memory_space<vmem>>, vector<16xi32>,
          %reduce_sum3A = arith.constant true
          %reduce_sum3A_380 = vector.broadcast %reduce_sum3A : i1 to vector<16xi1>
          %reduce_sum3A_381 = tpu.scan <sum>, %get3A_379 masked %reduce_sum3A_380 : vector<16xi32>, vector<16xi1> -> vector<16xi32>
          %reduce_sum3A_382 = vector.extract %reduce_sum3A_381[15] : i32 from vector<16xi32>
          %broadcast_in_dim3A_383 = arith.constant true
          %broadcast_in_dim3A_384 = vector.broadcast %broadcast_in_dim3A_383 : i1 to vector<16xi1>
          %masked_cumsum3A = tpu.scan <sum>, %get3A_379 masked %broadcast_in_dim3A_384 : vector<16xi32>, vector<16xi1> -> vector<16xi32>
          %sub3A_385 = arith.subi %while3A_365, %while3A_373 : i32
          %add3A_386 = arith.addi %while3A_373, %reduce_sum3A_382 : i32
          %ge3A_387 = arith.cmpi sge, %add3A_386, %while3A_365 : i32
          %lt3A_388 = vector.broadcast %sub3A_385 : i32 to vector<16xi32>
          %lt3A_389 = arith.cmpi slt, %masked_cumsum3A, %lt3A_388 : vector<16xi32>
          %jit3A_390 = arith.constant 1 : i32
          %jit3A_391 = arith.constant 0 : i32
          %broadcast_in_dim3A_392 = vector.broadcast %jit3A_390 : i32 to vector<16xi32>
          %broadcast_in_dim3A_393 = vector.broadcast %jit3A_391 : i32 to vector<16xi32>
          %select_n3A_394 = arith.select %lt3A_389, %broadcast_in_dim3A_392, %broadcast_in_dim3A_393 : vector<16xi1>, vector<16xi32>
          %reduce_sum3A_395 = arith.constant true
          %reduce_sum3A_396 = vector.broadcast %reduce_sum3A_395 : i1 to vector<16xi1>
          %reduce_sum3A_397 = tpu.scan <sum>, %select_n3A_394 masked %reduce_sum3A_396 : vector<16xi32>, vector<16xi1> -> vector<16xi32>
          %reduce_sum3A_398 = vector.extract %reduce_sum3A_397[15] : i32 from vector<16xi32>
          %lt3A_399 = vector.broadcast %sub3A_385 : i32 to vector<16xi32>
          %lt3A_400 = arith.cmpi slt, %masked_cumsum3A, %lt3A_399 : vector<16xi32>
          %jit3A_401 = arith.constant 0 : i32
          %broadcast_in_dim3A_402 = vector.broadcast %jit3A_401 : i32 to vector<16xi32>
          %select_n3A_403 = arith.select %lt3A_400, %get3A_379, %broadcast_in_dim3A_402 : vector<16xi1>, vector<16xi32>
          %reduce_sum3A_404 = arith.constant true
          %reduce_sum3A_405 = vector.broadcast %reduce_sum3A_404 : i1 to vector<16xi1>
          %reduce_sum3A_406 = tpu.scan <sum>, %select_n3A_403 masked %reduce_sum3A_405 : vector<16xi32>, vector<16xi1> -> vector<16xi32>
          %reduce_sum3A_407 = vector.extract %reduce_sum3A_406[15] : i32 from vector<16xi32>
          %mul3A_408 = arith.constant 8 : i32
          %mul3A_409 = arith.muli %while3A_364#1, %mul3A_408 : i32
          %add3A_410 = arith.addi %mul3A_409, %while3A_370 : i32
          %mul3A_411 = arith.constant 16 : i32
          %mul3A_412 = arith.muli %add3A_410, %mul3A_411 : i32
          %add3A_413 = arith.addi %mul3A_412, %reduce_sum3A_398 : i32
          %jit3A_414 = arith.constant -1 : i32
          %select_n3A_415 = arith.select %ge3A_387, %add3A_413, %jit3A_414 : i32
          %add3A_416 = arith.addi %while3A_373, %reduce_sum3A_407 : i32
          %jit3A_417 = arith.constant 0 : i32
          %select_n3A_418 = arith.select %ge3A_387, %add3A_416, %jit3A_417 : i32
          %add3A_419 = arith.constant 1 : i32
          %add3A_420 = arith.addi %while3A_370, %add3A_419 : i32
          %add3A_421 = arith.addi %while3A_373, %reduce_sum3A_382 : i32
          scf.yield %add3A_420, %select_n3A_415, %select_n3A_418, %add3A_421 : i32, i32, i32, i32
        }
        scf.yield %while3A_369#1, %while3A_369#2 : i32, i32
      } else {
        scf.yield %while3A_243#1, %while3A_243#2 : i32, i32
      }
      %convert_element_type3A_251 = arith.extui %ge3A_205 : i1 to i32
      %cond3A_252 = arith.constant 0 : i32
      %cond3A_253 = arith.cmpi ne, %convert_element_type3A_251, %cond3A_252 : i32
      scf.if %cond3A_253 {
        %dma_wait3A_357 = arith.constant 0 : i32
        %dma_wait3A_358 = tpu.memref_slice %arg4[%dma_wait3A_357] : memref<50176xf32, #tpu.memory_space<vmem>> -> memref<25088xf32, #tpu.memory_space<vmem>>
        %dma_wait3A_359 = arith.constant 0 : i32
        %dma_wait3A_360 = tpu.memref_slice %arg3[%add3A_55, %dma_wait3A_359] : memref<1536x50176xf32, #tpu.memory_space<hbm>> -> memref<1x25088xf32, #tpu.memory_space<hbm>>
        %dma_wait3A_361 = tpu.memref_squeeze %dma_wait3A_360 : memref<1x25088xf32, #tpu.memory_space<hbm>> -> memref<25088xf32, #tpu.memory_space<hbm>>
        %dma_wait3A_362 = arith.constant 0 : i32
        %dma_wait3A_363 = tpu.memref_slice %arg3[%add3A_55, %dma_wait3A_362] : memref<1536x50176xf32, #tpu.memory_space<hbm>> -> memref<1x25088xf32, #tpu.memory_space<hbm>>
        %dma_wait3A_364 = tpu.memref_squeeze %dma_wait3A_363 : memref<1x25088xf32, #tpu.memory_space<hbm>> -> memref<25088xf32, #tpu.memory_space<hbm>>
        %dma_wait3A_365 = arith.constant 0 : i32
        %dma_wait3A_366 = tpu.memref_slice %arg4[%dma_wait3A_365] : memref<50176xf32, #tpu.memory_space<vmem>> -> memref<25088xf32, #tpu.memory_space<vmem>>
        tpu.wait_dma2 semaphore(%arg13 : memref<!tpu.dma_semaphore, #tpu.memory_space<semaphore_mem>>) src(%dma_wait3A_366 : memref<25088xf32, #tpu.memory_space<vmem>>) dst(%dma_wait3A_364 : memref<25088xf32, #tpu.memory_space<hbm>>)
        %dma_wait3A_367 = arith.constant 25088 : i32
        %dma_wait3A_368 = tpu.memref_slice %arg4[%dma_wait3A_367] : memref<50176xf32, #tpu.memory_space<vmem>> -> memref<25088xf32, #tpu.memory_space<vmem>>
        %dma_wait3A_369 = arith.constant 25088 : i32
        %dma_wait3A_370 = tpu.memref_slice %arg3[%add3A_55, %dma_wait3A_369] : memref<1536x50176xf32, #tpu.memory_space<hbm>> -> memref<1x25088xf32, #tpu.memory_space<hbm>>
        %dma_wait3A_371 = tpu.memref_squeeze %dma_wait3A_370 : memref<1x25088xf32, #tpu.memory_space<hbm>> -> memref<25088xf32, #tpu.memory_space<hbm>>
        %dma_wait3A_372 = arith.constant 25088 : i32
        %dma_wait3A_373 = tpu.memref_slice %arg3[%add3A_55, %dma_wait3A_372] : memref<1536x50176xf32, #tpu.memory_space<hbm>> -> memref<1x25088xf32, #tpu.memory_space<hbm>>
        %dma_wait3A_374 = tpu.memref_squeeze %dma_wait3A_373 : memref<1x25088xf32, #tpu.memory_space<hbm>> -> memref<25088xf32, #tpu.memory_space<hbm>>
        %dma_wait3A_375 = arith.constant 25088 : i32
        %dma_wait3A_376 = tpu.memref_slice %arg4[%dma_wait3A_375] : memref<50176xf32, #tpu.memory_space<vmem>> -> memref<25088xf32, #tpu.memory_space<vmem>>
        tpu.wait_dma2 semaphore(%arg13 : memref<!tpu.dma_semaphore, #tpu.memory_space<semaphore_mem>>) src(%dma_wait3A_376 : memref<25088xf32, #tpu.memory_space<vmem>>) dst(%dma_wait3A_374 : memref<25088xf32, #tpu.memory_space<hbm>>)
      } else {
      }
      %convert_element_type3A_254 = arith.extui %lt3A_207 : i1 to i32
      %cond3A_255 = arith.constant 0 : i32
      %cond3A_256 = arith.cmpi ne, %convert_element_type3A_254, %cond3A_255 : i32
      scf.if %cond3A_256 {
        %dma_start3A_357 = arith.constant 0 : i32
        %dma_start3A_358 = tpu.memref_slice %arg4[%dma_start3A_357] : memref<50176xf32, #tpu.memory_space<vmem>> -> memref<25088xf32, #tpu.memory_space<vmem>>
        %dma_start3A_359 = arith.constant 0 : i32
        %dma_start3A_360 = tpu.memref_slice %arg2[%add3A_203, %dma_start3A_359] : memref<1536x50176xf32, #tpu.memory_space<hbm>> -> memref<1x25088xf32, #tpu.memory_space<hbm>>
        %dma_start3A_361 = tpu.memref_squeeze %dma_start3A_360 : memref<1x25088xf32, #tpu.memory_space<hbm>> -> memref<25088xf32, #tpu.memory_space<hbm>>
        %dma_start3A_362 = arith.constant 0 : i32
        %dma_start3A_363 = tpu.memref_slice %arg4[%dma_start3A_362] : memref<50176xf32, #tpu.memory_space<vmem>> -> memref<25088xf32, #tpu.memory_space<vmem>>
        %dma_start3A_364 = arith.constant 0 : i32
        %dma_start3A_365 = tpu.memref_slice %arg2[%add3A_203, %dma_start3A_364] : memref<1536x50176xf32, #tpu.memory_space<hbm>> -> memref<1x25088xf32, #tpu.memory_space<hbm>>
        %dma_start3A_366 = tpu.memref_squeeze %dma_start3A_365 : memref<1x25088xf32, #tpu.memory_space<hbm>> -> memref<25088xf32, #tpu.memory_space<hbm>>
        tpu.enqueue_dma source(%dma_start3A_366 : memref<25088xf32, #tpu.memory_space<hbm>>) target(%dma_start3A_363 : memref<25088xf32, #tpu.memory_space<vmem>>) target_semaphore(%arg11 : memref<!tpu.dma_semaphore, #tpu.memory_space<semaphore_mem>>)
        %dma_start3A_367 = arith.constant 25088 : i32
        %dma_start3A_368 = tpu.memref_slice %arg4[%dma_start3A_367] : memref<50176xf32, #tpu.memory_space<vmem>> -> memref<25088xf32, #tpu.memory_space<vmem>>
        %dma_start3A_369 = arith.constant 25088 : i32
        %dma_start3A_370 = tpu.memref_slice %arg2[%add3A_203, %dma_start3A_369] : memref<1536x50176xf32, #tpu.memory_space<hbm>> -> memref<1x25088xf32, #tpu.memory_space<hbm>>
        %dma_start3A_371 = tpu.memref_squeeze %dma_start3A_370 : memref<1x25088xf32, #tpu.memory_space<hbm>> -> memref<25088xf32, #tpu.memory_space<hbm>>
        %dma_start3A_372 = arith.constant 25088 : i32
        %dma_start3A_373 = tpu.memref_slice %arg4[%dma_start3A_372] : memref<50176xf32, #tpu.memory_space<vmem>> -> memref<25088xf32, #tpu.memory_space<vmem>>
        %dma_start3A_374 = arith.constant 25088 : i32
        %dma_start3A_375 = tpu.memref_slice %arg2[%add3A_203, %dma_start3A_374] : memref<1536x50176xf32, #tpu.memory_space<hbm>> -> memref<1x25088xf32, #tpu.memory_space<hbm>>
        %dma_start3A_376 = tpu.memref_squeeze %dma_start3A_375 : memref<1x25088xf32, #tpu.memory_space<hbm>> -> memref<25088xf32, #tpu.memory_space<hbm>>
        tpu.enqueue_dma source(%dma_start3A_376 : memref<25088xf32, #tpu.memory_space<hbm>>) target(%dma_start3A_373 : memref<25088xf32, #tpu.memory_space<vmem>>) target_semaphore(%arg11 : memref<!tpu.dma_semaphore, #tpu.memory_space<semaphore_mem>>)
      } else {
      }
      %parallel_loop3A_257 = arith.constant 0 : i32
      %parallel_loop3A_258 = arith.constant 512 : i32
      %parallel_loop3A_259 = arith.constant 1 : i32
      scf.for %parallel_loop3A_357 = %parallel_loop3A_257 to %parallel_loop3A_258 step %parallel_loop3A_259  : i32 {
        %parallel_loop3A_358 = arith.constant 16 : i32
        %parallel_loop3A_359 = arith.muli %parallel_loop3A_357, %parallel_loop3A_358 : i32
        %parallel_loop3A_360 = arith.index_cast %parallel_loop3A_359 : i32 to index
        %parallel_loop3A_361 = tpu.vector_load %arg6[%parallel_loop3A_360] {strides = array<i32>} : memref<8192xi32, #tpu.memory_space<vmem>>, vector<16xi32>,
        tpu.vector_store %arg6[%parallel_loop3A_360], %broadcast_in_dim3A_3 {strides = array<i32>} : memref<8192xi32, #tpu.memory_space<vmem>>, vector<16xi32>,
      } {sc.loop_unroll_factor = 16 : i64, sc.parallel_access}
      %sub3A_260 = arith.constant 4095 : i32
      %sub3A_261 = arith.subi %sub3A_260, %cond3A_250#0 : i32
      %shift_left3A_262 = arith.constant 19 : i32
      %shift_left3A_263 = arith.shli %sub3A_261, %shift_left3A_262 : i32
      %broadcast_in_dim3A_264 = vector.broadcast %shift_left3A_263 : i32 to vector<16xi32>
      %ge3A_265 = arith.constant 0 : i32
      %ge3A_266 = vector.broadcast %ge3A_265 : i32 to vector<16xi32>
      %ge3A_267 = arith.cmpi sge, %broadcast_in_dim3A_264, %ge3A_266 : vector<16xi32>
      %xor3A_268 = arith.constant 2147483647 : i32
      %xor3A_269 = vector.broadcast %xor3A_268 : i32 to vector<16xi32>
      %xor3A_270 = arith.xori %broadcast_in_dim3A_264, %xor3A_269 : vector<16xi32>
      %select_n3A_271 = arith.select %ge3A_267, %broadcast_in_dim3A_264, %xor3A_270 : vector<16xi1>, vector<16xi32>
      %bitcast_convert_type3A_272 = tpu.bitcast %select_n3A_271 : vector<16xi32> -> vector<16xf32>
      %swap3A_273 = arith.constant 0 : index
      %swap3A_274 = tpu.vector_load %arg7[%swap3A_273] {strides = array<i32>} : memref<16xf32, #tpu.memory_space<vmem>>, vector<16xf32>,
      tpu.vector_store %arg7[%swap3A_273], %bitcast_convert_type3A_272 {strides = array<i32>} : memref<16xf32, #tpu.memory_space<vmem>>, vector<16xf32>,
      %ge3A_275 = arith.constant 4095 : i32
      %ge3A_276 = arith.cmpi sge, %sub3A_261, %ge3A_275 : i32
      %broadcast_in_dim3A_277 = arith.constant 0x7F800000 : f32
      %broadcast_in_dim3A_278 = vector.broadcast %broadcast_in_dim3A_277 : f32 to vector<16xf32>
      %add3A_279 = arith.constant 1 : i32
      %add3A_280 = arith.addi %sub3A_261, %add3A_279 : i32
      %shift_left3A_281 = arith.constant 19 : i32
      %shift_left3A_282 = arith.shli %add3A_280, %shift_left3A_281 : i32
      %broadcast_in_dim3A_283 = vector.broadcast %shift_left3A_282 : i32 to vector<16xi32>
      %ge3A_284 = arith.constant 0 : i32
      %ge3A_285 = vector.broadcast %ge3A_284 : i32 to vector<16xi32>
      %ge3A_286 = arith.cmpi sge, %broadcast_in_dim3A_283, %ge3A_285 : vector<16xi32>
      %xor3A_287 = arith.constant 2147483647 : i32
      %xor3A_288 = vector.broadcast %xor3A_287 : i32 to vector<16xi32>
      %xor3A_289 = arith.xori %broadcast_in_dim3A_283, %xor3A_288 : vector<16xi32>
      %select_n3A_290 = arith.select %ge3A_286, %broadcast_in_dim3A_283, %xor3A_289 : vector<16xi1>, vector<16xi32>
      %bitcast_convert_type3A_291 = tpu.bitcast %select_n3A_290 : vector<16xi32> -> vector<16xf32>
      %select_n3A_292 = arith.select %ge3A_276, %broadcast_in_dim3A_278, %bitcast_convert_type3A_291 : vector<16xf32>
      %swap3A_293 = arith.constant 0 : index
      %swap3A_294 = tpu.vector_load %arg8[%swap3A_293] {strides = array<i32>} : memref<16xf32, #tpu.memory_space<vmem>>, vector<16xf32>,
      tpu.vector_store %arg8[%swap3A_293], %select_n3A_292 {strides = array<i32>} : memref<16xf32, #tpu.memory_space<vmem>>, vector<16xf32>,
      %lt3A_295 = arith.constant 0 : i32
      %lt3A_296 = arith.cmpi slt, %sub3A_261, %lt3A_295 : i32
      %jit3A_297 = arith.constant 8191 : i32
      %jit3A_298 = arith.constant 0 : i32
      %select_n3A_299 = arith.select %lt3A_296, %jit3A_297, %jit3A_298 : i32
      %broadcast_in_dim3A_300 = vector.broadcast %select_n3A_299 : i32 to vector<16xi32>
      %swap3A_301 = arith.constant 0 : index
      %swap3A_302 = tpu.vector_load %arg10[%swap3A_301] {strides = array<i32>} : memref<16xi32, #tpu.memory_space<vmem>>, vector<16xi32>,
      tpu.vector_store %arg10[%swap3A_301], %broadcast_in_dim3A_300 {strides = array<i32>} : memref<16xi32, #tpu.memory_space<vmem>>, vector<16xi32>,
      %parallel_loop3A_303 = arith.constant 0 : i32
      %parallel_loop3A_304 = arith.constant 3136 : i32
      %parallel_loop3A_305 = arith.constant 1 : i32
      scf.for %parallel_loop3A_357 = %parallel_loop3A_303 to %parallel_loop3A_304 step %parallel_loop3A_305  : i32 {
        %parallel_loop3A_358 = arith.constant 16 : i32
        %parallel_loop3A_359 = arith.muli %parallel_loop3A_357, %parallel_loop3A_358 : i32
        %parallel_loop3A_360 = arith.index_cast %parallel_loop3A_359 : i32 to index
        %parallel_loop3A_361 = tpu.vector_load %arg5[%parallel_loop3A_360] {strides = array<i32>} : memref<50176xf32, #tpu.memory_space<vmem>>, vector<16xf32>,
        %parallel_loop3A_362 = tpu.bitcast %parallel_loop3A_361 : vector<16xf32> -> vector<16xi32>
        %parallel_loop3A_363 = arith.constant 0 : index
        %parallel_loop3A_364 = tpu.vector_load %arg7[%parallel_loop3A_363] {strides = array<i32>} : memref<16xf32, #tpu.memory_space<vmem>>, vector<16xf32>,
        %parallel_loop3A_365 = arith.cmpf oge, %parallel_loop3A_361, %parallel_loop3A_364 : vector<16xf32>
        %parallel_loop3A_366 = arith.constant 0 : index
        %parallel_loop3A_367 = tpu.vector_load %arg8[%parallel_loop3A_366] {strides = array<i32>} : memref<16xf32, #tpu.memory_space<vmem>>, vector<16xf32>,
        %parallel_loop3A_368 = arith.cmpf olt, %parallel_loop3A_361, %parallel_loop3A_367 : vector<16xf32>
        %parallel_loop3A_369 = arith.andi %parallel_loop3A_365, %parallel_loop3A_368 : vector<16xi1>
        %parallel_loop3A_370 = arith.constant 6 : i32
        %parallel_loop3A_371 = vector.broadcast %parallel_loop3A_370 : i32 to vector<16xi32>
        %parallel_loop3A_372 = arith.shrsi %parallel_loop3A_362, %parallel_loop3A_371 : vector<16xi32>
        %parallel_loop3A_373 = arith.constant 8191 : i32
        %parallel_loop3A_374 = vector.broadcast %parallel_loop3A_373 : i32 to vector<16xi32>
        %parallel_loop3A_375 = arith.andi %parallel_loop3A_372, %parallel_loop3A_374 : vector<16xi32>
        %parallel_loop3A_376 = arith.constant 0 : index
        %parallel_loop3A_377 = tpu.vector_load %arg10[%parallel_loop3A_376] {strides = array<i32>} : memref<16xi32, #tpu.memory_space<vmem>>, vector<16xi32>,
        %parallel_loop3A_378 = arith.xori %parallel_loop3A_375, %parallel_loop3A_377 : vector<16xi32>
        %parallel_loop3A_379 = arith.constant 8191 : i32
        %parallel_loop3A_380 = vector.broadcast %parallel_loop3A_379 : i32 to vector<16xi32>
        %parallel_loop3A_381 = arith.subi %parallel_loop3A_380, %parallel_loop3A_378 : vector<16xi32>
        tpu.vector_store_idx %arg6[%parallel_loop3A_381], %broadcast_in_dim3A_5 masked %parallel_loop3A_369 {add = true} : memref<8192xi32, #tpu.memory_space<vmem>>[vector<16xi32>], vector<16xi32>, vector<16xi1>
      } {sc.loop_unroll_factor = 16 : i64, sc.parallel_access}
      %sub3A_306 = arith.constant 2508 : i32
      %sub3A_307 = arith.subi %sub3A_306, %cond3A_250#1 : i32
      %while3A_308 = arith.constant 0 : i32
      %while3A_309 = arith.constant -1 : i32
      %while3A_310 = arith.constant 0 : i32
      %while3A_311:3 = scf.while (%while3A_357 = %while3A_308, %while3A_358 = %while3A_309, %while3A_359 = %while3A_310) : (i32, i32, i32) -> (i32, i32, i32) {
        %lt3A_360 = arith.constant 0 : i32
        %lt3A_361 = arith.cmpi slt, %while3A_358, %lt3A_360 : i32
        %lt3A_362 = arith.constant 64 : i32
        %lt3A_363 = arith.cmpi slt, %while3A_357, %lt3A_362 : i32
        %and3A = arith.andi %lt3A_361, %lt3A_363 : i1
        scf.condition(%and3A) %while3A_357, %while3A_358, %while3A_359 : i32, i32, i32
      } do {
      ^bb0(%while3A_357: i32, %while3A_358: i32, %while3A_359: i32):
        %mul3A_360 = arith.constant 8 : i32
        %mul3A_361 = arith.muli %while3A_357, %mul3A_360 : i32
        %add3A_362 = arith.constant 0 : i32
        %add3A_363 = arith.addi %mul3A_361, %add3A_362 : i32
        %mul3A_364 = arith.constant 16 : i32
        %mul3A_365 = arith.muli %add3A_363, %mul3A_364 : i32
        %get3A = arith.index_cast %mul3A_365 : i32 to index
        %get3A_366 = tpu.vector_load %arg6[%get3A] {strides = array<i32>} : memref<8192xi32, #tpu.memory_space<vmem>>, vector<16xi32>,
        %reduce_sum3A = arith.constant true
        %reduce_sum3A_367 = vector.broadcast %reduce_sum3A : i1 to vector<16xi1>
        %reduce_sum3A_368 = tpu.scan <sum>, %get3A_366 masked %reduce_sum3A_367 : vector<16xi32>, vector<16xi1> -> vector<16xi32>
        %reduce_sum3A_369 = vector.extract %reduce_sum3A_368[15] : i32 from vector<16xi32>
        %add3A_370 = arith.constant 0 : i32
        %add3A_371 = arith.addi %add3A_370, %reduce_sum3A_369 : i32
        %mul3A_372 = arith.constant 8 : i32
        %mul3A_373 = arith.muli %while3A_357, %mul3A_372 : i32
        %add3A_374 = arith.constant 1 : i32
        %add3A_375 = arith.addi %mul3A_373, %add3A_374 : i32
        %mul3A_376 = arith.constant 16 : i32
        %mul3A_377 = arith.muli %add3A_375, %mul3A_376 : i32
        %get3A_378 = arith.index_cast %mul3A_377 : i32 to index
        %get3A_379 = tpu.vector_load %arg6[%get3A_378] {strides = array<i32>} : memref<8192xi32, #tpu.memory_space<vmem>>, vector<16xi32>,
        %reduce_sum3A_380 = arith.constant true
        %reduce_sum3A_381 = vector.broadcast %reduce_sum3A_380 : i1 to vector<16xi1>
        %reduce_sum3A_382 = tpu.scan <sum>, %get3A_379 masked %reduce_sum3A_381 : vector<16xi32>, vector<16xi1> -> vector<16xi32>
        %reduce_sum3A_383 = vector.extract %reduce_sum3A_382[15] : i32 from vector<16xi32>
        %add3A_384 = arith.addi %add3A_371, %reduce_sum3A_383 : i32
        %mul3A_385 = arith.constant 8 : i32
        %mul3A_386 = arith.muli %while3A_357, %mul3A_385 : i32
        %add3A_387 = arith.constant 2 : i32
        %add3A_388 = arith.addi %mul3A_386, %add3A_387 : i32
        %mul3A_389 = arith.constant 16 : i32
        %mul3A_390 = arith.muli %add3A_388, %mul3A_389 : i32
        %get3A_391 = arith.index_cast %mul3A_390 : i32 to index
        %get3A_392 = tpu.vector_load %arg6[%get3A_391] {strides = array<i32>} : memref<8192xi32, #tpu.memory_space<vmem>>, vector<16xi32>,
        %reduce_sum3A_393 = arith.constant true
        %reduce_sum3A_394 = vector.broadcast %reduce_sum3A_393 : i1 to vector<16xi1>
        %reduce_sum3A_395 = tpu.scan <sum>, %get3A_392 masked %reduce_sum3A_394 : vector<16xi32>, vector<16xi1> -> vector<16xi32>
        %reduce_sum3A_396 = vector.extract %reduce_sum3A_395[15] : i32 from vector<16xi32>
        %add3A_397 = arith.addi %add3A_384, %reduce_sum3A_396 : i32
        %mul3A_398 = arith.constant 8 : i32
        %mul3A_399 = arith.muli %while3A_357, %mul3A_398 : i32
        %add3A_400 = arith.constant 3 : i32
        %add3A_401 = arith.addi %mul3A_399, %add3A_400 : i32
        %mul3A_402 = arith.constant 16 : i32
        %mul3A_403 = arith.muli %add3A_401, %mul3A_402 : i32
        %get3A_404 = arith.index_cast %mul3A_403 : i32 to index
        %get3A_405 = tpu.vector_load %arg6[%get3A_404] {strides = array<i32>} : memref<8192xi32, #tpu.memory_space<vmem>>, vector<16xi32>,
        %reduce_sum3A_406 = arith.constant true
        %reduce_sum3A_407 = vector.broadcast %reduce_sum3A_406 : i1 to vector<16xi1>
        %reduce_sum3A_408 = tpu.scan <sum>, %get3A_405 masked %reduce_sum3A_407 : vector<16xi32>, vector<16xi1> -> vector<16xi32>
        %reduce_sum3A_409 = vector.extract %reduce_sum3A_408[15] : i32 from vector<16xi32>
        %add3A_410 = arith.addi %add3A_397, %reduce_sum3A_409 : i32
        %mul3A_411 = arith.constant 8 : i32
        %mul3A_412 = arith.muli %while3A_357, %mul3A_411 : i32
        %add3A_413 = arith.constant 4 : i32
        %add3A_414 = arith.addi %mul3A_412, %add3A_413 : i32
        %mul3A_415 = arith.constant 16 : i32
        %mul3A_416 = arith.muli %add3A_414, %mul3A_415 : i32
        %get3A_417 = arith.index_cast %mul3A_416 : i32 to index
        %get3A_418 = tpu.vector_load %arg6[%get3A_417] {strides = array<i32>} : memref<8192xi32, #tpu.memory_space<vmem>>, vector<16xi32>,
        %reduce_sum3A_419 = arith.constant true
        %reduce_sum3A_420 = vector.broadcast %reduce_sum3A_419 : i1 to vector<16xi1>
        %reduce_sum3A_421 = tpu.scan <sum>, %get3A_418 masked %reduce_sum3A_420 : vector<16xi32>, vector<16xi1> -> vector<16xi32>
        %reduce_sum3A_422 = vector.extract %reduce_sum3A_421[15] : i32 from vector<16xi32>
        %add3A_423 = arith.addi %add3A_410, %reduce_sum3A_422 : i32
        %mul3A_424 = arith.constant 8 : i32
        %mul3A_425 = arith.muli %while3A_357, %mul3A_424 : i32
        %add3A_426 = arith.constant 5 : i32
        %add3A_427 = arith.addi %mul3A_425, %add3A_426 : i32
        %mul3A_428 = arith.constant 16 : i32
        %mul3A_429 = arith.muli %add3A_427, %mul3A_428 : i32
        %get3A_430 = arith.index_cast %mul3A_429 : i32 to index
        %get3A_431 = tpu.vector_load %arg6[%get3A_430] {strides = array<i32>} : memref<8192xi32, #tpu.memory_space<vmem>>, vector<16xi32>,
        %reduce_sum3A_432 = arith.constant true
        %reduce_sum3A_433 = vector.broadcast %reduce_sum3A_432 : i1 to vector<16xi1>
        %reduce_sum3A_434 = tpu.scan <sum>, %get3A_431 masked %reduce_sum3A_433 : vector<16xi32>, vector<16xi1> -> vector<16xi32>
        %reduce_sum3A_435 = vector.extract %reduce_sum3A_434[15] : i32 from vector<16xi32>
        %add3A_436 = arith.addi %add3A_423, %reduce_sum3A_435 : i32
        %mul3A_437 = arith.constant 8 : i32
        %mul3A_438 = arith.muli %while3A_357, %mul3A_437 : i32
        %add3A_439 = arith.constant 6 : i32
        %add3A_440 = arith.addi %mul3A_438, %add3A_439 : i32
        %mul3A_441 = arith.constant 16 : i32
        %mul3A_442 = arith.muli %add3A_440, %mul3A_441 : i32
        %get3A_443 = arith.index_cast %mul3A_442 : i32 to index
        %get3A_444 = tpu.vector_load %arg6[%get3A_443] {strides = array<i32>} : memref<8192xi32, #tpu.memory_space<vmem>>, vector<16xi32>,
        %reduce_sum3A_445 = arith.constant true
        %reduce_sum3A_446 = vector.broadcast %reduce_sum3A_445 : i1 to vector<16xi1>
        %reduce_sum3A_447 = tpu.scan <sum>, %get3A_444 masked %reduce_sum3A_446 : vector<16xi32>, vector<16xi1> -> vector<16xi32>
        %reduce_sum3A_448 = vector.extract %reduce_sum3A_447[15] : i32 from vector<16xi32>
        %add3A_449 = arith.addi %add3A_436, %reduce_sum3A_448 : i32
        %mul3A_450 = arith.constant 8 : i32
        %mul3A_451 = arith.muli %while3A_357, %mul3A_450 : i32
        %add3A_452 = arith.constant 7 : i32
        %add3A_453 = arith.addi %mul3A_451, %add3A_452 : i32
        %mul3A_454 = arith.constant 16 : i32
        %mul3A_455 = arith.muli %add3A_453, %mul3A_454 : i32
        %get3A_456 = arith.index_cast %mul3A_455 : i32 to index
        %get3A_457 = tpu.vector_load %arg6[%get3A_456] {strides = array<i32>} : memref<8192xi32, #tpu.memory_space<vmem>>, vector<16xi32>,
        %reduce_sum3A_458 = arith.constant true
        %reduce_sum3A_459 = vector.broadcast %reduce_sum3A_458 : i1 to vector<16xi1>
        %reduce_sum3A_460 = tpu.scan <sum>, %get3A_457 masked %reduce_sum3A_459 : vector<16xi32>, vector<16xi1> -> vector<16xi32>
        %reduce_sum3A_461 = vector.extract %reduce_sum3A_460[15] : i32 from vector<16xi32>
        %add3A_462 = arith.addi %add3A_449, %reduce_sum3A_461 : i32
        %add3A_463 = arith.addi %while3A_359, %add3A_462 : i32
        %ge3A_464 = arith.cmpi sge, %add3A_463, %sub3A_307 : i32
        %jit3A_465 = arith.constant -1 : i32
        %select_n3A_466 = arith.select %ge3A_464, %while3A_357, %jit3A_465 : i32
        %add3A_467 = arith.constant 1 : i32
        %add3A_468 = arith.addi %while3A_357, %add3A_467 : i32
        %add3A_469 = arith.addi %while3A_359, %add3A_462 : i32
        %select_n3A_470 = arith.select %ge3A_464, %while3A_359, %add3A_469 : i32
        scf.yield %add3A_468, %select_n3A_466, %select_n3A_470 : i32, i32, i32
      }
      %while3A_312 = arith.constant 0 : i32
      %while3A_313 = arith.constant -1 : i32
      %while3A_314 = arith.constant 0 : i32
      %while3A_315:4 = scf.while (%while3A_357 = %while3A_312, %while3A_358 = %while3A_313, %while3A_359 = %while3A_314, %while3A_360 = %while3A_311#2) : (i32, i32, i32, i32) -> (i32, i32, i32, i32) {
        %lt3A_361 = arith.constant 0 : i32
        %lt3A_362 = arith.cmpi slt, %while3A_358, %lt3A_361 : i32
        %lt3A_363 = arith.constant 8 : i32
        %lt3A_364 = arith.cmpi slt, %while3A_357, %lt3A_363 : i32
        %and3A = arith.andi %lt3A_362, %lt3A_364 : i1
        scf.condition(%and3A) %while3A_357, %while3A_358, %while3A_359, %while3A_360 : i32, i32, i32, i32
      } do {
      ^bb0(%while3A_357: i32, %while3A_358: i32, %while3A_359: i32, %while3A_360: i32):
        %mul3A_361 = arith.constant 8 : i32
        %mul3A_362 = arith.muli %while3A_311#1, %mul3A_361 : i32
        %add3A_363 = arith.addi %mul3A_362, %while3A_357 : i32
        %mul3A_364 = arith.constant 16 : i32
        %mul3A_365 = arith.muli %add3A_363, %mul3A_364 : i32
        %get3A = arith.index_cast %mul3A_365 : i32 to index
        %get3A_366 = tpu.vector_load %arg6[%get3A] {strides = array<i32>} : memref<8192xi32, #tpu.memory_space<vmem>>, vector<16xi32>,
        %reduce_sum3A = arith.constant true
        %reduce_sum3A_367 = vector.broadcast %reduce_sum3A : i1 to vector<16xi1>
        %reduce_sum3A_368 = tpu.scan <sum>, %get3A_366 masked %reduce_sum3A_367 : vector<16xi32>, vector<16xi1> -> vector<16xi32>
        %reduce_sum3A_369 = vector.extract %reduce_sum3A_368[15] : i32 from vector<16xi32>
        %broadcast_in_dim3A_370 = arith.constant true
        %broadcast_in_dim3A_371 = vector.broadcast %broadcast_in_dim3A_370 : i1 to vector<16xi1>
        %masked_cumsum3A = tpu.scan <sum>, %get3A_366 masked %broadcast_in_dim3A_371 : vector<16xi32>, vector<16xi1> -> vector<16xi32>
        %sub3A_372 = arith.subi %sub3A_307, %while3A_360 : i32
        %add3A_373 = arith.addi %while3A_360, %reduce_sum3A_369 : i32
        %ge3A_374 = arith.cmpi sge, %add3A_373, %sub3A_307 : i32
        %lt3A_375 = vector.broadcast %sub3A_372 : i32 to vector<16xi32>
        %lt3A_376 = arith.cmpi slt, %masked_cumsum3A, %lt3A_375 : vector<16xi32>
        %jit3A_377 = arith.constant 1 : i32
        %jit3A_378 = arith.constant 0 : i32
        %broadcast_in_dim3A_379 = vector.broadcast %jit3A_377 : i32 to vector<16xi32>
        %broadcast_in_dim3A_380 = vector.broadcast %jit3A_378 : i32 to vector<16xi32>
        %select_n3A_381 = arith.select %lt3A_376, %broadcast_in_dim3A_379, %broadcast_in_dim3A_380 : vector<16xi1>, vector<16xi32>
        %reduce_sum3A_382 = arith.constant true
        %reduce_sum3A_383 = vector.broadcast %reduce_sum3A_382 : i1 to vector<16xi1>
        %reduce_sum3A_384 = tpu.scan <sum>, %select_n3A_381 masked %reduce_sum3A_383 : vector<16xi32>, vector<16xi1> -> vector<16xi32>
        %reduce_sum3A_385 = vector.extract %reduce_sum3A_384[15] : i32 from vector<16xi32>
        %lt3A_386 = vector.broadcast %sub3A_372 : i32 to vector<16xi32>
        %lt3A_387 = arith.cmpi slt, %masked_cumsum3A, %lt3A_386 : vector<16xi32>
        %jit3A_388 = arith.constant 0 : i32
        %broadcast_in_dim3A_389 = vector.broadcast %jit3A_388 : i32 to vector<16xi32>
        %select_n3A_390 = arith.select %lt3A_387, %get3A_366, %broadcast_in_dim3A_389 : vector<16xi1>, vector<16xi32>
        %reduce_sum3A_391 = arith.constant true
        %reduce_sum3A_392 = vector.broadcast %reduce_sum3A_391 : i1 to vector<16xi1>
        %reduce_sum3A_393 = tpu.scan <sum>, %select_n3A_390 masked %reduce_sum3A_392 : vector<16xi32>, vector<16xi1> -> vector<16xi32>
        %reduce_sum3A_394 = vector.extract %reduce_sum3A_393[15] : i32 from vector<16xi32>
        %mul3A_395 = arith.constant 8 : i32
        %mul3A_396 = arith.muli %while3A_311#1, %mul3A_395 : i32
        %add3A_397 = arith.addi %mul3A_396, %while3A_357 : i32
        %mul3A_398 = arith.constant 16 : i32
        %mul3A_399 = arith.muli %add3A_397, %mul3A_398 : i32
        %add3A_400 = arith.addi %mul3A_399, %reduce_sum3A_385 : i32
        %jit3A_401 = arith.constant -1 : i32
        %select_n3A_402 = arith.select %ge3A_374, %add3A_400, %jit3A_401 : i32
        %add3A_403 = arith.addi %while3A_360, %reduce_sum3A_394 : i32
        %jit3A_404 = arith.constant 0 : i32
        %select_n3A_405 = arith.select %ge3A_374, %add3A_403, %jit3A_404 : i32
        %add3A_406 = arith.constant 1 : i32
        %add3A_407 = arith.addi %while3A_357, %add3A_406 : i32
        %add3A_408 = arith.addi %while3A_360, %reduce_sum3A_369 : i32
        scf.yield %add3A_407, %select_n3A_402, %select_n3A_405, %add3A_408 : i32, i32, i32, i32
      }
      %shift_left3A_316 = arith.constant 19 : i32
      %shift_left3A_317 = arith.shli %sub3A_261, %shift_left3A_316 : i32
      %sub3A_318 = arith.constant 8191 : i32
      %sub3A_319 = arith.subi %sub3A_318, %while3A_315#1 : i32
      %shift_left3A_320 = arith.constant 6 : i32
      %shift_left3A_321 = arith.shli %sub3A_319, %shift_left3A_320 : i32
      %or3A_322 = arith.ori %shift_left3A_317, %shift_left3A_321 : i32
      %broadcast_in_dim3A_323 = vector.broadcast %or3A_322 : i32 to vector<16xi32>
      %ge3A_324 = arith.constant 0 : i32
      %ge3A_325 = vector.broadcast %ge3A_324 : i32 to vector<16xi32>
      %ge3A_326 = arith.cmpi sge, %broadcast_in_dim3A_323, %ge3A_325 : vector<16xi32>
      %xor3A_327 = arith.constant 2147483647 : i32
      %xor3A_328 = vector.broadcast %xor3A_327 : i32 to vector<16xi32>
      %xor3A_329 = arith.xori %broadcast_in_dim3A_323, %xor3A_328 : vector<16xi32>
      %select_n3A_330 = arith.select %ge3A_326, %broadcast_in_dim3A_323, %xor3A_329 : vector<16xi1>, vector<16xi32>
      %bitcast_convert_type3A_331 = tpu.bitcast %select_n3A_330 : vector<16xi32> -> vector<16xf32>
      %swap3A_332 = arith.constant 0 : index
      %swap3A_333 = tpu.vector_load %arg9[%swap3A_332] {strides = array<i32>} : memref<16xf32, #tpu.memory_space<vmem>>, vector<16xf32>,
      tpu.vector_store %arg9[%swap3A_332], %bitcast_convert_type3A_331 {strides = array<i32>} : memref<16xf32, #tpu.memory_space<vmem>>, vector<16xf32>,
      %parallel_loop3A_334 = arith.constant 0 : i32
      %parallel_loop3A_335 = arith.constant 3136 : i32
      %parallel_loop3A_336 = arith.constant 1 : i32
      scf.for %parallel_loop3A_357 = %parallel_loop3A_334 to %parallel_loop3A_335 step %parallel_loop3A_336  : i32 {
        %parallel_loop3A_358 = arith.constant 16 : i32
        %parallel_loop3A_359 = arith.muli %parallel_loop3A_357, %parallel_loop3A_358 : i32
        %parallel_loop3A_360 = arith.index_cast %parallel_loop3A_359 : i32 to index
        %parallel_loop3A_361 = tpu.vector_load %arg5[%parallel_loop3A_360] {strides = array<i32>} : memref<50176xf32, #tpu.memory_space<vmem>>, vector<16xf32>,
        %parallel_loop3A_362 = arith.constant 0 : index
        %parallel_loop3A_363 = tpu.vector_load %arg9[%parallel_loop3A_362] {strides = array<i32>} : memref<16xf32, #tpu.memory_space<vmem>>, vector<16xf32>,
        %parallel_loop3A_364 = arith.cmpf oge, %parallel_loop3A_361, %parallel_loop3A_363 : vector<16xf32>
        %parallel_loop3A_365 = arith.constant 0.000000e+00 : f32
        %parallel_loop3A_366 = vector.broadcast %parallel_loop3A_365 : f32 to vector<16xf32>
        %parallel_loop3A_367 = arith.select %parallel_loop3A_364, %parallel_loop3A_361, %parallel_loop3A_366 : vector<16xi1>, vector<16xf32>
        %parallel_loop3A_368 = arith.constant 16 : i32
        %parallel_loop3A_369 = arith.muli %parallel_loop3A_357, %parallel_loop3A_368 : i32
        %parallel_loop3A_370 = arith.index_cast %parallel_loop3A_369 : i32 to index
        %parallel_loop3A_371 = tpu.vector_load %arg5[%parallel_loop3A_370] {strides = array<i32>} : memref<50176xf32, #tpu.memory_space<vmem>>, vector<16xf32>,
        tpu.vector_store %arg5[%parallel_loop3A_370], %parallel_loop3A_367 {strides = array<i32>} : memref<50176xf32, #tpu.memory_space<vmem>>, vector<16xf32>,
      } {sc.loop_unroll_factor = 16 : i64, sc.parallel_access}
      %dma_start3A_337 = arith.constant 0 : i32
      %dma_start3A_338 = tpu.memref_slice %arg5[%dma_start3A_337] : memref<50176xf32, #tpu.memory_space<vmem>> -> memref<25088xf32, #tpu.memory_space<vmem>>
      %dma_start3A_339 = arith.constant 0 : i32
      %dma_start3A_340 = tpu.memref_slice %arg3[%add3A_201, %dma_start3A_339] : memref<1536x50176xf32, #tpu.memory_space<hbm>> -> memref<1x25088xf32, #tpu.memory_space<hbm>>
      %dma_start3A_341 = tpu.memref_squeeze %dma_start3A_340 : memref<1x25088xf32, #tpu.memory_space<hbm>> -> memref<25088xf32, #tpu.memory_space<hbm>>
      %dma_start3A_342 = arith.constant 0 : i32
      %dma_start3A_343 = tpu.memref_slice %arg3[%add3A_201, %dma_start3A_342] : memref<1536x50176xf32, #tpu.memory_space<hbm>> -> memref<1x25088xf32, #tpu.memory_space<hbm>>
      %dma_start3A_344 = tpu.memref_squeeze %dma_start3A_343 : memref<1x25088xf32, #tpu.memory_space<hbm>> -> memref<25088xf32, #tpu.memory_space<hbm>>
      %dma_start3A_345 = arith.constant 0 : i32
      %dma_start3A_346 = tpu.memref_slice %arg5[%dma_start3A_345] : memref<50176xf32, #tpu.memory_space<vmem>> -> memref<25088xf32, #tpu.memory_space<vmem>>
      tpu.enqueue_dma source(%dma_start3A_346 : memref<25088xf32, #tpu.memory_space<vmem>>) target(%dma_start3A_344 : memref<25088xf32, #tpu.memory_space<hbm>>) target_semaphore(%arg14 : memref<!tpu.dma_semaphore, #tpu.memory_space<semaphore_mem>>)
      %dma_start3A_347 = arith.constant 25088 : i32
      %dma_start3A_348 = tpu.memref_slice %arg5[%dma_start3A_347] : memref<50176xf32, #tpu.memory_space<vmem>> -> memref<25088xf32, #tpu.memory_space<vmem>>
      %dma_start3A_349 = arith.constant 25088 : i32
      %dma_start3A_350 = tpu.memref_slice %arg3[%add3A_201, %dma_start3A_349] : memref<1536x50176xf32, #tpu.memory_space<hbm>> -> memref<1x25088xf32, #tpu.memory_space<hbm>>
      %dma_start3A_351 = tpu.memref_squeeze %dma_start3A_350 : memref<1x25088xf32, #tpu.memory_space<hbm>> -> memref<25088xf32, #tpu.memory_space<hbm>>
      %dma_start3A_352 = arith.constant 25088 : i32
      %dma_start3A_353 = tpu.memref_slice %arg3[%add3A_201, %dma_start3A_352] : memref<1536x50176xf32, #tpu.memory_space<hbm>> -> memref<1x25088xf32, #tpu.memory_space<hbm>>
      %dma_start3A_354 = tpu.memref_squeeze %dma_start3A_353 : memref<1x25088xf32, #tpu.memory_space<hbm>> -> memref<25088xf32, #tpu.memory_space<hbm>>
      %dma_start3A_355 = arith.constant 25088 : i32
      %dma_start3A_356 = tpu.memref_slice %arg5[%dma_start3A_355] : memref<50176xf32, #tpu.memory_space<vmem>> -> memref<25088xf32, #tpu.memory_space<vmem>>
      tpu.enqueue_dma source(%dma_start3A_356 : memref<25088xf32, #tpu.memory_space<vmem>>) target(%dma_start3A_354 : memref<25088xf32, #tpu.memory_space<hbm>>) target_semaphore(%arg14 : memref<!tpu.dma_semaphore, #tpu.memory_space<semaphore_mem>>)
    }
    %scan3A_29 = arith.constant 24 : i32
    %add3A_30 = arith.constant 48 : i32
    %add3A_31 = arith.addi %mul3A_2, %add3A_30 : i32
    %sub3A = arith.constant 1 : i32
    %sub3A_32 = arith.subi %add3A_31, %sub3A : i32
    %dma_wait3A = arith.constant 0 : i32
    %dma_wait3A_33 = tpu.memref_slice %arg5[%dma_wait3A] : memref<50176xf32, #tpu.memory_space<vmem>> -> memref<25088xf32, #tpu.memory_space<vmem>>
    %dma_wait3A_34 = arith.constant 0 : i32
    %dma_wait3A_35 = tpu.memref_slice %arg3[%sub3A_32, %dma_wait3A_34] : memref<1536x50176xf32, #tpu.memory_space<hbm>> -> memref<1x25088xf32, #tpu.memory_space<hbm>>
    %dma_wait3A_36 = tpu.memref_squeeze %dma_wait3A_35 : memref<1x25088xf32, #tpu.memory_space<hbm>> -> memref<25088xf32, #tpu.memory_space<hbm>>
    %dma_wait3A_37 = arith.constant 0 : i32
    %dma_wait3A_38 = tpu.memref_slice %arg3[%sub3A_32, %dma_wait3A_37] : memref<1536x50176xf32, #tpu.memory_space<hbm>> -> memref<1x25088xf32, #tpu.memory_space<hbm>>
    %dma_wait3A_39 = tpu.memref_squeeze %dma_wait3A_38 : memref<1x25088xf32, #tpu.memory_space<hbm>> -> memref<25088xf32, #tpu.memory_space<hbm>>
    %dma_wait3A_40 = arith.constant 0 : i32
    %dma_wait3A_41 = tpu.memref_slice %arg5[%dma_wait3A_40] : memref<50176xf32, #tpu.memory_space<vmem>> -> memref<25088xf32, #tpu.memory_space<vmem>>
    tpu.wait_dma2 semaphore(%arg14 : memref<!tpu.dma_semaphore, #tpu.memory_space<semaphore_mem>>) src(%dma_wait3A_41 : memref<25088xf32, #tpu.memory_space<vmem>>) dst(%dma_wait3A_39 : memref<25088xf32, #tpu.memory_space<hbm>>)
    %dma_wait3A_42 = arith.constant 25088 : i32
    %dma_wait3A_43 = tpu.memref_slice %arg5[%dma_wait3A_42] : memref<50176xf32, #tpu.memory_space<vmem>> -> memref<25088xf32, #tpu.memory_space<vmem>>
    %dma_wait3A_44 = arith.constant 25088 : i32
    %dma_wait3A_45 = tpu.memref_slice %arg3[%sub3A_32, %dma_wait3A_44] : memref<1536x50176xf32, #tpu.memory_space<hbm>> -> memref<1x25088xf32, #tpu.memory_space<hbm>>
    %dma_wait3A_46 = tpu.memref_squeeze %dma_wait3A_45 : memref<1x25088xf32, #tpu.memory_space<hbm>> -> memref<25088xf32, #tpu.memory_space<hbm>>
    %dma_wait3A_47 = arith.constant 25088 : i32
    %dma_wait3A_48 = tpu.memref_slice %arg3[%sub3A_32, %dma_wait3A_47] : memref<1536x50176xf32, #tpu.memory_space<hbm>> -> memref<1x25088xf32, #tpu.memory_space<hbm>>
    %dma_wait3A_49 = tpu.memref_squeeze %dma_wait3A_48 : memref<1x25088xf32, #tpu.memory_space<hbm>> -> memref<25088xf32, #tpu.memory_space<hbm>>
    %dma_wait3A_50 = arith.constant 25088 : i32
    %dma_wait3A_51 = tpu.memref_slice %arg5[%dma_wait3A_50] : memref<50176xf32, #tpu.memory_space<vmem>> -> memref<25088xf32, #tpu.memory_space<vmem>>
    tpu.wait_dma2 semaphore(%arg14 : memref<!tpu.dma_semaphore, #tpu.memory_space<semaphore_mem>>) src(%dma_wait3A_51 : memref<25088xf32, #tpu.memory_space<vmem>>) dst(%dma_wait3A_49 : memref<25088xf32, #tpu.memory_space<hbm>>)
    return
  }
}

</mosaic_0001>

<sc_bundles>
// kernel: kernel.3.cloned.1.call-start
scs
__scs_entry_jumppad:
0x0: {  	(pc) =	sbr.rel $0x88, $3  }
0x1: {  	(tag) =	ssettag $0x0;
	lr =	simm.s32 $0x1  }
0x2: {  	[smem:$0x3FA0] =	sst lr;
	_ =	strace $0xD0000000  }
0x3: {  	_ = 	snop  }
0x4: {  	_ = 	snop  }
0x5: {  	_ = 	snop  }
0x6: {  	_ = 	snop  }
0x7: {  	_ = 	snop  }
__scs_overlays_trampoline_lowered:
0x8: {  	[smem:$0x3FAF] =	sst s0  }
0x9: {  	[smem:$0x3FB0] =	sst s1  }
0xa: {  	[smem:$0x3FB1] =	sst s2  }
0xb: {  	[smem:$0x3FB2] =	sst s3  }
0xc: {  	[smem:$0x3FB3] =	sst s4  }
0xd: {  	[smem:$0x3FB4] =	sst s5  }
0xe: {  	[smem:$0x3FB5] =	sst s6  }
0xf: {  	[smem:$0x3FB6] =	sst s7  }
0x10: {  	[smem:$0x3FB7] =	sst s8  }
0x11: {  	[smem:$0x3FB8] =	sst s9;
	s0 =	simm.s32 @!p0 $0x0  }
0x12: {  	s1 =	sld [smem:$0x3F9E];
	s0 =	simm.s32 @p0 $0x1  }
0x13: {  	[smem:$0x3FB9] =	sst s0;
	s0 =	simm.s32 @!p1 $0x0  }
0x14: {  	s2 =	sld [smem:$0x3F9D];
	s0 =	simm.s32 @p1 $0x1  }
0x15: {  	[smem:$0x3FBA] =	sst s0;
	s0 =	simm.s32 @!p2 $0x0  }
0x16: {  	s3 =	sld [smem:$0x3FDB];
	s0 =	simm.s32 @p2 $0x1  }
0x17: {  	s4 =	simm.s32 $0x1BF5;
	[smem:$0x3FBC] =	sst s0  }
0x18: {  	s0 =	sld [smem:$0x3F9F];
	_ =	swait.ge [sflag:s4], $0x0  }
0x19: {  	s7 =	sld [smem:$0x3FA0]  }
0x1a: {  	s8 =	sadd.s32 $0xFFFFE003, lr  }
0x1b: {  	s9 =	sadd.s32 $0xFFFFFEF7, lr;
	s5 =	simm.s32 $0xFFFFFFFF;
	p2 =	slt.u32 s8, $0xFFFFF086  }
0x1c: {  	p1 =	slt.u32 s9, $0xF7A;
	s5 =	simm.s32 @!p2 $0x0  }
0x1d: {  	s5 =	simm.s32 @p1 $0x1;
	p0 =	seq.s32 s7, s2  }
0x1e: {  	s7 =	smul.u32 @!p0 $0xF7A, s2;
	p2 =	seq.s32 @!p0 s5, $0x0  }
0x1f: {  	s9 =	smul.u32 $0xF7A, s1;
	s8 =	simm.s32 @!p0 $0x1BF5;
	p2 =	por !p2, p0  }
0x20: {  	[sflag:s8] =	ssyncset.s32 @!p0 $0xFFFFF086;
	s6 =	sadd.s32 @!p0 s3, s7;
	s7 =	simm.s32 @!p0 $0x108  }
0x21: {  	s3 =	sadd.s32 s3, s9;
	s6 =	sadd.s32 @!p0 $0x88, s6;
	s7 =	simm.s32 @p2 $0x1082  }
0x22: {  	[simem:s7], [sflag:s8] =	dma.local @!p0 [hbm:s6], $0xF7A  }
0x23: {  	s9 =	sor.u32 $0xD0000000, s2;
	s6 =	simm.s32 $0x108;
	_ =	swait.ge @!p0 [sflag:s8], $0x0  }
0x24: {  	s3 =	sadd.s32 $0x88, s3;
	s6 =	simm.s32 @!p1 $0x1082;
	[sflag:s4] =	ssyncset.s32 $0xFFFFF086  }
0x25: {  	[simem:s6], [sflag:s4] =	dma.local [hbm:s3], $0xF7A  }
0x26: {  	[smem:$0x3FA0] =	sst s1;
	(tag) =	ssettag s2;
	_ =	strace s9  }
0x27: {  	s1 =	sld [smem:$0x3FB0]  }
0x28: {  	s2 =	sld [smem:$0x3FB1]  }
0x29: {  	s4 =	sld [smem:$0x3FB3]  }
0x2a: {  	p0 =	seq.s32 s5, $0x0;
	s5 =	sld [smem:$0x3FB4]  }
0x2b: {  	s6 =	sld [smem:$0x3FB5]  }
0x2c: {  	s7 =	sld [smem:$0x3FB6]  }
0x2d: {  	s3 =	simm.s32 $0x108;
	s8 =	sld [smem:$0x3FB7]  }
0x2e: {  	s3 =	simm.s32 @!p0 $0x1082;
	s9 =	sld [smem:$0x3FB8]  }
0x2f: {  	lr =	sadd.s32 s0, s3;
	s0 =	sld [smem:$0x3FAF]  }
0x30: {  	s3 =	sld [smem:$0x3FB2]  }
0x31: {  	[smem:$0x3FBB] =	sst s10  }
0x32: {  	s10 =	sld [smem:$0x3FB9];
	_ =	sdelay $0x3  }
0x33: {  	p0 =	seq.s32 s10, $0x1;
	s10 =	sld [smem:$0x3FBB];
	_ =	sdelay $0x3  }
0x34: {  	[smem:$0x3FBB] =	sst s10  }
0x35: {  	s10 =	sld [smem:$0x3FBA];
	_ =	sdelay $0x3  }
0x36: {  	p1 =	seq.s32 s10, $0x1;
	s10 =	sld [smem:$0x3FBB];
	_ =	sdelay $0x3  }
0x37: {  	[smem:$0x3FBB] =	sst s10  }
0x38: {  	s10 =	sld [smem:$0x3FBC]  }
0x39: {  	_ = 	snop;
	(pc) =	sbr.ind lr, $3  }
0x3a: {  	_ = 	snop  }
0x3b: {  	_ = 	snop  }
0x3c: {  	p2 =	seq.s32 s10, $0x1;
	s10 =	sld [smem:$0x3FBB]  }
0x3d: {  	_ =	shalt  }
0x3e: {  	_ =	shalt  }
0x3f: {  	_ =	shalt  }
0x40: {  	_ =	shalt  }
0x41: {  	_ =	shalt  }
0x42: {  	_ =	shalt  }
0x43: {  	_ =	shalt  }
0x44: {  	_ =	shalt  }
0x45: {  	_ =	shalt  }
0x46: {  	_ =	shalt  }
0x47: {  	_ =	shalt  }
0x48: {  	_ =	shalt  }
0x49: {  	_ =	shalt  }
0x4a: {  	_ =	shalt  }
0x4b: {  	_ =	shalt  }
0x4c: {  	_ =	shalt  }
0x4d: {  	_ =	shalt  }
0x4e: {  	_ =	shalt  }
0x4f: {  	_ =	shalt  }
0x50: {  	_ =	shalt  }
0x51: {  	_ =	shalt  }
0x52: {  	_ =	shalt  }
0x53: {  	_ =	shalt  }
0x54: {  	_ =	shalt  }
0x55: {  	_ =	shalt  }
0x56: {  	_ =	shalt  }
0x57: {  	_ =	shalt  }
0x58: {  	_ =	shalt  }
0x59: {  	_ =	shalt  }
0x5a: {  	_ =	shalt  }
0x5b: {  	_ =	shalt  }
0x5c: {  	_ =	shalt  }
0x5d: {  	_ =	shalt  }
0x5e: {  	_ =	shalt  }
0x5f: {  	_ =	shalt  }
0x60: {  	_ =	shalt  }
0x61: {  	_ =	shalt  }
0x62: {  	_ =	shalt  }
0x63: {  	_ =	shalt  }
0x64: {  	_ =	shalt  }
0x65: {  	_ =	shalt  }
0x66: {  	_ =	shalt  }
0x67: {  	_ =	shalt  }
0x68: {  	_ =	shalt  }
0x69: {  	_ =	shalt  }
0x6a: {  	_ =	shalt  }
0x6b: {  	_ =	shalt  }
0x6c: {  	_ =	shalt  }
0x6d: {  	_ =	shalt  }
0x6e: {  	_ =	shalt  }
0x6f: {  	_ =	shalt  }
0x70: {  	_ =	shalt  }
0x71: {  	_ =	shalt  }
0x72: {  	_ =	shalt  }
0x73: {  	_ =	shalt  }
0x74: {  	_ =	shalt  }
0x75: {  	_ =	shalt  }
0x76: {  	_ =	shalt  }
0x77: {  	_ =	shalt  }
0x78: {  	_ =	shalt  }
0x79: {  	_ =	shalt  }
0x7a: {  	_ =	shalt  }
0x7b: {  	_ =	shalt  }
0x7c: {  	_ =	shalt  }
0x7d: {  	_ =	shalt  }
0x7e: {  	_ =	shalt  }
0x7f: {  	_ =	shalt  }
0x80: {  	_ =	shalt  }
0x81: {  	_ =	shalt  }
0x82: {  	_ =	shalt  }
0x83: {  	_ =	shalt  }
0x84: {  	_ =	shalt  }
0x85: {  	_ =	shalt  }
0x86: {  	_ =	shalt  }
0x87: {  	_ =	shalt  }
.Lfunc_end0:
.L_simem_size_0:
called_computation_lowered:
.L_overlay_start_0:
0x88: {  	s2 =	sld [smem:$0x3FD9]  }
0x89: {  	s3 =	sld [smem:$0x3FFE];
	_ =	sdelay $0x1  }
0x8a: {  	s1 =	srdreg.scid  }
0x8b: {  	s0 =	sand.u32 $0x1, s1  }
0x8c: {  	s17 =	sshll.u32 s0, $0xA;
	s2 =	sadd.s32 s3, s2  }
0x8d: {  	s2 =	sadd.s32 s2, s17  }
0x8e: {  	[smem:$0x3FC7] =	sst s2  }
0x8f: {  	_ = 	snop  }
0x90: {  	s2 =	sld [smem:$0x3FD0];
	(tm) =	ssettm $0x1  }
0x91: {  	s18 =	sld [smem:$0x3FFB];
	_ =	sdelay $0x3  }
0x92: {  	_ =	strace s18  }
0x93: {  	s3 =	sld [smem:$0x3FFC];
	_ =	sdelay $0x3  }
0x94: {  	_ =	strace s3  }
0x95: {  	s3 =	sld [smem:$0x3FFD];
	_ =	sdelay $0x3  }
0x96: {  	_ =	strace s3  }
0x97: {  	_ =	strace $0x8FFFFFFF  }
0x98: {  	s19 =	sld [smem:$0x3FDB];
	_ =	sdelay $0x1  }
0x99: {  	s4 =	simm.s32 $_scs_section_size  }
0x9a: {  	s5 =	simm.s32 $_size__tile_overlayer_lowered;
	s6 =	simm.s32 $_tile_overlayer_lowered  }
0x9b: {  	s22 =	simm.s32 $0x1BFF;
	s21 =	sshll.u32 s6, $0x1;
	s3 =	sadd.s32 s4, s19  }
0x9c: {  	s7 =	simm.s32 $0x0;
	s20 =	sshll.u32 s5, $0x1;
	s5 =	sadd.s32 s21, s3  }
0x9d: {  	[timem:s7], [sflag:s22] =	dma.local [hbm:s5], s20  }
0x9e: {  	_ =	swait.ge [sflag:s22], s20  }
0x9f: {  	s4 =	ssub.s32 $0x0, s20;
	[sflag:s22] =	ssyncset.done $0x0  }
0xa0: {  	[sflag:s22] =	ssyncadd.s32 s4;
	_ =	sdelay $0x1  }
0xa1: {  	s23 =	simm.s32 $0x1B8B  }
0xa2: {  	_ =	swait.ge [sflag:s23], $0x1  }
0xa3: {  	[sflag:s23] =	ssyncset.done $0x0  }
0xa4: {  	s25 =	simm.s32 $0x1B8E;
	s24 =	sld [smem:$0x3FFE];
	[sflag:s23] =	ssyncadd.s32 $0xFFFFFFFF  }
0xa5: {  	s26 =	simm.s32 $execute0_lowered;
	[smem:$0x3FD2] =	sst s25  }
0xa6: {  	s5 =	sshll.u32 s26, $0x1;
	_ =	strace $0x80000046;
	[dreg:$0x1] =	wrdreg $0xFFFFFFFF  }
0xa7: {  	s28 =	simm.s32 $_size_execute0_lowered;
	s3 =	sadd.s32 s3, s5;
	[dreg:$0x0] =	wrdreg $0x0  }
0xa8: {  	s5 =	sshll.u32 s28, $0x1;
	[dreg:$0x2] =	wrdreg s3  }
0xa9: {  	[dreg:$0x3] =	wrdreg s5  }
0xaa: {  	[dreg:$0x4] =	wrdreg $0xC0  }
0xab: {  	_ =	task [dreg:s7], $0x5FFFF  }
0xac: {  	[dreg:$0x1] =	wrdreg $0xFFFFFFFF  }
0xad: {  	[dreg:$0x0] =	wrdreg $0x60  }
0xae: {  	[dreg:$0x2] =	wrdreg s2  }
0xaf: {  	[dreg:$0x3] =	wrdreg s24  }
0xb0: {  	[dreg:$0x4] =	wrdreg $0x9  }
0xb1: {  	_ =	task.clear_ibuf [dreg:s7], $0x5FFFF;
	_ =	strace $0x90000046  }
0xb2: {  	s29 =	simm.s32 $0x9;
	_ =	strace $0x80000048  }
0xb3: {  	_ =	swait.ge [sflag:s29], $0x1  }
0xb4: {  	[sflag:s29] =	ssyncadd.s32 $0xFFFFFFFF  }
0xb5: {  	_ =	strace $0x90000048  }
0xb6: {  	_ =	sfence  }
0xb7: {  	s30 =	sld [smem:$0x0];
	_ =	sdelay $0x2  }
0xb8: {  	s31 =	sshll.u32 s1, $0xD;
	s1 =	sshrl.u32 s1, $0x2  }
0xb9: {  	s3 =	sand.u32 $0x4000, s31;
	s1 =	sadd.s32 s1, s30  }
0xba: {  	s0 =	sor.u32 s3, s0;
	s1 =	sshll.u32 s1, $0x11  }
0xbb: {  	s0 =	sor.u32 s1, s0  }
0xbc: {  	s0 =	sadd.s32 $0x8F2B, s0  }
0xbd: {  	[sflag:s0] =	ssyncadd.remote.s32 $0x1  }
0xbe: {  	_ =	sfence.sel $0xFFFF  }
0xbf: {  	[dreg:$0x0] =	wrdreg $0xFFFFFFFF;
	(pc) =	sbr.abs _section_cstart, $3  }
0xc0: {  	[dreg:$0x1] =	wrdreg $0xFFFFFFFF  }
0xc1: {  	_ =	task.clear_ibuf [dreg:s7], $0x2FFFF;
	_ =	strace $0x9FFFFFFF  }
0xc2: {  	(tm) =	ssettm $0x7FFFFFFF  }
0xc3: {  	_ =	shalt  }
tec
execute0_lowered:
.L_overlay_start_1:
0x0: {  	(tag) =	ssettag $0x1  }
0x1: {  	s0 =	srdreg.scid;
	s1 =	stileid.u32  }
0x2: {  	s3 =	rddreg [dreg:$0x0];
	s0 =	sand.u32 $0x1, s0;
	s1 =	sshll.u32 s1, $0x1  }
0x3: {  	s6 =	rddreg [dreg:$0x1];
	s1 =	sor.u32 s0, s1  }
0x4: {  	s4 =	simm.s32 $0x0;
	s9 =	simm.s32 $0x80;
	s2 =	smul.u32 $0x30, s1  }
0x5: {  	s10 =	simm.s32 $0x400;
	s11 =	simm.s32 $0x6200;
	s12 =	simm.s32 $0x1  }
0x6: {  	s13 =	simm.s32 $0x18800;
	s14 =	simm.s32 $0xC400;
	s1 =	sshrl.u32 s2, $0x3  }
0x7: {  	s15 =	simm.s32 $0x12600;
	s0 =	ssub.s32 $0x2, s0;
	s1 =	smul.u32 $0x62000, s1  }
0x8: {  	s16 =	simm.s32 $0x2;
	s17 =	simm.s32 $0x3;
	s7 =	sshrl.u32 s0, $0x1  }
0x9: {  	s18 =	simm.s32 $0x4;
	s0 =	ssub.s32 s0, s7;
	s1 =	sshrl.u32 s1, $0x3  }
0xa: {  	[smem:$0x7FF] =	sst s4;
	s0 =	smax.u32 s0, $0x1;
	s5 =	sadd.s32 s3, s1  }
0xb: {  	_ =	strace $0x80000047;
	[dreg:$0x4] =	wrdreg s0;
	s1 =	sadd.s32 $0x6200, s5  }
0xc: {  	v0 =	vimm.s32 $0x0;
	v1 =	vimm.s32 $0x1;
	s19 =	simm.s32 $0x0;
	s6 =	sadd.s32 $0x400, s6;
	[dreg:$0x3] =	wrdreg s1  }
.LBB2_1:
0xd: {  	[tilespmem:s4], [sflag:$0x1] =	stream.strided.gather [hbm4b:s5+s9], $0x6200, s10, s9, $0x38;
	[tilespmem:$0x1AA00] =	vst v63  }
0xe: {  	s0 =	rddreg [dreg:$0x3];
	s20 =	simm.s32 $0x0  }
0xf: {  	[tilespmem:s11], [sflag:$0x1] =	stream.strided.gather [hbm4b:s0+s9], $0x6200, s10, s9, $0x38;
	[tilespmem:$0x1AA00] =	vst v63  }
.LBB2_2:
0x10: {  	_ =	swait.ge [sflag:s12], $0x6200  }
0x11: {  	[sflag:s12] =	ssyncset.done $0x0  }
0x12: {  	[sflag:s12] =	ssyncadd.s32 $0xFFFF9E00  }
0x13: {  	_ =	swait.ge [sflag:s12], $0x6200  }
0x14: {  	[sflag:s12] =	ssyncset.done $0x0  }
0x15: {  	s1 =	simm.s32 $0x18880;
	[sflag:s12] =	ssyncadd.s32 $0xFFFF9E00  }
0x16: {  	[tilespmem:s1+$0xFFFFFF80] =	vst v0  }
0x17: {  	[tilespmem:s1+$0x70] =	vst v0  }
0x18: {  	[tilespmem:s1+$0x60] =	vst v0  }
0x19: {  	[tilespmem:s1+$0x50] =	vst v0  }
0x1a: {  	[tilespmem:s1+$0x40] =	vst v0  }
0x1b: {  	[tilespmem:s1+$0x30] =	vst v0  }
0x1c: {  	[tilespmem:s1+$0x20] =	vst v0  }
0x1d: {  	[tilespmem:s1+$0x10] =	vst v0  }
0x1e: {  	[tilespmem:s1+$0x0] =	vst v0  }
0x1f: {  	[tilespmem:s1+$0xFFFFFFF0] =	vst v0  }
0x20: {  	[tilespmem:s1+$0xFFFFFFE0] =	vst v0  }
0x21: {  	[tilespmem:s1+$0xFFFFFFD0] =	vst v0  }
0x22: {  	[tilespmem:s1+$0xFFFFFFC0] =	vst v0  }
0x23: {  	[tilespmem:s1+$0xFFFFFFB0] =	vst v0  }
0x24: {  	s21 =	simm.s32 $0x0;
	[tilespmem:s1+$0xFFFFFFA0] =	vst v0  }
.LBB2_3:
0x25: {  	s21 =	sadd.s32 $0x10, s21;
	[tilespmem:s1+$0xFFFFFF90] =	vst v0;
	s1 =	sadd.s32 $0x100, s1  }
0x26: {  	[tilespmem:s1+$0xFFFFFF80] =	vst v0;
	p0 =	slt.u32 s21, $0x1F0  }
0x27: {  	[tilespmem:s1+$0x70] =	vst v0  }
0x28: {  	[tilespmem:s1+$0x60] =	vst v0  }
0x29: {  	[tilespmem:s1+$0x50] =	vst v0  }
0x2a: {  	[tilespmem:s1+$0x40] =	vst v0  }
0x2b: {  	[tilespmem:s1+$0x30] =	vst v0  }
0x2c: {  	[tilespmem:s1+$0x20] =	vst v0  }
0x2d: {  	[tilespmem:s1+$0x10] =	vst v0  }
0x2e: {  	[tilespmem:s1+$0x0] =	vst v0  }
0x2f: {  	[tilespmem:s1+$0xFFFFFFF0] =	vst v0  }
.Ltmp0:
0x30: {  	[tilespmem:s1+$0xFFFFFFE0] =	vst v0;
	(pc) =	sbr.rel @p0 .LBB2_3-.Ltmp0, $4  }
0x31: {  	[tilespmem:s1+$0xFFFFFFD0] =	vst v0  }
0x32: {  	[tilespmem:s1+$0xFFFFFFC0] =	vst v0  }
0x33: {  	[tilespmem:s1+$0xFFFFFFB0] =	vst v0  }
0x34: {  	[tilespmem:s1+$0xFFFFFFA0] =	vst v0  }
0x35: {  	[tilespmem:s1+$0xFFFFFF90] =	vst v0;
	s21 =	simm.s32 $0x80  }
0x36: {  	v4 =	vld [tilespmem:s21+$0xFFFFFFB0]  }
0x37: {  	v2 =	vld [tilespmem:s21+$0xFFFFFFC0]  }
0x38: {  	v3 =	vld [tilespmem:s21+$0xFFFFFFD0]  }
0x39: {  	v5 =	vld [tilespmem:s21+$0xFFFFFF80]  }
0x3a: {  	v6 =	vld [tilespmem:s21+$0x70]  }
0x3b: {  	v7 =	vld [tilespmem:s21+$0x60]  }
0x3c: {  	v8 =	vld [tilespmem:s21+$0x50]  }
0x3d: {  	v9 =	vld [tilespmem:s21+$0x40]  }
0x3e: {  	v10 =	vshra.s32 v5, $0x13;
	vm0 =	vgt.s32 v5, $0xFFFFFFFF;
	v5 =	vld [tilespmem:s21+$0x30]  }
0x3f: {  	v11 =	vld [tilespmem:s21+$0x20]  }
0x40: {  	v56 =	vld [tilespmem:s21+$0x0];
	v12 =	vshra.s32 v6, $0x13;
	vm1 =	vgt.s32 v6, $0xFFFFFFFF;
	v10 =	vsub.s32 $0xFFF, v10  }
0x41: {  	v14 =	vld [tilespmem:s21+$0xFFFFFFF0];
	v13 =	vshra.s32 v7, $0x13;
	vm2 =	vgt.s32 v7, $0xFFFFFFFF;
	v7 =	vsub.s32 $0xFFF, v12  }
0x42: {  	v6 =	vld [tilespmem:s21+$0x10];
	v13 =	vsub.s32 $0xFFF, v13  }
0x43: {  	v15 =	vld [tilespmem:s21+$0xFFFFFFE0];
	v16 =	vshra.s32 v5, $0x13;
	vm3 =	vgt.s32 v5, $0xFFFFFFFF  }
0x44: {  	v59 =	vld [tilespmem:s21+$0xFFFFFFA0];
	vm4 =	vgt.s32 v9, $0xFFFFFFFF;
	v5 =	vshra.s32 v9, $0x13;
	v57 =	vsub.s32 $0xFFF, v16  }
0x45: {  	v58 =	vshra.s32 v11, $0x13;
	[tilespmem:v10+s13+$0x0] =	vst.idx.add.s32.msk vm0, v1;
	v5 =	vsub.s32 $0xFFF, v5;
	vm0 =	vgt.s32 v11, $0xFFFFFFFF  }
0x46: {  	[tilespmem:v7+s13+$0x0] =	vst.idx.add.s32.msk vm1, v1;
	v7 =	vshra.s32 v8, $0x13;
	v10 =	vsub.s32 $0xFFF, v58;
	vm1 =	vgt.s32 v8, $0xFFFFFFFF  }
0x47: {  	[tilespmem:v13+s13+$0x0] =	vst.idx.add.s32.msk vm2, v1;
	vm2 =	vgt.s32 v6, $0xFFFFFFFF;
	v6 =	vshra.s32 v6, $0x13;
	v7 =	vsub.s32 $0xFFF, v7  }
0x48: {  	v61 =	vld [tilespmem:s21+$0xFFFFFF90];
	v60 =	vshra.s32 v14, $0x13;
	vm5 =	vgt.s32 v14, $0xFFFFFFFF;
	v6 =	vsub.s32 $0xFFF, v6  }
0x49: {  	v62 =	vshra.s32 v15, $0x13;
	[tilespmem:v57+s13+$0x0] =	vst.idx.add.s32.msk vm3, v1;
	vm3 =	vgt.s32 v3, $0xFFFFFFFF;
	v3 =	vshra.s32 v3, $0x13  }
0x4a: {  	vm15 =	vgt.s32 v2, $0xFFFFFFFF;
	[tilespmem:v5+s13+$0x0] =	vst.idx.add.s32.msk vm4, v1;
	v5 =	vshra.s32 v2, $0x13;
	v2 =	vsub.s32 $0xFFF, v3  }
0x4b: {  	vm6 =	vgt.s32 v15, $0xFFFFFFFF;
	vm7 =	vgt.s32 v59, $0xFFFFFFFF;
	[tilespmem:v10+s13+$0x0] =	vst.idx.add.s32.msk vm0, v1;
	v3 =	vsub.s32 $0xFFF, v5  }
0x4c: {  	v63 =	vsub.s32 $0xFFF, v62;
	v11 =	vsub.s32 $0xFFF, v60;
	v5 =	vshra.s32 v59, $0x13;
	[tilespmem:v7+s13+$0x0] =	vst.idx.add.s32.msk vm1, v1  }
0x4d: {  	[tilespmem:v6+s13+$0x0] =	vst.idx.add.s32.msk vm2, v1;
	vm0 =	vgt.s32 v56, $0xFFFFFFFF;
	v6 =	vshra.s32 v56, $0x13;
	v7 =	vshra.s32 v4, $0x13  }
0x4e: {  	vm2 =	vgt.s32 v61, $0xFFFFFFFF;
	vm1 =	vgt.s32 v4, $0xFFFFFFFF;
	v5 =	vsub.s32 $0xFFF, v5  }
0x4f: {  	v4 =	vsub.s32 $0xFFF, v6;
	[tilespmem:v2+s13+$0x0] =	vst.idx.add.s32.msk vm3, v1;
	v2 =	vsub.s32 $0xFFF, v7;
	v7 =	vshra.s32 v61, $0x13  }
0x50: {  	[tilespmem:v3+s13+$0x0] =	vst.idx.add.s32.msk vm15, v1;
	v3 =	vsub.s32 $0xFFF, v7  }
0x51: {  	[tilespmem:v63+s13+$0x0] =	vst.idx.add.s32.msk vm6, v1  }
0x52: {  	[tilespmem:v11+s13+$0x0] =	vst.idx.add.s32.msk vm5, v1  }
0x53: {  	s24 =	simm.s32 $0x0;
	s22 =	simm.s32 $0xFFFFFF80;
	s23 =	simm.s32 $0x18840;
	[tilespmem:v5+s13+$0x0] =	vst.idx.add.s32.msk vm7, v1  }
.LBB2_5:
0x54: {  	s24 =	sadd.s32 $0x10, s24;
	[tilespmem:v4+s13+$0x0] =	vst.idx.add.s32.msk vm0, v1;
	s21 =	sadd.s32 $0x100, s21  }
0x55: {  	p0 =	slt.u32 s24, $0xC30;
	[tilespmem:v3+s13+$0x0] =	vst.idx.add.s32.msk vm2, v1  }
0x56: {  	[tilespmem:v2+s13+$0x0] =	vst.idx.add.s32.msk vm1, v1  }
0x57: {  	v4 =	vld [tilespmem:s21+$0xFFFFFFB0]  }
0x58: {  	v2 =	vld [tilespmem:s21+$0xFFFFFFC0]  }
0x59: {  	v3 =	vld [tilespmem:s21+$0xFFFFFFD0]  }
0x5a: {  	v5 =	vld [tilespmem:s21+$0xFFFFFF80]  }
0x5b: {  	v6 =	vld [tilespmem:s21+$0x70]  }
0x5c: {  	v7 =	vld [tilespmem:s21+$0x60]  }
0x5d: {  	v8 =	vld [tilespmem:s21+$0x50]  }
0x5e: {  	v9 =	vld [tilespmem:s21+$0x40]  }
0x5f: {  	v10 =	vshra.s32 v5, $0x13;
	vm0 =	vgt.s32 v5, $0xFFFFFFFF;
	v5 =	vld [tilespmem:s21+$0x30]  }
0x60: {  	v10 =	vsub.s32 $0xFFF, v10;
	v11 =	vld [tilespmem:s21+$0x20];
	v12 =	vshra.s32 v6, $0x13;
	vm5 =	vgt.s32 v6, $0xFFFFFFFF  }
0x61: {  	v6 =	vld [tilespmem:s21+$0x10];
	v13 =	vshra.s32 v7, $0x13;
	vm6 =	vgt.s32 v7, $0xFFFFFFFF;
	v7 =	vsub.s32 $0xFFF, v12  }
0x62: {  	v12 =	vld [tilespmem:s21+$0x0];
	v13 =	vsub.s32 $0xFFF, v13  }
0x63: {  	v14 =	vld [tilespmem:s21+$0xFFFFFFF0];
	v15 =	vshra.s32 v9, $0x13;
	vm2 =	vgt.s32 v9, $0xFFFFFFFF;
	v9 =	vshra.s32 v8, $0x13  }
0x64: {  	v16 =	vld [tilespmem:s21+$0xFFFFFFE0];
	v17 =	vshra.s32 v5, $0x13;
	vm7 =	vgt.s32 v5, $0xFFFFFFFF;
	v5 =	vsub.s32 $0xFFF, v15  }
0x65: {  	[tilespmem:v10+s13+$0x0] =	vst.idx.add.s32.msk vm0, v1;
	v10 =	vshra.s32 v11, $0x13;
	vm3 =	vgt.s32 v11, $0xFFFFFFFF;
	v11 =	vsub.s32 $0xFFF, v17  }
0x66: {  	vm4 =	vgt.s32 v8, $0xFFFFFFFF;
	vm1 =	vgt.s32 v6, $0xFFFFFFFF;
	v10 =	vsub.s32 $0xFFF, v10;
	[tilespmem:v7+s13+$0x0] =	vst.idx.add.s32.msk vm5, v1  }
0x67: {  	v6 =	vshra.s32 v6, $0x13;
	v7 =	vsub.s32 $0xFFF, v9;
	vm0 =	vgt.s32 v12, $0xFFFFFFFF;
	[tilespmem:v13+s13+$0x0] =	vst.idx.add.s32.msk vm6, v1  }
0x68: {  	v12 =	vshra.s32 v12, $0x13;
	v8 =	vld [tilespmem:s21+$0xFFFFFFA0];
	v9 =	vshra.s32 v14, $0x13;
	vm5 =	vgt.s32 v14, $0xFFFFFFFF  }
0x69: {  	v6 =	vsub.s32 $0xFFF, v6;
	v13 =	vld [tilespmem:s21+$0xFFFFFF90];
	v14 =	vshra.s32 v16, $0x13;
	v9 =	vsub.s32 $0xFFF, v9  }
0x6a: {  	vm6 =	vgt.s32 v3, $0xFFFFFFFF;
	vm8 =	vgt.s32 v16, $0xFFFFFFFF;
	v14 =	vsub.s32 $0xFFF, v14;
	[tilespmem:v11+s13+$0x0] =	vst.idx.add.s32.msk vm7, v1  }
0x6b: {  	v11 =	vshra.s32 v2, $0x13;
	vm7 =	vgt.s32 v2, $0xFFFFFFFF;
	v2 =	vshra.s32 v3, $0x13;
	[tilespmem:v5+s13+$0x0] =	vst.idx.add.s32.msk vm2, v1  }
0x6c: {  	v3 =	vshra.s32 v4, $0x13;
	v5 =	vsub.s32 $0xFFF, v11;
	v11 =	vsub.s32 $0xFFF, v2;
	[tilespmem:v10+s13+$0x0] =	vst.idx.add.s32.msk vm3, v1  }
0x6d: {  	v2 =	vsub.s32 $0xFFF, v3;
	v10 =	vshra.s32 v8, $0x13;
	vm3 =	vgt.s32 v8, $0xFFFFFFFF;
	[tilespmem:v7+s13+$0x0] =	vst.idx.add.s32.msk vm4, v1  }
0x6e: {  	v3 =	vshra.s32 v13, $0x13;
	vm2 =	vgt.s32 v13, $0xFFFFFFFF;
	v7 =	vsub.s32 $0xFFF, v10;
	[tilespmem:v6+s13+$0x0] =	vst.idx.add.s32.msk vm1, v1  }
.Ltmp1:
0x6f: {  	vm1 =	vgt.s32 v4, $0xFFFFFFFF;
	v4 =	vsub.s32 $0xFFF, v12;
	v3 =	vsub.s32 $0xFFF, v3;
	[tilespmem:v9+s13+$0x0] =	vst.idx.add.s32.msk vm5, v1;
	(pc) =	sbr.rel @p0 .LBB2_5-.Ltmp1, $4  }
0x70: {  	[tilespmem:v14+s13+$0x0] =	vst.idx.add.s32.msk vm8, v1  }
0x71: {  	[tilespmem:v11+s13+$0x0] =	vst.idx.add.s32.msk vm6, v1  }
0x72: {  	[tilespmem:v5+s13+$0x0] =	vst.idx.add.s32.msk vm7, v1  }
0x73: {  	[tilespmem:v7+s13+$0x0] =	vst.idx.add.s32.msk vm3, v1  }
0x74: {  	_ =	sdelay $0x4  }
0x75: {  	[tilespmem:v4+s13+$0x0] =	vst.idx.add.s32.msk vm0, v1  }
0x76: {  	[tilespmem:v3+s13+$0x0] =	vst.idx.add.s32.msk vm2, v1  }
0x77: {  	s21 =	simm.s32 $0x0;
	[tilespmem:v2+s13+$0x0] =	vst.idx.add.s32.msk vm1, v1;
	s24 =	simm.s32 $0x0  }
.LBB2_7:
0x78: {  	v2 =	vld [tilespmem:s23+$0xFFFFFFC0]  }
0x79: {  	v3 =	vld [tilespmem:s23+$0xFFFFFFD0]  }
0x7a: {  	v4 =	vld [tilespmem:s23+$0xFFFFFFE0]  }
0x7b: {  	v5 =	vld [tilespmem:s23+$0xFFFFFFF0]  }
0x7c: {  	v6 =	vld [tilespmem:s23+$0x0]  }
0x7d: {  	(xrf0) =	vadd.scan.msk.s32 $0xffff, v2;
	v2 =	vld [tilespmem:s23+$0x10]  }
0x7e: {  	(xrf0) =	vadd.scan.msk.s32 $0xffff, v3;
	v3 =	vld [tilespmem:s23+$0x20]  }
0x7f: {  	v63 =	vld [tilespmem:s23+$0x30];
	(xrf0) =	vadd.scan.msk.s32 $0xffff, v4  }
0x80: {  	(xrf0) =	vadd.scan.msk.s32 $0xffff, v5  }
0x81: {  	(xrf0) =	vadd.scan.msk.s32 $0xffff, v6  }
0x82: {  	(xrf0) =	vadd.scan.msk.s32 $0xffff, v2  }
0x83: {  	v2, _, _ =	vpop (xrf0);
	(xrf0) =	vadd.scan.msk.s32 $0xffff, v3  }
0x84: {  	(v2sf) =	vpush v2, $0xF;
	v2, _, _ =	vpop (xrf0);
	(xrf0) =	vadd.scan.msk.s32 $0xffff, v63  }
0x85: {  	v3, _, _ =	vpop (xrf0);
	(v2sf) =	vpush v2, $0xF  }
0x86: {  	v2, _, _ =	vpop (xrf0);
	(v2sf) =	vpush v3, $0xF  }
0x87: {  	v3, _, _ =	vpop (xrf0);
	(v2sf) =	vpush v2, $0xF  }
0x88: {  	v2, _, _ =	vpop (xrf0);
	(v2sf) =	vpush v3, $0xF  }
0x89: {  	v3, _, _ =	vpop (xrf0);
	(v2sf) =	vpush v2, $0xF  }
0x8a: {  	(v2sf) =	vpush v3, $0xF;
	v2, _, _ =	vpop (xrf0)  }
0x8b: {  	(v2sf) =	vpush v2, $0xF;
	_ =	sdelay $0x7  }
0x8c: {  	s0 =	spop (v2sf)  }
0x8d: {  	s1 =	spop (v2sf);
	s0 =	sadd.s32 s21, s0  }
0x8e: {  	s25 =	spop (v2sf);
	s0 =	sadd.s32 s1, s0  }
0x8f: {  	s26 =	spop (v2sf);
	s0 =	sadd.s32 s25, s0  }
0x90: {  	s28 =	spop (v2sf);
	s0 =	sadd.s32 s26, s0  }
0x91: {  	s29 =	spop (v2sf);
	s0 =	sadd.s32 s28, s0  }
0x92: {  	s30 =	spop (v2sf);
	s0 =	sadd.s32 s29, s0  }
0x93: {  	s31 =	spop (v2sf);
	s0 =	sadd.s32 s30, s0  }
0x94: {  	p1 =	sgt.u32 s24, $0x3E;
	s0 =	sadd.s32 s31, s0  }
0x95: {  	p2 =	slt.s32 @!p1 s0, $0x9CC  }
0x96: {  	p1 =	por p1, !p2  }
.Ltmp2:
0x97: {  	_ = 	snop;
	(pc) =	sbr.rel @!p1 .LBB2_7-.Ltmp2, $3  }
0x98: {  	_ =	sdelay $0x1  }
0x99: {  	s24 =	sadd.s32 $0x1, s24;
	p0 =	slt.s32 s0, $0x9CC  }
0x9a: {  	s22 =	sadd.s32 $0x80, s22;
	s23 =	sadd.s32 $0x80, s23;
	s21 =	smov.u32 @p0 s0  }
0x9b: {  	s22 =	simm.s32 @p0 $0xFFFFFF80  }
0x9c: {  	s25 =	simm.s32 $0x0;
	s23 =	sadd.s32 $0x18800, s22;
	s1 =	sadd.s32 $0xFFFFFFF0, s22  }
.LBB2_9:
0x9d: {  	v2 =	vld [tilespmem:s23+$0x0];
	_ =	sdelay $0x4  }
0x9e: {  	(xrf0) =	vadd.scan.msk.s32 $0xffff, v2;
	_ =	sdelay $0x5  }
0x9f: {  	s26 =	ssub.s32 $0x9CC, s21;
	v3, _, _ =	vpop (xrf0)  }
0xa0: {  	vm0 =	vlt.s32 v3, s26  }
0xa1: {  	v4 =	vsel vm0, $0x1, v0  }
0xa2: {  	(xrf0) =	vadd.scan.msk.s32 $0xffff, v4;
	_ =	sdelay $0x5  }
0xa3: {  	(v2sf) =	vpush v3, $0xF;
	v4, _, _ =	vpop (xrf0)  }
0xa4: {  	(v2sf) =	vpush v4, $0xF;
	_ =	sdelay $0xd  }
0xa5: {  	s0 =	spop (v2sf)  }
0xa6: {  	s1 =	sadd.s32 $0x10, s1;
	s24 =	spop (v2sf)  }
0xa7: {  	s22 =	smov.u32 s21;
	s21 =	sadd.s32 s21, s0;
	s31 =	sadd.s32 s24, s1  }
0xa8: {  	p0 =	slt.s32 s21, $0x9CC;
	p1 =	slt.s32 s31, $0x0  }
0xa9: {  	p2 =	sgt.u32 s25, $0x6;
	p1 =	por p0, p1  }
0xaa: {  	p2 =	por p2, !p1  }
.Ltmp3:
0xab: {  	_ = 	snop;
	(pc) =	sbr.rel @!p2 .LBB2_9-.Ltmp3, $2  }
0xac: {  	_ =	sdelay $0x2  }
0xad: {  	s25 =	sadd.s32 $0x1, s25;
	s23 =	sadd.s32 $0x10, s23  }
0xae: {  	v4 =	vmov s26  }
0xaf: {  	vm0 =	vlt.s32 v3, v4  }
0xb0: {  	v2 =	vnsel vm0, $0x0, v2  }
0xb1: {  	(xrf0) =	vadd.scan.msk.s32 $0xffff, v2;
	_ =	sdelay $0x5  }
0xb2: {  	v2, _, _ =	vpop (xrf0)  }
0xb3: {  	(v2sf) =	vpush v2, $0xF;
	_ =	sdelay $0xa  }
.Ltmp4:
0xb4: {  	_ = 	snop;
	(pc) =	sbr.rel @!p1 .LBB2_11-.Ltmp4, $2  }
0xb5: {  	_ =	sdelay $0x2  }
0xb6: {  	s0 =	spop (v2sf)  }
0xb7: {  	s0 =	simm.s32 $0x80  }
0xb8: {  	v2 =	vld [tilespmem:s0+$0x70]  }
0xb9: {  	v3 =	vld [tilespmem:s0+$0xFFFFFF90]  }
0xba: {  	v4 =	vld [tilespmem:s0+$0xFFFFFFA0]  }
0xbb: {  	v5 =	vld [tilespmem:s0+$0xFFFFFFB0]  }
0xbc: {  	v6 =	vld [tilespmem:s0+$0xFFFFFFC0]  }
0xbd: {  	v10 =	vld [tilespmem:s0+$0xFFFFFFE0]  }
0xbe: {  	v11 =	vld [tilespmem:s0+$0xFFFFFFF0]  }
0xbf: {  	v13 =	vld [tilespmem:s0+$0x0]  }
0xc0: {  	v16 =	vld [tilespmem:s0+$0x10]  }
0xc1: {  	v17 =	vld [tilespmem:s0+$0x20]  }
0xc2: {  	v20 =	vld [tilespmem:s0+$0xFFFFFF80]  }
0xc3: {  	v8 =	vshra.s32 v2, $0x13;
	v9 =	vshra.s32 v3, $0x13  }
0xc4: {  	vm0 =	vlt.s32 v2, $0x0;
	v14 =	vshra.s32 v6, $0x13;
	v19 =	vshra.s32 v11, $0x13  }
0xc5: {  	v23 =	vshra.s32 v13, $0x13;
	v61 =	vshra.s32 v16, $0x13;
	vm1 =	vlt.s32 v3, $0x0  }
0xc6: {  	vm2 =	vlt.s32 v4, $0x0;
	v62 =	vshra.s32 v17, $0x13;
	vm3 =	vlt.s32 v5, $0x0  }
0xc7: {  	vm4 =	vlt.s32 v20, $0x0;
	vm8 =	vlt.s32 v6, $0x0;
	vm9 =	vlt.s32 v10, $0x0  }
0xc8: {  	v7 =	vld [tilespmem:s0+$0xFFFFFFD0];
	vm7 =	vlt.s32 v11, $0x0;
	vm6 =	vlt.s32 v13, $0x0;
	vm5 =	vlt.s32 v16, $0x0  }
0xc9: {  	v8 =	vxor.u32 $0xFFF, v8;
	v2 =	vxor.u32 $0xFFF, v9;
	v9 =	vshra.s32 v4, $0x13  }
0xca: {  	v8 =	vsub.s32 $0xFFF, v8;
	v12 =	vsub.s32 $0xFFF, v2;
	v2 =	vxor.u32 $0xFFF, v9  }
0xcb: {  	v24 =	vld [tilespmem:s0+$0x40];
	v9 =	vshra.s32 v5, $0x13;
	v5 =	vshra.s32 v20, $0x13;
	v15 =	vsub.s32 $0xFFF, v2  }
0xcc: {  	v25 =	vld [tilespmem:s0+$0x50];
	v2 =	vxor.u32 $0xFFF, v9;
	v9 =	vxor.u32 $0xFFF, v14;
	v5 =	vxor.u32 $0xFFF, v5  }
0xcd: {  	v26 =	vld [tilespmem:s0+$0x60];
	v59 =	vsub.s32 $0xFFF, v2;
	v2 =	vshra.s32 v7, $0x13;
	v18 =	vsub.s32 $0xFFF, v9  }
0xce: {  	v9 =	vshra.s32 v10, $0x13;
	v63 =	vsub.s32 $0xFFF, v5;
	v2 =	vxor.u32 $0xFFF, v2  }
0xcf: {  	v5 =	vxor.u32 $0xFFF, v62;
	v21 =	vsub.s32 $0xFFF, v2;
	v2 =	vxor.u32 $0xFFF, v9  }
0xd0: {  	v60 =	vld [tilespmem:s0+$0x30];
	v5 =	vsub.s32 $0xFFF, v5;
	v9 =	vxor.u32 $0xFFF, v19;
	v22 =	vsub.s32 $0xFFF, v2  }
0xd1: {  	v2 =	vsub.s32 $0xFFF, v9;
	v9 =	vxor.u32 $0xFFF, v23;
	[tilespmem:v8+s13+$0x0] =	vst.idx.add.s32.msk vm0, v1;
	vm0 =	vlt.s32 v7, $0x0  }
0xd2: {  	[tilespmem:v12+s13+$0x0] =	vst.idx.add.s32.msk vm1, v1;
	v7 =	vshra.s32 v24, $0x13;
	v8 =	vshra.s32 v25, $0x13;
	vm1 =	vlt.s32 v26, $0x0  }
0xd3: {  	v3 =	vsub.s32 $0xFFF, v9;
	v9 =	vxor.u32 $0xFFF, v61;
	[tilespmem:v15+s13+$0x0] =	vst.idx.add.s32.msk vm2, v1;
	v7 =	vxor.u32 $0xFFF, v7  }
0xd4: {  	v8 =	vxor.u32 $0xFFF, v8;
	vm2 =	vlt.s32 v24, $0x0;
	vm1 =	vmmov vm1;
	[tilespmem:v59+s13+$0x0] =	vst.idx.add.s32.msk vm3, v1  }
0xd5: {  	v4 =	vsub.s32 $0xFFF, v9;
	v9 =	vshra.s32 v60, $0x13;
	v7 =	vsub.s32 $0xFFF, v7;
	[tilespmem:v63+s13+$0x0] =	vst.idx.add.s32.msk vm4, v1  }
0xd6: {  	[tilespmem:v18+s13+$0x0] =	vst.idx.add.s32.msk vm8, v1;
	vm4 =	vlt.s32 v17, $0x0;
	v6 =	vxor.u32 $0xFFF, v9;
	v9 =	vshra.s32 v26, $0x13  }
0xd7: {  	vm3 =	vlt.s32 v60, $0x0;
	v6 =	vsub.s32 $0xFFF, v6;
	v10 =	vxor.u32 $0xFFF, v9;
	[tilespmem:v22+s13+$0x0] =	vst.idx.add.s32.msk vm9, v1  }
0xd8: {  	s24 =	simm.s32 $0x0;
	s25 =	simm.s32 $0x180;
	v9 =	vsub.s32 $0xFFF, v8;
	v8 =	vsub.s32 $0xFFF, v10;
	[tilespmem:v21+s13+$0x0] =	vst.idx.add.s32.msk vm0, v1;
	vm0 =	vlt.s32 v25, $0x0  }
.LBB2_13:
0xd9: {  	v10 =	vld [tilespmem:s25+$0x70];
	s24 =	sadd.s32 $0x10, s24  }
0xda: {  	v11 =	vld [tilespmem:s25+$0xFFFFFF90];
	p0 =	slt.u32 s24, $0xC30  }
0xdb: {  	v12 =	vld [tilespmem:s25+$0xFFFFFFA0]  }
0xdc: {  	v13 =	vld [tilespmem:s25+$0xFFFFFFB0]  }
0xdd: {  	v14 =	vld [tilespmem:s25+$0xFFFFFFC0]  }
0xde: {  	v15 =	vld [tilespmem:s25+$0xFFFFFFD0];
	v16 =	vshra.s32 v10, $0x13  }
0xdf: {  	vm8 =	vlt.s32 v10, $0x0;
	v17 =	vshra.s32 v11, $0x13;
	v18 =	vld [tilespmem:s25+$0xFFFFFFE0];
	v16 =	vxor.u32 $0xFFF, v16  }
0xe0: {  	v10 =	vxor.u32 $0xFFF, v17;
	v17 =	vshra.s32 v12, $0x13;
	v19 =	vld [tilespmem:s25+$0xFFFFFFF0];
	v16 =	vsub.s32 $0xFFF, v16  }
0xe1: {  	v10 =	vsub.s32 $0xFFF, v10;
	v17 =	vxor.u32 $0xFFF, v17;
	v20 =	vshra.s32 v13, $0x13;
	v21 =	vld [tilespmem:s25+$0x0]  }
0xe2: {  	v17 =	vsub.s32 $0xFFF, v17;
	v20 =	vxor.u32 $0xFFF, v20;
	v22 =	vshra.s32 v14, $0x13;
	v23 =	vld [tilespmem:s25+$0x10]  }
0xe3: {  	v20 =	vsub.s32 $0xFFF, v20;
	v22 =	vxor.u32 $0xFFF, v22;
	v24 =	vshra.s32 v15, $0x13;
	v25 =	vld [tilespmem:s25+$0x20]  }
0xe4: {  	v22 =	vsub.s32 $0xFFF, v22;
	v24 =	vxor.u32 $0xFFF, v24;
	v26 =	vshra.s32 v18, $0x13;
	v27 =	vld [tilespmem:s25+$0x30]  }
0xe5: {  	s22 =	simm.s32 $0x0;
	s21 =	simm.s32 $0xFFFFFF80;
	s23 =	simm.s32 $0x18840;
	v24 =	vsub.s32 $0xFFF, v24;
	v26 =	vxor.u32 $0xFFF, v26;
	v28 =	vshra.s32 v19, $0x13;
	[tilespmem:v16+s13+$0x0] =	vst.idx.add.s32.msk vm8, v1  }
0xe6: {  	v16 =	vsub.s32 $0xFFF, v26;
	v26 =	vxor.u32 $0xFFF, v28;
	v28 =	vshra.s32 v21, $0x13;
	v29 =	vld [tilespmem:s25+$0x40]  }
0xe7: {  	v26 =	vsub.s32 $0xFFF, v26;
	v28 =	vxor.u32 $0xFFF, v28;
	v30 =	vshra.s32 v23, $0x13;
	v31 =	vld [tilespmem:s25+$0x50]  }
0xe8: {  	v28 =	vsub.s32 $0xFFF, v28;
	v30 =	vxor.u32 $0xFFF, v30;
	v32 =	vshra.s32 v25, $0x13;
	v33 =	vld [tilespmem:s25+$0x60]  }
0xe9: {  	v34 =	vld [tilespmem:s25+$0xFFFFFF80];
	v30 =	vsub.s32 $0xFFF, v30;
	v32 =	vxor.u32 $0xFFF, v32;
	v35 =	vshra.s32 v27, $0x13  }
0xea: {  	vm8 =	vlt.s32 v11, $0x0;
	v11 =	vsub.s32 $0xFFF, v32;
	v32 =	vxor.u32 $0xFFF, v35;
	[tilespmem:v2+s13+$0x0] =	vst.idx.add.s32.msk vm7, v1;
	v2 =	vmovc v26  }
0xeb: {  	vm7 =	vlt.s32 v12, $0x0;
	v12 =	vsub.s32 $0xFFF, v32;
	v26 =	vshra.s32 v29, $0x13;
	[tilespmem:v3+s13+$0x0] =	vst.idx.add.s32.msk vm6, v1;
	v3 =	vmovc v28  }
0xec: {  	vm9 =	vlt.s32 v13, $0x0;
	v13 =	vxor.u32 $0xFFF, v26;
	v26 =	vshra.s32 v31, $0x13;
	[tilespmem:v4+s13+$0x0] =	vst.idx.add.s32.msk vm5, v1;
	v4 =	vmovc v30  }
0xed: {  	v13 =	vsub.s32 $0xFFF, v13;
	v26 =	vxor.u32 $0xFFF, v26;
	v28 =	vshra.s32 v33, $0x13;
	[tilespmem:v5+s13+$0x0] =	vst.idx.add.s32.msk vm4, v1;
	v5 =	vmovc v11  }
0xee: {  	v11 =	vshra.s32 v34, $0x13;
	v26 =	vsub.s32 $0xFFF, v26;
	v28 =	vxor.u32 $0xFFF, v28;
	[tilespmem:v6+s13+$0x0] =	vst.idx.add.s32.msk vm3, v1;
	v6 =	vmovc v12  }
0xef: {  	vm10 =	vlt.s32 v34, $0x0;
	v11 =	vxor.u32 $0xFFF, v11;
	v12 =	vsub.s32 $0xFFF, v28;
	[tilespmem:v7+s13+$0x0] =	vst.idx.add.s32.msk vm2, v1;
	v7 =	vmovc v13  }
0xf0: {  	vm11 =	vlt.s32 v15, $0x0;
	v11 =	vsub.s32 $0xFFF, v11;
	[tilespmem:v10+s13+$0x0] =	vst.idx.add.s32.msk vm8, v1;
	vm8 =	vlt.s32 v14, $0x0  }
0xf1: {  	vm12 =	vlt.s32 v18, $0x0;
	vm6 =	vlt.s32 v21, $0x0;
	[tilespmem:v17+s13+$0x0] =	vst.idx.add.s32.msk vm7, v1;
	vm7 =	vlt.s32 v19, $0x0  }
0xf2: {  	vm5 =	vlt.s32 v23, $0x0;
	vm4 =	vlt.s32 v25, $0x0;
	vm3 =	vlt.s32 v27, $0x0;
	[tilespmem:v20+s13+$0x0] =	vst.idx.add.s32.msk vm9, v1  }
0xf3: {  	vm2 =	vlt.s32 v29, $0x0;
	vm9 =	vlt.s32 v33, $0x0;
	[tilespmem:v9+s13+$0x0] =	vst.idx.add.s32.msk vm0, v1;
	vm0 =	vlt.s32 v31, $0x0;
	v9 =	vmovc v26  }
.Ltmp5:
0xf4: {  	[tilespmem:v8+s13+$0x0] =	vst.idx.add.s32.msk vm1, v1;
	v8 =	vmov v12;
	vm1 =	vmmov vm9;
	(pc) =	sbr.rel @p0 .LBB2_13-.Ltmp5, $4  }
0xf5: {  	[tilespmem:v11+s13+$0x0] =	vst.idx.add.s32.msk vm10, v1  }
0xf6: {  	[tilespmem:v22+s13+$0x0] =	vst.idx.add.s32.msk vm8, v1  }
0xf7: {  	[tilespmem:v24+s13+$0x0] =	vst.idx.add.s32.msk vm11, v1  }
0xf8: {  	s25 =	sadd.s32 $0x100, s25;
	[tilespmem:v16+s13+$0x0] =	vst.idx.add.s32.msk vm12, v1  }
0xf9: {  	_ =	sdelay $0x4  }
0xfa: {  	[tilespmem:v2+s13+$0x0] =	vst.idx.add.s32.msk vm7, v1  }
0xfb: {  	[tilespmem:v3+s13+$0x0] =	vst.idx.add.s32.msk vm6, v1  }
0xfc: {  	[tilespmem:v4+s13+$0x0] =	vst.idx.add.s32.msk vm5, v1  }
0xfd: {  	[tilespmem:v5+s13+$0x0] =	vst.idx.add.s32.msk vm4, v1  }
0xfe: {  	[tilespmem:v6+s13+$0x0] =	vst.idx.add.s32.msk vm3, v1  }
0xff: {  	[tilespmem:v7+s13+$0x0] =	vst.idx.add.s32.msk vm2, v1  }
0x100: {  	[tilespmem:v9+s13+$0x0] =	vst.idx.add.s32.msk vm0, v1  }
0x101: {  	[tilespmem:v8+s13+$0x0] =	vst.idx.add.s32.msk vm1, v1;
	s24 =	simm.s32 $0x0  }
.LBB2_15:
0x102: {  	v2 =	vld [tilespmem:s23+$0xFFFFFFC0]  }
0x103: {  	v3 =	vld [tilespmem:s23+$0xFFFFFFD0]  }
0x104: {  	v4 =	vld [tilespmem:s23+$0xFFFFFFE0]  }
0x105: {  	v5 =	vld [tilespmem:s23+$0xFFFFFFF0]  }
0x106: {  	v6 =	vld [tilespmem:s23+$0x0]  }
0x107: {  	(xrf0) =	vadd.scan.msk.s32 $0xffff, v2;
	v2 =	vld [tilespmem:s23+$0x10]  }
0x108: {  	(xrf0) =	vadd.scan.msk.s32 $0xffff, v3;
	v3 =	vld [tilespmem:s23+$0x20]  }
0x109: {  	v63 =	vld [tilespmem:s23+$0x30];
	(xrf0) =	vadd.scan.msk.s32 $0xffff, v4  }
0x10a: {  	(xrf0) =	vadd.scan.msk.s32 $0xffff, v5  }
0x10b: {  	(xrf0) =	vadd.scan.msk.s32 $0xffff, v6  }
0x10c: {  	(xrf0) =	vadd.scan.msk.s32 $0xffff, v2  }
0x10d: {  	v2, _, _ =	vpop (xrf0);
	(xrf0) =	vadd.scan.msk.s32 $0xffff, v3  }
0x10e: {  	(v2sf) =	vpush v2, $0xF;
	v2, _, _ =	vpop (xrf0);
	(xrf0) =	vadd.scan.msk.s32 $0xffff, v63  }
0x10f: {  	v3, _, _ =	vpop (xrf0);
	(v2sf) =	vpush v2, $0xF  }
0x110: {  	v2, _, _ =	vpop (xrf0);
	(v2sf) =	vpush v3, $0xF  }
0x111: {  	v3, _, _ =	vpop (xrf0);
	(v2sf) =	vpush v2, $0xF  }
0x112: {  	v2, _, _ =	vpop (xrf0);
	(v2sf) =	vpush v3, $0xF  }
0x113: {  	v3, _, _ =	vpop (xrf0);
	(v2sf) =	vpush v2, $0xF  }
0x114: {  	(v2sf) =	vpush v3, $0xF;
	v2, _, _ =	vpop (xrf0)  }
0x115: {  	(v2sf) =	vpush v2, $0xF;
	_ =	sdelay $0x7  }
0x116: {  	s0 =	spop (v2sf)  }
0x117: {  	s1 =	spop (v2sf);
	s0 =	sadd.s32 s22, s0  }
0x118: {  	s25 =	spop (v2sf);
	s0 =	sadd.s32 s1, s0  }
0x119: {  	s26 =	spop (v2sf);
	s0 =	sadd.s32 s25, s0  }
0x11a: {  	s28 =	spop (v2sf);
	s0 =	sadd.s32 s26, s0  }
0x11b: {  	s29 =	spop (v2sf);
	s0 =	sadd.s32 s28, s0  }
0x11c: {  	s30 =	spop (v2sf);
	s0 =	sadd.s32 s29, s0  }
0x11d: {  	s31 =	spop (v2sf);
	s0 =	sadd.s32 s30, s0  }
0x11e: {  	p1 =	sgt.u32 s24, $0x3E;
	s0 =	sadd.s32 s31, s0  }
0x11f: {  	p2 =	slt.s32 @!p1 s0, $0x9CC  }
0x120: {  	p1 =	por p1, !p2  }
.Ltmp6:
0x121: {  	_ = 	snop;
	(pc) =	sbr.rel @!p1 .LBB2_15-.Ltmp6, $3  }
0x122: {  	_ =	sdelay $0x1  }
0x123: {  	s24 =	sadd.s32 $0x1, s24;
	p0 =	slt.s32 s0, $0x9CC  }
0x124: {  	s21 =	sadd.s32 $0x80, s21;
	s23 =	sadd.s32 $0x80, s23;
	s22 =	smov.u32 @p0 s0  }
0x125: {  	s21 =	simm.s32 @p0 $0xFFFFFF80  }
0x126: {  	s24 =	simm.s32 $0x0;
	s23 =	sadd.s32 $0x18800, s21  }
.LBB2_17:
0x127: {  	v2 =	vld [tilespmem:s23+$0x0];
	_ =	sdelay $0x4  }
0x128: {  	(xrf0) =	vadd.scan.msk.s32 $0xffff, v2;
	_ =	sdelay $0x5  }
0x129: {  	s25 =	ssub.s32 $0x9CC, s22;
	v3, _, _ =	vpop (xrf0)  }
0x12a: {  	vm0 =	vlt.s32 v3, s25  }
0x12b: {  	v4 =	vsel vm0, $0x1, v0  }
0x12c: {  	(xrf0) =	vadd.scan.msk.s32 $0xffff, v4;
	_ =	sdelay $0x5  }
0x12d: {  	(v2sf) =	vpush v3, $0xF;
	v4, _, _ =	vpop (xrf0)  }
0x12e: {  	(v2sf) =	vpush v4, $0xF;
	_ =	sdelay $0xd  }
0x12f: {  	s0 =	spop (v2sf)  }
0x130: {  	s1 =	smov.u32 s22;
	s22 =	sadd.s32 s22, s0;
	s31 =	spop (v2sf)  }
0x131: {  	p0 =	sgt.s32 s22, $0x9CB;
	s29 =	sadd.s32 s21, s31  }
0x132: {  	p1 =	sgt.u32 s24, $0x6;
	s29 =	simm.s32 @!p0 $0xFFFFFFFF  }
0x133: {  	p2 =	slt.s32 @!p1 s29, $0x0  }
0x134: {  	p1 =	por p1, !p2  }
.Ltmp7:
0x135: {  	_ = 	snop;
	(pc) =	sbr.rel @!p1 .LBB2_17-.Ltmp7, $2  }
0x136: {  	_ =	sdelay $0x2  }
0x137: {  	s24 =	sadd.s32 $0x1, s24;
	s23 =	sadd.s32 $0x10, s23;
	s21 =	sadd.s32 $0x10, s21  }
0x138: {  	v4 =	vmov s25  }
0x139: {  	vm0 =	vlt.s32 v3, v4  }
0x13a: {  	v2 =	vnsel vm0, $0x0, v2  }
0x13b: {  	(xrf0) =	vadd.scan.msk.s32 $0xffff, v2;
	_ =	sdelay $0x5  }
0x13c: {  	v2, _, _ =	vpop (xrf0)  }
0x13d: {  	(v2sf) =	vpush v2, $0xF;
	_ =	sdelay $0xc  }
.Ltmp8:
0x13e: {  	_ = 	snop;
	(pc) =	sbr.rel .LBB2_19-.Ltmp8, $4  }
0x13f: {  	_ = 	snop  }
0x140: {  	s0 =	spop (v2sf)  }
0x141: {  	s28 =	sadd.s32 s1, s0  }
0x142: {  	s28 =	simm.s32 @!p0 $0x0  }
.LBB2_11:
0x143: {  	s28 =	sadd.s32 s22, s0  }
0x144: {  	s29 =	sadd.s32 s1, s24;
	s28 =	simm.s32 @p0 $0x0  }
.LBB2_19:
0x145: {  	s0 =	sshll.u32 s20, $0x1;
	p0 =	seq.s32 s20, $0x0  }
0x146: {  	s23 =	sadd.s32 s2, s0;
	s0 =	simm.s32 @!p0 $0x4  }
0x147: {  	s1 =	sshrl.u32 s23, $0x3;
	_ =	swait.ge @!p0 [sflag:s0], $0x6200;
	s21 =	sshll.u32 s23, $0x7  }
0x148: {  	s1 =	smul.u32 $0x62000, s1;
	[sflag:s0] =	ssyncset.done @!p0 $0x0;
	s21 =	sand.u32 $0x300, s21  }
0x149: {  	[sflag:s0] =	ssyncadd.s32 @!p0 $0xFFFF9E00;
	s22 =	sor.u32 $0x80, s21  }
0x14a: {  	_ =	swait.ge @!p0 [sflag:s0], $0x6200;
	s21 =	sor.u32 s1, s22;
	s24 =	sadd.s32 $0x31000, s1  }
0x14b: {  	[sflag:s0] =	ssyncset.done @!p0 $0x0;
	s21 =	sshrl.u32 s21, $0x3;
	s26 =	sor.u32 s22, s24  }
0x14c: {  	[sflag:s0] =	ssyncadd.s32 @!p0 $0xFFFF9E00;
	s25 =	sadd.s32 s3, s21;
	s22 =	sshrl.u32 s26, $0x3  }
0x14d: {  	[tilespmem:s14], [sflag:$0x2] =	stream.strided.gather [hbm4b:s25+s9], $0x6200, s10, s9, $0x38;
	[tilespmem:$0x1AA00] =	vst v63  }
0x14e: {  	s30 =	simm.s32 $0x18880;
	s0 =	sadd.s32 s3, s22  }
0x14f: {  	[tilespmem:s15], [sflag:$0x2] =	stream.strided.gather [hbm4b:s0+s9], $0x6200, s10, s9, $0x38;
	[tilespmem:$0x1AA00] =	vst v63  }
0x150: {  	[tilespmem:s30+$0xFFFFFF80] =	vst v0  }
0x151: {  	[tilespmem:s30+$0x70] =	vst v0  }
0x152: {  	[tilespmem:s30+$0x60] =	vst v0  }
0x153: {  	[tilespmem:s30+$0x50] =	vst v0  }
0x154: {  	[tilespmem:s30+$0x40] =	vst v0  }
0x155: {  	[tilespmem:s30+$0x30] =	vst v0  }
0x156: {  	[tilespmem:s30+$0x20] =	vst v0  }
0x157: {  	[tilespmem:s30+$0x10] =	vst v0  }
0x158: {  	[tilespmem:s30+$0x0] =	vst v0  }
0x159: {  	[tilespmem:s30+$0xFFFFFFF0] =	vst v0  }
0x15a: {  	[tilespmem:s30+$0xFFFFFFE0] =	vst v0  }
0x15b: {  	[tilespmem:s30+$0xFFFFFFD0] =	vst v0  }
0x15c: {  	s31 =	sshll.u32 s20, $0x8;
	[tilespmem:s30+$0xFFFFFFC0] =	vst v0  }
0x15d: {  	s0 =	sand.u32 $0x300, s31;
	[tilespmem:s30+$0xFFFFFFB0] =	vst v0  }
0x15e: {  	s25 =	sor.u32 s0, s1;
	s24 =	sor.u32 s0, s24;
	s1 =	simm.s32 $0x0;
	[tilespmem:s30+$0xFFFFFFA0] =	vst v0  }
.LBB2_20:
0x15f: {  	s1 =	sadd.s32 $0x10, s1;
	[tilespmem:s30+$0xFFFFFF90] =	vst v0;
	s30 =	sadd.s32 $0x100, s30  }
0x160: {  	[tilespmem:s30+$0xFFFFFF80] =	vst v0;
	p0 =	slt.u32 s1, $0x1F0  }
0x161: {  	[tilespmem:s30+$0x70] =	vst v0  }
0x162: {  	[tilespmem:s30+$0x60] =	vst v0  }
0x163: {  	[tilespmem:s30+$0x50] =	vst v0  }
0x164: {  	[tilespmem:s30+$0x40] =	vst v0  }
0x165: {  	[tilespmem:s30+$0x30] =	vst v0  }
0x166: {  	[tilespmem:s30+$0x20] =	vst v0  }
0x167: {  	[tilespmem:s30+$0x10] =	vst v0  }
0x168: {  	[tilespmem:s30+$0x0] =	vst v0  }
0x169: {  	[tilespmem:s30+$0xFFFFFFF0] =	vst v0  }
.Ltmp9:
0x16a: {  	[tilespmem:s30+$0xFFFFFFE0] =	vst v0;
	(pc) =	sbr.rel @p0 .LBB2_20-.Ltmp9, $4  }
0x16b: {  	[tilespmem:s30+$0xFFFFFFD0] =	vst v0  }
0x16c: {  	[tilespmem:s30+$0xFFFFFFC0] =	vst v0  }
0x16d: {  	[tilespmem:s30+$0xFFFFFFB0] =	vst v0  }
0x16e: {  	[tilespmem:s30+$0xFFFFFFA0] =	vst v0  }
0x16f: {  	s0 =	ssub.s32 $0xFFF, s29  }
0x170: {  	s1 =	sshll.u32 s29, $0x13;
	s26 =	sshll.u32 s0, $0x13  }
0x171: {  	s1 =	ssub.s32 $0x80000000, s1;
	v2 =	vmov s26  }
0x172: {  	v4 =	vmov s1;
	v3 =	vxor.u32 $0x7FFFFFFF, v2  }
0x173: {  	vm0 =	vlt.s32 v2, $0x0;
	v2 =	vxor.u32 $0x7FFFFFFF, v4;
	vm1 =	vlt.s32 v4, $0x0  }
0x174: {  	[tilespmem:s30+$0xFFFFFF90] =	vst v0;
	p0 =	sgt.s32 s0, $0xFFE;
	s0 =	sshra.s32 s0, $0x1F;
	v3 =	vnsel vm0, s26, v3;
	v2 =	vnsel vm1, s1, v2  }
0x175: {  	s0 =	sand.u32 $0x1FFF, s0;
	[tilespmem:$0x1A800] =	vst v3;
	v2 =	vpsel p0, $0x7F800000, v2  }
0x176: {  	[tilespmem:$0x1A880] =	vst v2;
	v2 =	vmov s0  }
0x177: {  	s30 =	simm.s32 $0x80;
	v10 =	vld [tilespmem:$0x1A800];
	[tilespmem:$0x1A980] =	vst v2  }
0x178: {  	v13 =	vld [tilespmem:s30+$0x50]  }
0x179: {  	v6 =	vld [tilespmem:s30+$0xFFFFFF90]  }
0x17a: {  	v17 =	vld [tilespmem:s30+$0xFFFFFFA0]  }
0x17b: {  	v8 =	vld [tilespmem:s30+$0xFFFFFFD0]  }
0x17c: {  	v4 =	vld [tilespmem:s30+$0xFFFFFFE0]  }
0x17d: {  	v5 =	vld [tilespmem:s30+$0x40]  }
0x17e: {  	v14 =	vld [tilespmem:s30+$0x70]  }
0x17f: {  	v15 =	vld [tilespmem:s30+$0x10]  }
0x180: {  	v3 =	vld [tilespmem:s30+$0xFFFFFFF0];
	_ =	sdelay $0x1  }
0x181: {  	v21 =	vimm.s32 $0x0  }
0x182: {  	v7 =	vshrl.u32 v13, $0x6;
	v11 =	vshrl.u32 v5, $0x6;
	vm5 =	vge.f32 v6, v10  }
0x183: {  	v2 =	vld [tilespmem:$0x1A980];
	vm13 =	vge.f32 v8, v10;
	vm4 =	vge.f32 v4, v10;
	vm2 =	vge.f32 v15, v10  }
0x184: {  	v9 =	vld [tilespmem:s30+$0x60];
	vm0 =	vge.f32 v17, v10;
	vm6 =	vge.f32 v14, v10;
	vm3 =	vge.f32 v3, v10  }
0x185: {  	v20 =	vshrl.u32 v15, $0x6;
	v22 =	vshrl.u32 v8, $0x6;
	v16 =	vand.u32 $0x1FFF, v7;
	v7 =	vld [tilespmem:$0x1A880]  }
0x186: {  	v23 =	vshrl.u32 v6, $0x6;
	v18 =	vand.u32 $0x1FFF, v11;
	v11 =	vimm.s32 $0x0  }
0x187: {  	v23 =	vand.u32 $0x1FFF, v23;
	v11 =	vsel vm0, $0xFFFFFFFF, v11;
	vm0 =	vge.f32 v5, v10  }
0x188: {  	v23 =	vxor.u32 v2, v23;
	[tilespmem:$0x1FFE0] =	vst v11;
	v11 =	vxor.u32 v2, v16;
	v16 =	vxor.u32 v2, v18  }
0x189: {  	v18 =	vshrl.u32 v14, $0x6;
	v19 =	vsub.s32 $0x1FFF, v16;
	v16 =	vshrl.u32 v9, $0x6  }
0x18a: {  	v18 =	vand.u32 $0x1FFF, v18;
	v16 =	vand.u32 $0x1FFF, v16;
	vm1 =	vlt.f32 v5, v7  }
0x18b: {  	vm7 =	vlt.f32 v14, v7;
	vm12 =	vlt.f32 v13, v7;
	v16 =	vxor.u32 v2, v16  }
0x18c: {  	v12 =	vld [tilespmem:s30+$0xFFFFFF80];
	vm10 =	vlt.f32 v17, v7;
	vm1 =	vmand vm0, vm1;
	vm0 =	vmand vm6, vm7  }
0x18d: {  	v5 =	vld [tilespmem:s30+$0xFFFFFFB0];
	vm7 =	vge.f32 v9, v10;
	vm6 =	vlt.f32 v15, v7;
	v21 =	vsel vm0, $0xFFFFFFFF, v21  }
0x18e: {  	v14 =	vld [tilespmem:s30+$0x0];
	v15 =	vand.u32 $0x1FFF, v20;
	v20 =	vshrl.u32 v17, $0x6;
	vm0 =	vge.f32 v13, v10;
	[tilespmem:$0x1FFF0] =	vst v21  }
0x18f: {  	v13 =	vand.u32 $0x1FFF, v22;
	vm6 =	vmand vm2, vm6;
	v15 =	vxor.u32 v2, v15;
	v24 =	vld [tilespmem:s30+$0x30]  }
0x190: {  	v22 =	vshrl.u32 v4, $0x6;
	v20 =	vand.u32 $0x1FFF, v20;
	v29 =	vsub.s32 $0x1FFF, v15;
	v28 =	vld [tilespmem:s30+$0xFFFFFFC0]  }
0x191: {  	vm9 =	vge.f32 v12, v10;
	v21 =	vshrl.u32 v3, $0x6;
	v15 =	vxor.u32 v2, v20  }
0x192: {  	v13 =	vxor.u32 v2, v13;
	v15 =	vsub.s32 $0x1FFF, v15;
	v26 =	vshrl.u32 v5, $0x6  }
0x193: {  	v27 =	vshrl.u32 v14, $0x6;
	vm8 =	vge.f32 v5, v10;
	v17 =	vand.u32 $0x1FFF, v26  }
0x194: {  	[tilespmem:v19+s13+$0x0] =	vst.idx.add.s32.msk vm1, v1;
	v20 =	vshrl.u32 v24, $0x6;
	vm11 =	vge.f32 v24, v10;
	vm2 =	vlt.f32 v24, v7  }
0x195: {  	[tilespmem:v29+s13+$0x0] =	vst.idx.add.s32.msk vm6, v1;
	vm1 =	vge.f32 v28, v10;
	vm6 =	vlt.f32 v28, v7;
	v19 =	vshrl.u32 v28, $0x6  }
0x196: {  	v25 =	vand.u32 $0x1FFF, v20;
	v20 =	vxor.u32 v2, v17;
	v17 =	vand.u32 $0x1FFF, v21  }
0x197: {  	s29 =	simm.s32 $0x0;
	v28 =	vld [tilespmem:s30+$0x20];
	s30 =	simm.s32 $0x180;
	vm14 =	vmand vm1, vm6;
	v26 =	vand.u32 $0x1FFF, v19;
	v19 =	vxor.u32 v2, v17  }
.LBB2_22:
0x198: {  	vm1 =	vge.f32 v14, v10;
	vm2 =	vmand vm11, vm2  }
0x199: {  	v17 =	vimm.s32 $0x0;
	vm11 =	vmand vm0, vm12;
	vm12 =	vlt.f32 v8, v7  }
0x19a: {  	v8 =	vand.u32 $0x1FFF, v27;
	vm0 =	vlt.f32 v14, v7;
	v14 =	vxor.u32 v2, v18  }
0x19b: {  	v22 =	vand.u32 $0x1FFF, v22;
	vm6 =	vmmov vm13;
	v31 =	vimm.s32 $0x0  }
0x19c: {  	v17 =	vsel vm2, $0xFFFFFFFF, v17;
	vm2 =	vlt.f32 v4, v7;
	v4 =	vxor.u32 v2, v8  }
0x19d: {  	v27 =	vld [tilespmem:s30+$0xFFFFFF90];
	v11 =	vsub.s32 $0x1FFF, v11;
	v22 =	vxor.u32 v2, v22;
	v29 =	vsub.s32 $0x1FFF, v4  }
0x19e: {  	v24 =	vld [tilespmem:s30+$0x50];
	vm2 =	vmand vm4, vm2;
	v30 =	vsub.s32 $0x1FFF, v22;
	vm4 =	vlt.f32 v12, v7  }
0x19f: {  	v21 =	vld [tilespmem:s30+$0xFFFFFFA0];
	vm15 =	vlt.f32 v28, v7;
	v4 =	vshrl.u32 v28, $0x6;
	vm13 =	vge.f32 v28, v10  }
0x1a0: {  	v18 =	vld [tilespmem:s30+$0xFFFFFFB0];
	v28 =	vshrl.u32 v12, $0x6;
	v10 =	vand.u32 $0x1FFF, v4;
	v4 =	vimm.s32 $0x0  }
0x1a1: {  	v22 =	vld [tilespmem:s30+$0xFFFFFFF0];
	v28 =	vand.u32 $0x1FFF, v28;
	v4 =	vsel vm2, $0xFFFFFFFF, v4;
	vm2 =	vlt.f32 v6, v7  }
0x1a2: {  	v10 =	vxor.u32 v2, v10;
	v6 =	vmovc v27;
	v27 =	vld [tilespmem:s30+$0x40];
	vm2 =	vmand vm5, vm2;
	vm5 =	vlt.f32 v3, v7  }
0x1a3: {  	[tilespmem:v11+s13+$0x0] =	vst.idx.add.s32.msk vm11, v1;
	v12 =	vsel vm2, $0xFFFFFFFF, v31;
	vm2 =	vmand vm9, vm4;
	vm9 =	vmand vm13, vm15  }
0x1a4: {  	v8 =	vld [tilespmem:s30+$0xFFFFFFD0];
	vm15 =	vmand vm3, vm5;
	vm3 =	vlt.f32 v9, v7;
	[tilespmem:$0x1FFC0] =	vst v12;
	v12 =	vxor.u32 v2, v28  }
0x1a5: {  	v32 =	vsub.s32 $0x1FFF, v10;
	v10 =	vld [tilespmem:$0x1A800];
	vm11 =	vmand vm7, vm3;
	v12 =	vsub.s32 $0x1FFF, v12  }
0x1a6: {  	v16 =	vsub.s32 $0x1FFF, v16;
	vm4 =	vlt.f32 v5, v7;
	v28 =	vld [tilespmem:s30+$0x70]  }
0x1a7: {  	v5 =	vmovc v18;
	v18 =	vxor.u32 v2, v25;
	v7 =	vshrl.u32 v24, $0x6;
	v25 =	vxor.u32 v2, v26;
	v2 =	vld [tilespmem:$0x1A980]  }
0x1a8: {  	v3 =	vmovc v22;
	v22 =	vand.u32 $0x1FFF, v7;
	v7 =	vld [tilespmem:$0x1FFE0];
	vm7 =	vmand vm6, vm12;
	v9 =	vshrl.u32 v27, $0x6  }
0x1a9: {  	v13 =	vsub.s32 $0x1FFF, v13;
	v26 =	vand.u32 $0x1FFF, v9;
	v9 =	vld [tilespmem:s30+$0x60]  }
0x1aa: {  	[tilespmem:v12+s13+$0x0] =	vst.idx.add.s32.msk vm2, v1  }
0x1ab: {  	[tilespmem:v16+s13+$0x0] =	vst.idx.add.s32.msk vm11, v1  }
0x1ac: {  	v16 =	vld [tilespmem:$0x1FFF0]  }
0x1ad: {  	[tilespmem:$0x1FFB0] =	vst v17;
	vm2 =	vnez.u8 v7;
	v7 =	vld [tilespmem:$0x1A880]  }
0x1ae: {  	v11 =	vimm.s32 $0x0;
	[tilespmem:v13+s13+$0x0] =	vst.idx.add.s32.msk vm7, v1;
	vm3 =	vmand vm2, vm10;
	vm2 =	vge.f32 v21, v10  }
0x1af: {  	v13 =	vld [tilespmem:$0x1FFB0];
	v11 =	vsel vm2, $0xFFFFFFFF, v11  }
0x1b0: {  	[tilespmem:$0x1FFE0] =	vst v11;
	v11 =	vxor.u32 v2, v22;
	v22 =	vxor.u32 v2, v26  }
0x1b1: {  	vm2 =	vmand vm1, vm0;
	vm0 =	vge.f32 v28, v10;
	v62 =	vsub.s32 $0x1FFF, v22  }
0x1b2: {  	[tilespmem:v32+s13+$0x0] =	vst.idx.add.s32.msk vm9, v1;
	v22 =	vshrl.u32 v9, $0x6;
	vm1 =	vnez.u8 v16;
	vm9 =	vlt.f32 v28, v7  }
0x1b3: {  	v16 =	vand.u32 $0x1FFF, v22;
	v22 =	vimm.s32 $0x0;
	vm0 =	vmand vm0, vm9  }
0x1b4: {  	v33 =	vsub.s32 $0x1FFF, v14;
	v22 =	vsel vm0, $0xFFFFFFFF, v22;
	vm0 =	vnez.u8 v13  }
0x1b5: {  	v63 =	vld [tilespmem:s30+$0x30];
	v26 =	vsub.s32 $0x1FFF, v18  }
0x1b6: {  	v14 =	vld [tilespmem:s30+$0x0]  }
0x1b7: {  	[tilespmem:$0x1FFD0] =	vst v4;
	v4 =	vld [tilespmem:s30+$0xFFFFFFE0]  }
0x1b8: {  	v19 =	vsub.s32 $0x1FFF, v19;
	v31 =	vld [tilespmem:s30+$0x10];
	vm8 =	vmand vm8, vm4  }
0x1b9: {  	v20 =	vsub.s32 $0x1FFF, v20;
	[tilespmem:v33+s13+$0x0] =	vst.idx.add.s32.msk vm1, v1  }
0x1ba: {  	vm12 =	vge.f32 v27, v10;
	vm1 =	vlt.f32 v27, v7;
	[tilespmem:v26+s13+$0x0] =	vst.idx.add.s32.msk vm0, v1  }
0x1bb: {  	vm1 =	vmand vm12, vm1;
	vm12 =	vlt.f32 v24, v7;
	vm0 =	vge.f32 v24, v10;
	v24 =	vld [tilespmem:$0x1FFC0]  }
0x1bc: {  	v17 =	vld [tilespmem:s30+$0xFFFFFFC0]  }
0x1bd: {  	v23 =	vsub.s32 $0x1FFF, v23;
	[tilespmem:v19+s13+$0x0] =	vst.idx.add.s32.msk vm15, v1  }
0x1be: {  	v35 =	vshrl.u32 v3, $0x6;
	vm5 =	vge.f32 v6, v10;
	vm13 =	vge.f32 v8, v10;
	[tilespmem:v20+s13+$0x0] =	vst.idx.add.s32.msk vm8, v1  }
0x1bf: {  	vm4 =	vge.f32 v4, v10;
	v34 =	vshrl.u32 v31, $0x6;
	v20 =	vshrl.u32 v6, $0x6;
	v12 =	vld [tilespmem:s30+$0xFFFFFF80]  }
0x1c0: {  	vm8 =	vge.f32 v5, v10;
	vm10 =	vge.f32 v31, v10;
	[tilespmem:v29+s13+$0x0] =	vst.idx.add.s32.msk vm2, v1;
	vm2 =	vnez.u8 v24  }
0x1c1: {  	v19 =	vand.u32 $0x1FFF, v20;
	vm7 =	vge.f32 v9, v10;
	vm11 =	vlt.f32 v31, v7;
	v24 =	vld [tilespmem:$0x1FFD0]  }
0x1c2: {  	v16 =	vxor.u32 v2, v16;
	[tilespmem:v15+s13+$0x0] =	vst.idx.add.s32.msk vm3, v1;
	vm3 =	vge.f32 v3, v10;
	v15 =	vshrl.u32 v28, $0x6  }
0x1c3: {  	v18 =	vand.u32 $0x1FFF, v15;
	v15 =	vsub.s32 $0x1FFF, v25;
	v13 =	vshrl.u32 v8, $0x6  }
0x1c4: {  	vm9 =	vge.f32 v12, v10;
	[tilespmem:$0x1FFF0] =	vst v22;
	v13 =	vand.u32 $0x1FFF, v13;
	v22 =	vshrl.u32 v4, $0x6  }
0x1c5: {  	v13 =	vxor.u32 v2, v13;
	v27 =	vshrl.u32 v14, $0x6;
	v26 =	vshrl.u32 v5, $0x6;
	[tilespmem:v62+s13+$0x0] =	vst.idx.add.s32.msk vm1, v1  }
0x1c6: {  	vm1 =	vge.f32 v17, v10;
	vm6 =	vnez.u8 v24;
	[tilespmem:v23+s13+$0x0] =	vst.idx.add.s32.msk vm2, v1;
	v23 =	vand.u32 $0x1FFF, v34  }
0x1c7: {  	s29 =	sadd.s32 $0x10, s29;
	v24 =	vshrl.u32 v21, $0x6;
	vm2 =	vmand vm10, vm11;
	v23 =	vxor.u32 v2, v23  }
0x1c8: {  	p0 =	slt.u32 s29, $0xC30;
	[tilespmem:v15+s13+$0x0] =	vst.idx.add.s32.msk vm14, v1;
	v15 =	vand.u32 $0x1FFF, v24;
	vm11 =	vge.f32 v63, v10;
	v24 =	vsub.s32 $0x1FFF, v23  }
.Ltmp10:
0x1c9: {  	vm10 =	vlt.f32 v21, v7;
	v15 =	vxor.u32 v2, v15;
	v23 =	vshrl.u32 v63, $0x6;
	(pc) =	sbr.rel @p0 .LBB2_22-.Ltmp10, $4  }
0x1ca: {  	v25 =	vand.u32 $0x1FFF, v23;
	v23 =	vxor.u32 v2, v19;
	v19 =	vand.u32 $0x1FFF, v26  }
0x1cb: {  	v28 =	vld [tilespmem:s30+$0x20];
	v15 =	vsub.s32 $0x1FFF, v15;
	v20 =	vxor.u32 v2, v19;
	v19 =	vand.u32 $0x1FFF, v35  }
0x1cc: {  	[tilespmem:v30+s13+$0x0] =	vst.idx.add.s32.msk vm6, v1;
	vm6 =	vlt.f32 v17, v7;
	v17 =	vshrl.u32 v17, $0x6;
	v19 =	vxor.u32 v2, v19  }
0x1cd: {  	s30 =	sadd.s32 $0x100, s30;
	vm14 =	vmand vm1, vm6;
	v26 =	vand.u32 $0x1FFF, v17;
	[tilespmem:v24+s13+$0x0] =	vst.idx.add.s32.msk vm2, v1;
	vm2 =	vlt.f32 v63, v7  }
0x1ce: {  	vm1 =	vmand vm11, vm2;
	vm2 =	vmand vm0, vm12;
	v51 =	vld [tilespmem:$0x1FFE0]  }
0x1cf: {  	vm12 =	vlt.f32 v12, v7;
	v49 =	vshrl.u32 v12, $0x6;
	v11 =	vsub.s32 $0x1FFF, v11  }
0x1d0: {  	vm0 =	vlt.f32 v6, v7;
	vm9 =	vmand vm9, vm12;
	v12 =	vand.u32 $0x1FFF, v49  }
0x1d1: {  	vm6 =	vlt.f32 v28, v7;
	v17 =	vshrl.u32 v28, $0x6;
	vm15 =	vge.f32 v28, v10  }
0x1d2: {  	v12 =	vxor.u32 v2, v12;
	v17 =	vand.u32 $0x1FFF, v17;
	vm11 =	vmand vm15, vm6  }
0x1d3: {  	v12 =	vsub.s32 $0x1FFF, v12;
	v50 =	vxor.u32 v2, v17;
	vm6 =	vnez.u8 v51  }
0x1d4: {  	v6 =	vsub.s32 $0x1FFF, v50;
	vm10 =	vmand vm6, vm10;
	vm6 =	vlt.f32 v9, v7  }
0x1d5: {  	vm0 =	vmand vm5, vm0;
	vm5 =	vmand vm7, vm6  }
0x1d6: {  	v53 =	vsub.s32 $0x1FFF, v16  }
0x1d7: {  	[tilespmem:v11+s13+$0x0] =	vst.idx.add.s32.msk vm2, v1  }
0x1d8: {  	v52 =	vxor.u32 v2, v18;
	vm12 =	vlt.f32 v8, v7;
	[tilespmem:v12+s13+$0x0] =	vst.idx.add.s32.msk vm9, v1  }
0x1d9: {  	v54 =	vand.u32 $0x1FFF, v27;
	v55 =	vxor.u32 v2, v25;
	vm7 =	vmand vm13, vm12;
	[tilespmem:v6+s13+$0x0] =	vst.idx.add.s32.msk vm11, v1  }
0x1da: {  	v56 =	vsub.s32 $0x1FFF, v13;
	vm15 =	vlt.f32 v14, v7;
	vm13 =	vge.f32 v14, v10;
	[tilespmem:v15+s13+$0x0] =	vst.idx.add.s32.msk vm10, v1  }
0x1db: {  	v57 =	vxor.u32 v2, v54;
	v58 =	vsub.s32 $0x1FFF, v55;
	vm2 =	vmand vm13, vm15;
	[tilespmem:v53+s13+$0x0] =	vst.idx.add.s32.msk vm5, v1  }
0x1dc: {  	v60 =	vand.u32 $0x1FFF, v22;
	v59 =	vsub.s32 $0x1FFF, v57;
	vm15 =	vlt.f32 v3, v7;
	v62 =	vld [tilespmem:$0x1FFF0]  }
0x1dd: {  	v61 =	vsub.s32 $0x1FFF, v23;
	vm6 =	vlt.f32 v4, v7;
	vm3 =	vmand vm3, vm15  }
0x1de: {  	v63 =	vsub.s32 $0x1FFF, v19;
	vm4 =	vmand vm4, vm6;
	v6 =	vxor.u32 v2, v60  }
0x1df: {  	vm13 =	vlt.f32 v5, v7;
	v2 =	vxor.u32 v2, v26;
	v6 =	vsub.s32 $0x1FFF, v6;
	[tilespmem:v56+s13+$0x0] =	vst.idx.add.s32.msk vm7, v1  }
0x1e0: {  	v2 =	vsub.s32 $0x1FFF, v2;
	vm5 =	vmand vm8, vm13;
	[tilespmem:v58+s13+$0x0] =	vst.idx.add.s32.msk vm1, v1  }
0x1e1: {  	v3 =	vsub.s32 $0x1FFF, v20;
	[tilespmem:v59+s13+$0x0] =	vst.idx.add.s32.msk vm2, v1;
	vm12 =	vnez.u8 v62  }
0x1e2: {  	v8 =	vsub.s32 $0x1FFF, v52;
	[tilespmem:v61+s13+$0x0] =	vst.idx.add.s32.msk vm0, v1  }
0x1e3: {  	[tilespmem:v63+s13+$0x0] =	vst.idx.add.s32.msk vm3, v1  }
0x1e4: {  	[tilespmem:v6+s13+$0x0] =	vst.idx.add.s32.msk vm4, v1  }
0x1e5: {  	[tilespmem:v2+s13+$0x0] =	vst.idx.add.s32.msk vm14, v1  }
0x1e6: {  	s28 =	ssub.s32 $0x9CC, s28;
	s29 =	simm.s32 $0x0;
	[tilespmem:v3+s13+$0x0] =	vst.idx.add.s32.msk vm5, v1  }
0x1e7: {  	s30 =	simm.s32 $0xFFFFFF80;
	s31 =	simm.s32 $0x18840;
	s1 =	simm.s32 $0x0;
	[tilespmem:v8+s13+$0x0] =	vst.idx.add.s32.msk vm12, v1  }
.LBB2_24:
0x1e8: {  	v2 =	vld [tilespmem:s31+$0xFFFFFFC0]  }
0x1e9: {  	v3 =	vld [tilespmem:s31+$0xFFFFFFD0]  }
0x1ea: {  	v4 =	vld [tilespmem:s31+$0xFFFFFFE0]  }
0x1eb: {  	v5 =	vld [tilespmem:s31+$0xFFFFFFF0]  }
0x1ec: {  	v6 =	vld [tilespmem:s31+$0x0]  }
0x1ed: {  	(xrf0) =	vadd.scan.msk.s32 $0xffff, v2;
	v2 =	vld [tilespmem:s31+$0x10]  }
0x1ee: {  	(xrf0) =	vadd.scan.msk.s32 $0xffff, v3;
	v3 =	vld [tilespmem:s31+$0x20]  }
0x1ef: {  	v63 =	vld [tilespmem:s31+$0x30];
	(xrf0) =	vadd.scan.msk.s32 $0xffff, v4  }
0x1f0: {  	(xrf0) =	vadd.scan.msk.s32 $0xffff, v5  }
0x1f1: {  	(xrf0) =	vadd.scan.msk.s32 $0xffff, v6  }
0x1f2: {  	(xrf0) =	vadd.scan.msk.s32 $0xffff, v2  }
0x1f3: {  	v2, _, _ =	vpop (xrf0);
	(xrf0) =	vadd.scan.msk.s32 $0xffff, v3  }
0x1f4: {  	(v2sf) =	vpush v2, $0xF;
	v2, _, _ =	vpop (xrf0);
	(xrf0) =	vadd.scan.msk.s32 $0xffff, v63  }
0x1f5: {  	v3, _, _ =	vpop (xrf0);
	(v2sf) =	vpush v2, $0xF  }
0x1f6: {  	v2, _, _ =	vpop (xrf0);
	(v2sf) =	vpush v3, $0xF  }
0x1f7: {  	v3, _, _ =	vpop (xrf0);
	(v2sf) =	vpush v2, $0xF  }
0x1f8: {  	v2, _, _ =	vpop (xrf0);
	(v2sf) =	vpush v3, $0xF  }
0x1f9: {  	v3, _, _ =	vpop (xrf0);
	(v2sf) =	vpush v2, $0xF  }
0x1fa: {  	(v2sf) =	vpush v3, $0xF;
	v2, _, _ =	vpop (xrf0)  }
0x1fb: {  	(v2sf) =	vpush v2, $0xF;
	_ =	sdelay $0x7  }
0x1fc: {  	s0 =	spop (v2sf)  }
0x1fd: {  	s7 =	spop (v2sf);
	s0 =	sadd.s32 s29, s0  }
0x1fe: {  	s8 =	spop (v2sf);
	s0 =	sadd.s32 s7, s0  }
0x1ff: {  	s7 =	spop (v2sf);
	s0 =	sadd.s32 s8, s0  }
0x200: {  	s8 =	spop (v2sf);
	s0 =	sadd.s32 s7, s0  }
0x201: {  	s7 =	spop (v2sf);
	s0 =	sadd.s32 s8, s0  }
0x202: {  	s8 =	spop (v2sf);
	s0 =	sadd.s32 s7, s0  }
0x203: {  	s7 =	spop (v2sf);
	s0 =	sadd.s32 s8, s0  }
0x204: {  	p1 =	sgt.u32 s1, $0x3E;
	s0 =	sadd.s32 s7, s0  }
0x205: {  	p2 =	slt.s32 @!p1 s0, s28  }
0x206: {  	p1 =	por p1, !p2  }
.Ltmp11:
0x207: {  	_ = 	snop;
	(pc) =	sbr.rel @!p1 .LBB2_24-.Ltmp11, $3  }
0x208: {  	_ =	sdelay $0x1  }
0x209: {  	s1 =	sadd.s32 $0x1, s1;
	p0 =	slt.s32 s0, s28  }
0x20a: {  	s30 =	sadd.s32 $0x80, s30;
	s31 =	sadd.s32 $0x80, s31;
	s29 =	smov.u32 @p0 s0  }
0x20b: {  	s30 =	simm.s32 @p0 $0xFFFFFF80  }
0x20c: {  	s31 =	simm.s32 $0x0;
	s1 =	sadd.s32 $0x18800, s30  }
.LBB2_26:
0x20d: {  	v2 =	vld [tilespmem:s1+$0x0];
	_ =	sdelay $0x4  }
0x20e: {  	(xrf0) =	vadd.scan.msk.s32 $0xffff, v2;
	_ =	sdelay $0x5  }
0x20f: {  	s0 =	ssub.s32 s28, s29;
	v2, _, _ =	vpop (xrf0)  }
0x210: {  	vm0 =	vlt.s32 v2, s0  }
0x211: {  	v3 =	vsel vm0, $0x1, v0  }
0x212: {  	(xrf0) =	vadd.scan.msk.s32 $0xffff, v3;
	_ =	sdelay $0x5  }
0x213: {  	(v2sf) =	vpush v2, $0xF;
	v2, _, _ =	vpop (xrf0)  }
0x214: {  	(v2sf) =	vpush v2, $0xF;
	_ =	sdelay $0xd  }
0x215: {  	s7 =	spop (v2sf)  }
0x216: {  	s29 =	sadd.s32 s29, s7;
	s8 =	spop (v2sf)  }
0x217: {  	p0 =	slt.s32 s29, s28;
	s0 =	sadd.s32 s30, s8  }
0x218: {  	s0 =	simm.s32 @p0 $0xFFFFFFFF;
	p0 =	sgt.u32 s31, $0x6  }
0x219: {  	p1 =	slt.s32 @!p0 s0, $0x0  }
0x21a: {  	p0 =	por p0, !p1  }
.Ltmp12:
0x21b: {  	_ = 	snop;
	(pc) =	sbr.rel @!p0 .LBB2_26-.Ltmp12, $2  }
0x21c: {  	_ =	sdelay $0x2  }
0x21d: {  	s1 =	sadd.s32 $0x10, s1;
	s30 =	sadd.s32 $0x10, s30;
	s31 =	sadd.s32 $0x1, s31  }
0x21e: {  	s0 =	sshll.u32 s0, $0x6  }
0x21f: {  	s0 =	ssub.s32 $0x7FFC0, s0  }
0x220: {  	s0 =	sor.u32 s26, s0  }
0x221: {  	v2 =	vmov s0  }
0x222: {  	v3 =	vxor.u32 $0x7FFFFFFF, v2;
	vm0 =	vlt.s32 v2, $0x0  }
0x223: {  	v2 =	vnsel vm0, s0, v3  }
0x224: {  	[tilespmem:$0x1A900] =	vst v2  }
0x225: {  	s26 =	simm.s32 $0x80;
	v2 =	vld [tilespmem:$0x1A900]  }
0x226: {  	v3 =	vld [tilespmem:s26+$0x70]  }
0x227: {  	v4 =	vld [tilespmem:s26+$0xFFFFFF90]  }
0x228: {  	v5 =	vld [tilespmem:s26+$0xFFFFFFA0]  }
0x229: {  	v6 =	vld [tilespmem:s26+$0xFFFFFFB0]  }
0x22a: {  	v7 =	vld [tilespmem:s26+$0xFFFFFFC0]  }
0x22b: {  	v8 =	vld [tilespmem:s26+$0xFFFFFFD0];
	vm0 =	vge.f32 v3, v2  }
0x22c: {  	v9 =	vld [tilespmem:s26+$0xFFFFFFE0];
	vm1 =	vge.f32 v4, v2;
	v3 =	vnsel vm0, $0x0, v3  }
0x22d: {  	v10 =	vld [tilespmem:s26+$0xFFFFFFF0];
	v4 =	vnsel vm1, $0x0, v4;
	vm0 =	vge.f32 v5, v2;
	[tilespmem:s26+$0x70] =	vst v3  }
0x22e: {  	[tilespmem:s26+$0xFFFFFF90] =	vst v4;
	v3 =	vnsel vm0, $0x0, v5;
	vm0 =	vge.f32 v6, v2;
	v5 =	vld [tilespmem:s26+$0x0]  }
0x22f: {  	v11 =	vld [tilespmem:s26+$0x10];
	[tilespmem:s26+$0xFFFFFFA0] =	vst v3;
	v3 =	vnsel vm0, $0x0, v6;
	vm0 =	vge.f32 v7, v2  }
0x230: {  	[tilespmem:s26+$0xFFFFFFB0] =	vst v3;
	v3 =	vnsel vm0, $0x0, v7;
	vm0 =	vge.f32 v8, v2;
	v7 =	vld [tilespmem:s26+$0x20]  }
0x231: {  	[tilespmem:s26+$0xFFFFFFC0] =	vst v3;
	v4 =	vnsel vm0, $0x0, v8;
	vm0 =	vge.f32 v9, v2;
	v3 =	vld [tilespmem:s26+$0x30]  }
0x232: {  	[tilespmem:s26+$0xFFFFFFD0] =	vst v4;
	v6 =	vnsel vm0, $0x0, v9;
	vm0 =	vge.f32 v10, v2;
	v4 =	vld [tilespmem:s26+$0x40]  }
0x233: {  	v8 =	vld [tilespmem:s26+$0x50];
	[tilespmem:s26+$0xFFFFFFE0] =	vst v6;
	v6 =	vnsel vm0, $0x0, v10;
	vm0 =	vge.f32 v5, v2  }
0x234: {  	[tilespmem:s26+$0xFFFFFFF0] =	vst v6;
	v9 =	vnsel vm0, $0x0, v5;
	vm0 =	vge.f32 v11, v2;
	v5 =	vld [tilespmem:s26+$0x60]  }
0x235: {  	s28 =	simm.s32 $0x0;
	s29 =	simm.s32 $0x80;
	v6 =	vld [tilespmem:s26+$0xFFFFFF80];
	[tilespmem:s26+$0x0] =	vst v9;
	v9 =	vnsel vm0, $0x0, v11;
	vm0 =	vge.f32 v7, v2  }
.LBB2_28:
0x236: {  	v10 =	vld [tilespmem:$0x1A900];
	[tilespmem:s26+$0x10] =	vst v9;
	v7 =	vnsel vm0, $0x0, v7;
	vm0 =	vge.f32 v3, v2;
	s29 =	sadd.s32 $0x100, s29  }
0x237: {  	s28 =	sadd.s32 $0x10, s28;
	v9 =	vld [tilespmem:s29+$0x70];
	[tilespmem:s26+$0x20] =	vst v7;
	v3 =	vnsel vm0, $0x0, v3;
	vm0 =	vge.f32 v4, v2  }
0x238: {  	p0 =	slt.u32 s28, $0xC30;
	v7 =	vld [tilespmem:s29+$0xFFFFFF90];
	[tilespmem:s26+$0x30] =	vst v3;
	v3 =	vnsel vm0, $0x0, v4;
	vm0 =	vge.f32 v8, v2  }
0x239: {  	v4 =	vld [tilespmem:s29+$0xFFFFFFA0];
	[tilespmem:s26+$0x40] =	vst v3;
	v3 =	vnsel vm0, $0x0, v8;
	vm0 =	vge.f32 v5, v2  }
0x23a: {  	v8 =	vld [tilespmem:s29+$0xFFFFFFB0];
	vm1 =	vge.f32 v6, v2;
	[tilespmem:s26+$0x50] =	vst v3;
	v11 =	vnsel vm0, $0x0, v5  }
0x23b: {  	v3 =	vld [tilespmem:s29+$0xFFFFFFC0];
	v5 =	vnsel vm1, $0x0, v6;
	[tilespmem:s26+$0x60] =	vst v11;
	v2 =	vmov v10  }
0x23c: {  	v6 =	vld [tilespmem:s29+$0xFFFFFFD0];
	vm0 =	vge.f32 v9, v2;
	[tilespmem:s26+$0xFFFFFF80] =	vst v5;
	s26 =	smov.u32 s29  }
0x23d: {  	vm1 =	vge.f32 v7, v2;
	v5 =	vld [tilespmem:s29+$0xFFFFFFE0];
	v9 =	vnsel vm0, $0x0, v9  }
0x23e: {  	v7 =	vnsel vm1, $0x0, v7;
	vm0 =	vge.f32 v4, v2;
	v10 =	vld [tilespmem:s29+$0xFFFFFFF0];
	[tilespmem:s29+$0x70] =	vst v9  }
0x23f: {  	[tilespmem:s29+$0xFFFFFF90] =	vst v7;
	v4 =	vnsel vm0, $0x0, v4;
	vm0 =	vge.f32 v8, v2;
	v9 =	vld [tilespmem:s29+$0x0]  }
0x240: {  	[tilespmem:s29+$0xFFFFFFA0] =	vst v4;
	v4 =	vnsel vm0, $0x0, v8;
	vm0 =	vge.f32 v3, v2;
	v11 =	vld [tilespmem:s29+$0x10]  }
0x241: {  	[tilespmem:s29+$0xFFFFFFB0] =	vst v4;
	v3 =	vnsel vm0, $0x0, v3;
	vm0 =	vge.f32 v6, v2;
	v7 =	vld [tilespmem:s29+$0x20]  }
.Ltmp13:
0x242: {  	[tilespmem:s29+$0xFFFFFFC0] =	vst v3;
	v4 =	vnsel vm0, $0x0, v6;
	vm0 =	vge.f32 v5, v2;
	v3 =	vld [tilespmem:s29+$0x30];
	(pc) =	sbr.rel @p0 .LBB2_28-.Ltmp13, $4  }
0x243: {  	[tilespmem:s29+$0xFFFFFFD0] =	vst v4;
	v5 =	vnsel vm0, $0x0, v5;
	vm0 =	vge.f32 v10, v2;
	v4 =	vld [tilespmem:s29+$0x40]  }
0x244: {  	[tilespmem:s29+$0xFFFFFFE0] =	vst v5;
	v5 =	vnsel vm0, $0x0, v10;
	vm0 =	vge.f32 v9, v2;
	v8 =	vld [tilespmem:s29+$0x50]  }
0x245: {  	[tilespmem:s29+$0xFFFFFFF0] =	vst v5;
	v9 =	vnsel vm0, $0x0, v9;
	vm0 =	vge.f32 v11, v2;
	v5 =	vld [tilespmem:s29+$0x60]  }
0x246: {  	v6 =	vld [tilespmem:s29+$0xFFFFFF80];
	[tilespmem:s29+$0x0] =	vst v9;
	v9 =	vnsel vm0, $0x0, v11;
	vm0 =	vge.f32 v7, v2  }
0x247: {  	[tilespmem:s26+$0x10] =	vst v9;
	v7 =	vnsel vm0, $0x0, v7;
	vm12 =	vge.f32 v3, v2  }
0x248: {  	[tilespmem:s26+$0x20] =	vst v7;
	v3 =	vnsel vm12, $0x0, v3;
	vm13 =	vge.f32 v4, v2  }
0x249: {  	[tilespmem:s26+$0x30] =	vst v3;
	v3 =	vnsel vm13, $0x0, v4;
	vm14 =	vge.f32 v8, v2  }
0x24a: {  	[tilespmem:s26+$0x40] =	vst v3;
	v3 =	vnsel vm14, $0x0, v8;
	vm15 =	vge.f32 v5, v2  }
0x24b: {  	vm1 =	vge.f32 v6, v2;
	[tilespmem:s26+$0x50] =	vst v3;
	v2 =	vnsel vm15, $0x0, v5  }
0x24c: {  	s0 =	sshrl.u32 s25, $0x3;
	v3 =	vnsel vm1, $0x0, v6;
	[tilespmem:s26+$0x60] =	vst v2  }
0x24d: {  	s31 =	sshrl.u32 s24, $0x3;
	s0 =	sadd.s32 s6, s0;
	[tilespmem:s26+$0xFFFFFF80] =	vst v3  }
0x24e: {  	[hbm4b:s0+s9] =	stream.strided.scatter [tilespmem:s4], [sflag:$0x3], $0x6200, s10, s9, $0x38;
	[tilespmem:$0x1AA00] =	vst v63  }
0x24f: {  	s0 =	sadd.s32 s6, s31  }
0x250: {  	[hbm4b:s0+s9] =	stream.strided.scatter [tilespmem:s11], [sflag:$0x3], $0x6200, s10, s9, $0x38;
	[tilespmem:$0x1AA00] =	vst v63  }
0x251: {  	_ =	swait.ge [sflag:s16], $0x6200  }
0x252: {  	[sflag:s16] =	ssyncset.done $0x0  }
0x253: {  	[sflag:s16] =	ssyncadd.s32 $0xFFFF9E00  }
0x254: {  	_ =	swait.ge [sflag:s16], $0x6200  }
0x255: {  	[sflag:s16] =	ssyncset.done $0x0  }
0x256: {  	s25 =	simm.s32 $0x18880;
	[sflag:s16] =	ssyncadd.s32 $0xFFFF9E00  }
0x257: {  	[tilespmem:s25+$0xFFFFFF80] =	vst v0  }
0x258: {  	[tilespmem:s25+$0x70] =	vst v0  }
0x259: {  	[tilespmem:s25+$0x60] =	vst v0  }
0x25a: {  	[tilespmem:s25+$0x50] =	vst v0  }
0x25b: {  	[tilespmem:s25+$0x40] =	vst v0  }
0x25c: {  	[tilespmem:s25+$0x30] =	vst v0  }
0x25d: {  	[tilespmem:s25+$0x20] =	vst v0  }
0x25e: {  	[tilespmem:s25+$0x10] =	vst v0  }
0x25f: {  	[tilespmem:s25+$0x0] =	vst v0  }
0x260: {  	[tilespmem:s25+$0xFFFFFFF0] =	vst v0  }
0x261: {  	[tilespmem:s25+$0xFFFFFFE0] =	vst v0  }
0x262: {  	[tilespmem:s25+$0xFFFFFFD0] =	vst v0  }
0x263: {  	[tilespmem:s25+$0xFFFFFFC0] =	vst v0  }
0x264: {  	[tilespmem:s25+$0xFFFFFFB0] =	vst v0  }
0x265: {  	s1 =	simm.s32 $0x0;
	[tilespmem:s25+$0xFFFFFFA0] =	vst v0  }
.LBB2_30:
0x266: {  	s1 =	sadd.s32 $0x10, s1;
	[tilespmem:s25+$0xFFFFFF90] =	vst v0;
	s25 =	sadd.s32 $0x100, s25;
	s24 =	simm.s32 $0xC480  }
0x267: {  	[tilespmem:s25+$0xFFFFFF80] =	vst v0;
	p0 =	slt.u32 s1, $0x1F0  }
0x268: {  	[tilespmem:s25+$0x70] =	vst v0  }
0x269: {  	[tilespmem:s25+$0x60] =	vst v0  }
0x26a: {  	[tilespmem:s25+$0x50] =	vst v0  }
0x26b: {  	[tilespmem:s25+$0x40] =	vst v0  }
0x26c: {  	[tilespmem:s25+$0x30] =	vst v0  }
0x26d: {  	[tilespmem:s25+$0x20] =	vst v0  }
0x26e: {  	[tilespmem:s25+$0x10] =	vst v0  }
0x26f: {  	[tilespmem:s25+$0x0] =	vst v0  }
0x270: {  	[tilespmem:s25+$0xFFFFFFF0] =	vst v0  }
.Ltmp14:
0x271: {  	[tilespmem:s25+$0xFFFFFFE0] =	vst v0;
	(pc) =	sbr.rel @p0 .LBB2_30-.Ltmp14, $4  }
0x272: {  	[tilespmem:s25+$0xFFFFFFD0] =	vst v0  }
0x273: {  	[tilespmem:s25+$0xFFFFFFC0] =	vst v0  }
0x274: {  	[tilespmem:s25+$0xFFFFFFB0] =	vst v0  }
0x275: {  	[tilespmem:s25+$0xFFFFFFA0] =	vst v0  }
0x276: {  	[tilespmem:s25+$0xFFFFFF90] =	vst v0  }
0x277: {  	v4 =	vld [tilespmem:s24+$0xFFFFFFB0]  }
0x278: {  	v2 =	vld [tilespmem:s24+$0xFFFFFFC0]  }
0x279: {  	v3 =	vld [tilespmem:s24+$0xFFFFFFD0]  }
0x27a: {  	v5 =	vld [tilespmem:s24+$0xFFFFFF80]  }
0x27b: {  	v6 =	vld [tilespmem:s24+$0x70]  }
0x27c: {  	v7 =	vld [tilespmem:s24+$0x60]  }
0x27d: {  	v8 =	vld [tilespmem:s24+$0x50]  }
0x27e: {  	v9 =	vld [tilespmem:s24+$0x40]  }
0x27f: {  	v10 =	vshra.s32 v5, $0x13;
	vm0 =	vgt.s32 v5, $0xFFFFFFFF;
	v5 =	vld [tilespmem:s24+$0x30]  }
0x280: {  	v11 =	vld [tilespmem:s24+$0x20]  }
0x281: {  	v56 =	vld [tilespmem:s24+$0x0];
	v12 =	vshra.s32 v6, $0x13;
	vm1 =	vgt.s32 v6, $0xFFFFFFFF;
	v10 =	vsub.s32 $0xFFF, v10  }
0x282: {  	v14 =	vld [tilespmem:s24+$0xFFFFFFF0];
	v13 =	vshra.s32 v7, $0x13;
	vm2 =	vgt.s32 v7, $0xFFFFFFFF;
	v7 =	vsub.s32 $0xFFF, v12  }
0x283: {  	v6 =	vld [tilespmem:s24+$0x10];
	v13 =	vsub.s32 $0xFFF, v13  }
0x284: {  	v15 =	vld [tilespmem:s24+$0xFFFFFFE0];
	v16 =	vshra.s32 v5, $0x13;
	vm3 =	vgt.s32 v5, $0xFFFFFFFF  }
0x285: {  	v59 =	vld [tilespmem:s24+$0xFFFFFFA0];
	vm4 =	vgt.s32 v9, $0xFFFFFFFF;
	v5 =	vshra.s32 v9, $0x13;
	v57 =	vsub.s32 $0xFFF, v16  }
0x286: {  	v58 =	vshra.s32 v11, $0x13;
	[tilespmem:v10+s13+$0x0] =	vst.idx.add.s32.msk vm0, v1;
	v5 =	vsub.s32 $0xFFF, v5;
	vm0 =	vgt.s32 v11, $0xFFFFFFFF  }
0x287: {  	[tilespmem:v7+s13+$0x0] =	vst.idx.add.s32.msk vm1, v1;
	v7 =	vshra.s32 v8, $0x13;
	v10 =	vsub.s32 $0xFFF, v58;
	vm1 =	vgt.s32 v8, $0xFFFFFFFF  }
0x288: {  	[tilespmem:v13+s13+$0x0] =	vst.idx.add.s32.msk vm2, v1;
	vm2 =	vgt.s32 v6, $0xFFFFFFFF;
	v6 =	vshra.s32 v6, $0x13;
	v7 =	vsub.s32 $0xFFF, v7  }
0x289: {  	v61 =	vld [tilespmem:s24+$0xFFFFFF90];
	v60 =	vshra.s32 v14, $0x13;
	vm5 =	vgt.s32 v14, $0xFFFFFFFF;
	v6 =	vsub.s32 $0xFFF, v6  }
0x28a: {  	v62 =	vshra.s32 v15, $0x13;
	[tilespmem:v57+s13+$0x0] =	vst.idx.add.s32.msk vm3, v1;
	vm3 =	vgt.s32 v3, $0xFFFFFFFF;
	v3 =	vshra.s32 v3, $0x13  }
0x28b: {  	vm15 =	vgt.s32 v2, $0xFFFFFFFF;
	[tilespmem:v5+s13+$0x0] =	vst.idx.add.s32.msk vm4, v1;
	v5 =	vshra.s32 v2, $0x13;
	v2 =	vsub.s32 $0xFFF, v3  }
0x28c: {  	vm6 =	vgt.s32 v15, $0xFFFFFFFF;
	vm7 =	vgt.s32 v59, $0xFFFFFFFF;
	[tilespmem:v10+s13+$0x0] =	vst.idx.add.s32.msk vm0, v1;
	v3 =	vsub.s32 $0xFFF, v5  }
0x28d: {  	v63 =	vsub.s32 $0xFFF, v62;
	v11 =	vsub.s32 $0xFFF, v60;
	v5 =	vshra.s32 v59, $0x13;
	[tilespmem:v7+s13+$0x0] =	vst.idx.add.s32.msk vm1, v1  }
0x28e: {  	[tilespmem:v6+s13+$0x0] =	vst.idx.add.s32.msk vm2, v1;
	vm0 =	vgt.s32 v56, $0xFFFFFFFF;
	v6 =	vshra.s32 v56, $0x13;
	v7 =	vshra.s32 v4, $0x13  }
0x28f: {  	vm2 =	vgt.s32 v61, $0xFFFFFFFF;
	vm1 =	vgt.s32 v4, $0xFFFFFFFF;
	v5 =	vsub.s32 $0xFFF, v5  }
0x290: {  	v4 =	vsub.s32 $0xFFF, v6;
	[tilespmem:v2+s13+$0x0] =	vst.idx.add.s32.msk vm3, v1;
	v2 =	vsub.s32 $0xFFF, v7;
	v7 =	vshra.s32 v61, $0x13  }
0x291: {  	[tilespmem:v3+s13+$0x0] =	vst.idx.add.s32.msk vm15, v1;
	v3 =	vsub.s32 $0xFFF, v7  }
0x292: {  	[tilespmem:v63+s13+$0x0] =	vst.idx.add.s32.msk vm6, v1  }
0x293: {  	[tilespmem:v11+s13+$0x0] =	vst.idx.add.s32.msk vm5, v1  }
0x294: {  	s25 =	simm.s32 $0x0;
	[tilespmem:v5+s13+$0x0] =	vst.idx.add.s32.msk vm7, v1  }
.LBB2_32:
0x295: {  	s25 =	sadd.s32 $0x10, s25;
	[tilespmem:v4+s13+$0x0] =	vst.idx.add.s32.msk vm0, v1;
	s24 =	sadd.s32 $0x100, s24  }
0x296: {  	p0 =	slt.u32 s25, $0xC30;
	[tilespmem:v3+s13+$0x0] =	vst.idx.add.s32.msk vm2, v1  }
0x297: {  	[tilespmem:v2+s13+$0x0] =	vst.idx.add.s32.msk vm1, v1  }
0x298: {  	v4 =	vld [tilespmem:s24+$0xFFFFFFB0]  }
0x299: {  	v2 =	vld [tilespmem:s24+$0xFFFFFFC0]  }
0x29a: {  	v3 =	vld [tilespmem:s24+$0xFFFFFFD0]  }
0x29b: {  	v5 =	vld [tilespmem:s24+$0xFFFFFF80]  }
0x29c: {  	v6 =	vld [tilespmem:s24+$0x70]  }
0x29d: {  	v7 =	vld [tilespmem:s24+$0x60]  }
0x29e: {  	v8 =	vld [tilespmem:s24+$0x50]  }
0x29f: {  	v9 =	vld [tilespmem:s24+$0x40]  }
0x2a0: {  	v10 =	vshra.s32 v5, $0x13;
	vm0 =	vgt.s32 v5, $0xFFFFFFFF;
	v5 =	vld [tilespmem:s24+$0x30]  }
0x2a1: {  	v10 =	vsub.s32 $0xFFF, v10;
	v11 =	vld [tilespmem:s24+$0x20];
	v12 =	vshra.s32 v6, $0x13;
	vm5 =	vgt.s32 v6, $0xFFFFFFFF  }
0x2a2: {  	v6 =	vld [tilespmem:s24+$0x10];
	v13 =	vshra.s32 v7, $0x13;
	vm6 =	vgt.s32 v7, $0xFFFFFFFF;
	v7 =	vsub.s32 $0xFFF, v12  }
0x2a3: {  	v12 =	vld [tilespmem:s24+$0x0];
	v13 =	vsub.s32 $0xFFF, v13  }
0x2a4: {  	v14 =	vld [tilespmem:s24+$0xFFFFFFF0];
	v15 =	vshra.s32 v9, $0x13;
	vm2 =	vgt.s32 v9, $0xFFFFFFFF;
	v9 =	vshra.s32 v8, $0x13  }
0x2a5: {  	v16 =	vld [tilespmem:s24+$0xFFFFFFE0];
	v17 =	vshra.s32 v5, $0x13;
	vm7 =	vgt.s32 v5, $0xFFFFFFFF;
	v5 =	vsub.s32 $0xFFF, v15  }
0x2a6: {  	[tilespmem:v10+s13+$0x0] =	vst.idx.add.s32.msk vm0, v1;
	v10 =	vshra.s32 v11, $0x13;
	vm3 =	vgt.s32 v11, $0xFFFFFFFF;
	v11 =	vsub.s32 $0xFFF, v17  }
0x2a7: {  	vm4 =	vgt.s32 v8, $0xFFFFFFFF;
	vm1 =	vgt.s32 v6, $0xFFFFFFFF;
	v10 =	vsub.s32 $0xFFF, v10;
	[tilespmem:v7+s13+$0x0] =	vst.idx.add.s32.msk vm5, v1  }
0x2a8: {  	v6 =	vshra.s32 v6, $0x13;
	v7 =	vsub.s32 $0xFFF, v9;
	vm0 =	vgt.s32 v12, $0xFFFFFFFF;
	[tilespmem:v13+s13+$0x0] =	vst.idx.add.s32.msk vm6, v1  }
0x2a9: {  	v12 =	vshra.s32 v12, $0x13;
	v8 =	vld [tilespmem:s24+$0xFFFFFFA0];
	v9 =	vshra.s32 v14, $0x13;
	vm5 =	vgt.s32 v14, $0xFFFFFFFF  }
0x2aa: {  	v6 =	vsub.s32 $0xFFF, v6;
	v13 =	vld [tilespmem:s24+$0xFFFFFF90];
	v14 =	vshra.s32 v16, $0x13;
	v9 =	vsub.s32 $0xFFF, v9  }
0x2ab: {  	vm6 =	vgt.s32 v3, $0xFFFFFFFF;
	vm8 =	vgt.s32 v16, $0xFFFFFFFF;
	v14 =	vsub.s32 $0xFFF, v14;
	[tilespmem:v11+s13+$0x0] =	vst.idx.add.s32.msk vm7, v1  }
0x2ac: {  	v11 =	vshra.s32 v2, $0x13;
	vm7 =	vgt.s32 v2, $0xFFFFFFFF;
	v2 =	vshra.s32 v3, $0x13;
	[tilespmem:v5+s13+$0x0] =	vst.idx.add.s32.msk vm2, v1  }
0x2ad: {  	v3 =	vshra.s32 v4, $0x13;
	v5 =	vsub.s32 $0xFFF, v11;
	v11 =	vsub.s32 $0xFFF, v2;
	[tilespmem:v10+s13+$0x0] =	vst.idx.add.s32.msk vm3, v1  }
0x2ae: {  	v2 =	vsub.s32 $0xFFF, v3;
	v10 =	vshra.s32 v8, $0x13;
	vm3 =	vgt.s32 v8, $0xFFFFFFFF;
	[tilespmem:v7+s13+$0x0] =	vst.idx.add.s32.msk vm4, v1  }
0x2af: {  	v3 =	vshra.s32 v13, $0x13;
	vm2 =	vgt.s32 v13, $0xFFFFFFFF;
	v7 =	vsub.s32 $0xFFF, v10;
	[tilespmem:v6+s13+$0x0] =	vst.idx.add.s32.msk vm1, v1  }
.Ltmp15:
0x2b0: {  	vm1 =	vgt.s32 v4, $0xFFFFFFFF;
	v4 =	vsub.s32 $0xFFF, v12;
	v3 =	vsub.s32 $0xFFF, v3;
	[tilespmem:v9+s13+$0x0] =	vst.idx.add.s32.msk vm5, v1;
	(pc) =	sbr.rel @p0 .LBB2_32-.Ltmp15, $4  }
0x2b1: {  	[tilespmem:v14+s13+$0x0] =	vst.idx.add.s32.msk vm8, v1  }
0x2b2: {  	[tilespmem:v11+s13+$0x0] =	vst.idx.add.s32.msk vm6, v1  }
0x2b3: {  	[tilespmem:v5+s13+$0x0] =	vst.idx.add.s32.msk vm7, v1  }
0x2b4: {  	s26 =	simm.s32 $0xFFFFFF80;
	s28 =	simm.s32 $0x18840;
	[tilespmem:v7+s13+$0x0] =	vst.idx.add.s32.msk vm3, v1  }
0x2b5: {  	_ =	sdelay $0x4  }
0x2b6: {  	[tilespmem:v4+s13+$0x0] =	vst.idx.add.s32.msk vm0, v1  }
0x2b7: {  	[tilespmem:v3+s13+$0x0] =	vst.idx.add.s32.msk vm2, v1  }
0x2b8: {  	s24 =	simm.s32 $0x0;
	[tilespmem:v2+s13+$0x0] =	vst.idx.add.s32.msk vm1, v1;
	s1 =	simm.s32 $0x0  }
.LBB2_34:
0x2b9: {  	v2 =	vld [tilespmem:s28+$0xFFFFFFC0]  }
0x2ba: {  	v3 =	vld [tilespmem:s28+$0xFFFFFFD0]  }
0x2bb: {  	v4 =	vld [tilespmem:s28+$0xFFFFFFE0]  }
0x2bc: {  	v5 =	vld [tilespmem:s28+$0xFFFFFFF0]  }
0x2bd: {  	v6 =	vld [tilespmem:s28+$0x0]  }
0x2be: {  	(xrf0) =	vadd.scan.msk.s32 $0xffff, v2;
	v2 =	vld [tilespmem:s28+$0x10]  }
0x2bf: {  	(xrf0) =	vadd.scan.msk.s32 $0xffff, v3;
	v3 =	vld [tilespmem:s28+$0x20]  }
0x2c0: {  	v63 =	vld [tilespmem:s28+$0x30];
	(xrf0) =	vadd.scan.msk.s32 $0xffff, v4  }
0x2c1: {  	(xrf0) =	vadd.scan.msk.s32 $0xffff, v5  }
0x2c2: {  	(xrf0) =	vadd.scan.msk.s32 $0xffff, v6  }
0x2c3: {  	(xrf0) =	vadd.scan.msk.s32 $0xffff, v2  }
0x2c4: {  	v2, _, _ =	vpop (xrf0);
	(xrf0) =	vadd.scan.msk.s32 $0xffff, v3  }
0x2c5: {  	(v2sf) =	vpush v2, $0xF;
	v2, _, _ =	vpop (xrf0);
	(xrf0) =	vadd.scan.msk.s32 $0xffff, v63  }
0x2c6: {  	v3, _, _ =	vpop (xrf0);
	(v2sf) =	vpush v2, $0xF  }
0x2c7: {  	v2, _, _ =	vpop (xrf0);
	(v2sf) =	vpush v3, $0xF  }
0x2c8: {  	v3, _, _ =	vpop (xrf0);
	(v2sf) =	vpush v2, $0xF  }
0x2c9: {  	v2, _, _ =	vpop (xrf0);
	(v2sf) =	vpush v3, $0xF  }
0x2ca: {  	v3, _, _ =	vpop (xrf0);
	(v2sf) =	vpush v2, $0xF  }
0x2cb: {  	(v2sf) =	vpush v3, $0xF;
	v2, _, _ =	vpop (xrf0)  }
0x2cc: {  	(v2sf) =	vpush v2, $0xF;
	_ =	sdelay $0x7  }
0x2cd: {  	s0 =	spop (v2sf)  }
0x2ce: {  	s7 =	spop (v2sf);
	s0 =	sadd.s32 s24, s0  }
0x2cf: {  	s8 =	spop (v2sf);
	s0 =	sadd.s32 s7, s0  }
0x2d0: {  	s31 =	spop (v2sf);
	s0 =	sadd.s32 s8, s0  }
0x2d1: {  	s25 =	spop (v2sf);
	s0 =	sadd.s32 s31, s0  }
0x2d2: {  	s29 =	spop (v2sf);
	s0 =	sadd.s32 s25, s0  }
0x2d3: {  	s30 =	spop (v2sf);
	s0 =	sadd.s32 s29, s0  }
0x2d4: {  	s31 =	spop (v2sf);
	s0 =	sadd.s32 s30, s0  }
0x2d5: {  	p1 =	sgt.u32 s1, $0x3E;
	s0 =	sadd.s32 s31, s0  }
0x2d6: {  	p2 =	slt.s32 @!p1 s0, $0x9CC  }
0x2d7: {  	p1 =	por p1, !p2  }
.Ltmp16:
0x2d8: {  	_ = 	snop;
	(pc) =	sbr.rel @!p1 .LBB2_34-.Ltmp16, $3  }
0x2d9: {  	_ =	sdelay $0x1  }
0x2da: {  	s1 =	sadd.s32 $0x1, s1;
	p0 =	slt.s32 s0, $0x9CC  }
0x2db: {  	s26 =	sadd.s32 $0x80, s26;
	s28 =	sadd.s32 $0x80, s28;
	s24 =	smov.u32 @p0 s0  }
0x2dc: {  	s26 =	simm.s32 @p0 $0xFFFFFF80  }
0x2dd: {  	s29 =	simm.s32 $0x0;
	s28 =	sadd.s32 $0x18800, s26;
	s1 =	sadd.s32 $0xFFFFFFF0, s26  }
.LBB2_36:
0x2de: {  	v2 =	vld [tilespmem:s28+$0x0];
	_ =	sdelay $0x4  }
0x2df: {  	(xrf0) =	vadd.scan.msk.s32 $0xffff, v2;
	_ =	sdelay $0x5  }
0x2e0: {  	s30 =	ssub.s32 $0x9CC, s24;
	v3, _, _ =	vpop (xrf0)  }
0x2e1: {  	vm0 =	vlt.s32 v3, s30  }
0x2e2: {  	v4 =	vsel vm0, $0x1, v0  }
0x2e3: {  	(xrf0) =	vadd.scan.msk.s32 $0xffff, v4;
	_ =	sdelay $0x5  }
0x2e4: {  	(v2sf) =	vpush v3, $0xF;
	v4, _, _ =	vpop (xrf0)  }
0x2e5: {  	(v2sf) =	vpush v4, $0xF;
	_ =	sdelay $0xd  }
0x2e6: {  	s0 =	spop (v2sf)  }
0x2e7: {  	s1 =	sadd.s32 $0x10, s1;
	s26 =	spop (v2sf)  }
0x2e8: {  	s25 =	smov.u32 s24;
	s24 =	sadd.s32 s24, s0;
	s31 =	sadd.s32 s26, s1  }
0x2e9: {  	p0 =	slt.s32 s24, $0x9CC;
	p1 =	slt.s32 s31, $0x0  }
0x2ea: {  	p2 =	sgt.u32 s29, $0x6;
	p1 =	por p0, p1  }
0x2eb: {  	p2 =	por p2, !p1  }
.Ltmp17:
0x2ec: {  	_ = 	snop;
	(pc) =	sbr.rel @!p2 .LBB2_36-.Ltmp17, $2  }
0x2ed: {  	_ =	sdelay $0x2  }
0x2ee: {  	s29 =	sadd.s32 $0x1, s29;
	s28 =	sadd.s32 $0x10, s28  }
0x2ef: {  	v4 =	vmov s30  }
0x2f0: {  	vm0 =	vlt.s32 v3, v4  }
0x2f1: {  	v2 =	vnsel vm0, $0x0, v2  }
0x2f2: {  	(xrf0) =	vadd.scan.msk.s32 $0xffff, v2;
	_ =	sdelay $0x5  }
0x2f3: {  	v2, _, _ =	vpop (xrf0)  }
0x2f4: {  	(v2sf) =	vpush v2, $0xF;
	_ =	sdelay $0xa  }
.Ltmp18:
0x2f5: {  	_ = 	snop;
	(pc) =	sbr.rel @!p1 .LBB2_38-.Ltmp18, $2  }
0x2f6: {  	_ =	sdelay $0x2  }
0x2f7: {  	s0 =	spop (v2sf)  }
0x2f8: {  	s0 =	simm.s32 $0xC480  }
0x2f9: {  	v2 =	vld [tilespmem:s0+$0x70]  }
0x2fa: {  	v3 =	vld [tilespmem:s0+$0xFFFFFF90]  }
0x2fb: {  	v4 =	vld [tilespmem:s0+$0xFFFFFFA0]  }
0x2fc: {  	v5 =	vld [tilespmem:s0+$0xFFFFFFB0]  }
0x2fd: {  	v6 =	vld [tilespmem:s0+$0xFFFFFFC0]  }
0x2fe: {  	v10 =	vld [tilespmem:s0+$0xFFFFFFE0]  }
0x2ff: {  	v11 =	vld [tilespmem:s0+$0xFFFFFFF0]  }
0x300: {  	v13 =	vld [tilespmem:s0+$0x0]  }
0x301: {  	v16 =	vld [tilespmem:s0+$0x10]  }
0x302: {  	v17 =	vld [tilespmem:s0+$0x20]  }
0x303: {  	v20 =	vld [tilespmem:s0+$0xFFFFFF80]  }
0x304: {  	v8 =	vshra.s32 v2, $0x13;
	v9 =	vshra.s32 v3, $0x13  }
0x305: {  	vm0 =	vlt.s32 v2, $0x0;
	v14 =	vshra.s32 v6, $0x13;
	v19 =	vshra.s32 v11, $0x13  }
0x306: {  	v23 =	vshra.s32 v13, $0x13;
	v61 =	vshra.s32 v16, $0x13;
	vm1 =	vlt.s32 v3, $0x0  }
0x307: {  	vm2 =	vlt.s32 v4, $0x0;
	v62 =	vshra.s32 v17, $0x13;
	vm3 =	vlt.s32 v5, $0x0  }
0x308: {  	vm4 =	vlt.s32 v20, $0x0;
	vm8 =	vlt.s32 v6, $0x0;
	vm9 =	vlt.s32 v10, $0x0  }
0x309: {  	v7 =	vld [tilespmem:s0+$0xFFFFFFD0];
	vm7 =	vlt.s32 v11, $0x0;
	vm6 =	vlt.s32 v13, $0x0;
	vm5 =	vlt.s32 v16, $0x0  }
0x30a: {  	v8 =	vxor.u32 $0xFFF, v8;
	v2 =	vxor.u32 $0xFFF, v9;
	v9 =	vshra.s32 v4, $0x13  }
0x30b: {  	v8 =	vsub.s32 $0xFFF, v8;
	v12 =	vsub.s32 $0xFFF, v2;
	v2 =	vxor.u32 $0xFFF, v9  }
0x30c: {  	v24 =	vld [tilespmem:s0+$0x40];
	v9 =	vshra.s32 v5, $0x13;
	v5 =	vshra.s32 v20, $0x13;
	v15 =	vsub.s32 $0xFFF, v2  }
0x30d: {  	v25 =	vld [tilespmem:s0+$0x50];
	v2 =	vxor.u32 $0xFFF, v9;
	v9 =	vxor.u32 $0xFFF, v14;
	v5 =	vxor.u32 $0xFFF, v5  }
0x30e: {  	v26 =	vld [tilespmem:s0+$0x60];
	v59 =	vsub.s32 $0xFFF, v2;
	v2 =	vshra.s32 v7, $0x13;
	v18 =	vsub.s32 $0xFFF, v9  }
0x30f: {  	v9 =	vshra.s32 v10, $0x13;
	v63 =	vsub.s32 $0xFFF, v5;
	v2 =	vxor.u32 $0xFFF, v2  }
0x310: {  	v5 =	vxor.u32 $0xFFF, v62;
	v21 =	vsub.s32 $0xFFF, v2;
	v2 =	vxor.u32 $0xFFF, v9  }
0x311: {  	v60 =	vld [tilespmem:s0+$0x30];
	v5 =	vsub.s32 $0xFFF, v5;
	v9 =	vxor.u32 $0xFFF, v19;
	v22 =	vsub.s32 $0xFFF, v2  }
0x312: {  	v2 =	vsub.s32 $0xFFF, v9;
	v9 =	vxor.u32 $0xFFF, v23;
	[tilespmem:v8+s13+$0x0] =	vst.idx.add.s32.msk vm0, v1;
	vm0 =	vlt.s32 v7, $0x0  }
0x313: {  	[tilespmem:v12+s13+$0x0] =	vst.idx.add.s32.msk vm1, v1;
	v7 =	vshra.s32 v24, $0x13;
	v8 =	vshra.s32 v25, $0x13;
	vm1 =	vlt.s32 v26, $0x0  }
0x314: {  	v3 =	vsub.s32 $0xFFF, v9;
	v9 =	vxor.u32 $0xFFF, v61;
	[tilespmem:v15+s13+$0x0] =	vst.idx.add.s32.msk vm2, v1;
	v7 =	vxor.u32 $0xFFF, v7  }
0x315: {  	v8 =	vxor.u32 $0xFFF, v8;
	vm2 =	vlt.s32 v24, $0x0;
	vm1 =	vmmov vm1;
	[tilespmem:v59+s13+$0x0] =	vst.idx.add.s32.msk vm3, v1  }
0x316: {  	v4 =	vsub.s32 $0xFFF, v9;
	v9 =	vshra.s32 v60, $0x13;
	v7 =	vsub.s32 $0xFFF, v7;
	[tilespmem:v63+s13+$0x0] =	vst.idx.add.s32.msk vm4, v1  }
0x317: {  	[tilespmem:v18+s13+$0x0] =	vst.idx.add.s32.msk vm8, v1;
	vm4 =	vlt.s32 v17, $0x0;
	v6 =	vxor.u32 $0xFFF, v9;
	v9 =	vshra.s32 v26, $0x13  }
0x318: {  	vm3 =	vlt.s32 v60, $0x0;
	v6 =	vsub.s32 $0xFFF, v6;
	v10 =	vxor.u32 $0xFFF, v9;
	[tilespmem:v22+s13+$0x0] =	vst.idx.add.s32.msk vm9, v1  }
0x319: {  	s28 =	simm.s32 $0x0;
	s29 =	simm.s32 $0xC580;
	v9 =	vsub.s32 $0xFFF, v8;
	v8 =	vsub.s32 $0xFFF, v10;
	[tilespmem:v21+s13+$0x0] =	vst.idx.add.s32.msk vm0, v1;
	vm0 =	vlt.s32 v25, $0x0  }
.LBB2_40:
0x31a: {  	v10 =	vld [tilespmem:s29+$0x70];
	s28 =	sadd.s32 $0x10, s28  }
0x31b: {  	v11 =	vld [tilespmem:s29+$0xFFFFFF90];
	p0 =	slt.u32 s28, $0xC30  }
0x31c: {  	v12 =	vld [tilespmem:s29+$0xFFFFFFA0]  }
0x31d: {  	v13 =	vld [tilespmem:s29+$0xFFFFFFB0]  }
0x31e: {  	v14 =	vld [tilespmem:s29+$0xFFFFFFC0]  }
0x31f: {  	v15 =	vld [tilespmem:s29+$0xFFFFFFD0];
	v16 =	vshra.s32 v10, $0x13  }
0x320: {  	vm8 =	vlt.s32 v10, $0x0;
	v17 =	vshra.s32 v11, $0x13;
	v18 =	vld [tilespmem:s29+$0xFFFFFFE0];
	v16 =	vxor.u32 $0xFFF, v16  }
0x321: {  	v10 =	vxor.u32 $0xFFF, v17;
	v17 =	vshra.s32 v12, $0x13;
	v19 =	vld [tilespmem:s29+$0xFFFFFFF0];
	v16 =	vsub.s32 $0xFFF, v16  }
0x322: {  	v10 =	vsub.s32 $0xFFF, v10;
	v17 =	vxor.u32 $0xFFF, v17;
	v20 =	vshra.s32 v13, $0x13;
	v21 =	vld [tilespmem:s29+$0x0]  }
0x323: {  	v17 =	vsub.s32 $0xFFF, v17;
	v20 =	vxor.u32 $0xFFF, v20;
	v22 =	vshra.s32 v14, $0x13;
	v23 =	vld [tilespmem:s29+$0x10]  }
0x324: {  	v20 =	vsub.s32 $0xFFF, v20;
	v22 =	vxor.u32 $0xFFF, v22;
	v24 =	vshra.s32 v15, $0x13;
	v25 =	vld [tilespmem:s29+$0x20]  }
0x325: {  	v22 =	vsub.s32 $0xFFF, v22;
	v24 =	vxor.u32 $0xFFF, v24;
	v26 =	vshra.s32 v18, $0x13;
	v27 =	vld [tilespmem:s29+$0x30]  }
0x326: {  	s25 =	simm.s32 $0x0;
	s24 =	simm.s32 $0xFFFFFF80;
	s26 =	simm.s32 $0x18840;
	v24 =	vsub.s32 $0xFFF, v24;
	v26 =	vxor.u32 $0xFFF, v26;
	v28 =	vshra.s32 v19, $0x13;
	[tilespmem:v16+s13+$0x0] =	vst.idx.add.s32.msk vm8, v1  }
0x327: {  	v16 =	vsub.s32 $0xFFF, v26;
	v26 =	vxor.u32 $0xFFF, v28;
	v28 =	vshra.s32 v21, $0x13;
	v29 =	vld [tilespmem:s29+$0x40]  }
0x328: {  	v26 =	vsub.s32 $0xFFF, v26;
	v28 =	vxor.u32 $0xFFF, v28;
	v30 =	vshra.s32 v23, $0x13;
	v31 =	vld [tilespmem:s29+$0x50]  }
0x329: {  	v28 =	vsub.s32 $0xFFF, v28;
	v30 =	vxor.u32 $0xFFF, v30;
	v32 =	vshra.s32 v25, $0x13;
	v33 =	vld [tilespmem:s29+$0x60]  }
0x32a: {  	v34 =	vld [tilespmem:s29+$0xFFFFFF80];
	v30 =	vsub.s32 $0xFFF, v30;
	v32 =	vxor.u32 $0xFFF, v32;
	v35 =	vshra.s32 v27, $0x13  }
0x32b: {  	vm8 =	vlt.s32 v11, $0x0;
	v11 =	vsub.s32 $0xFFF, v32;
	v32 =	vxor.u32 $0xFFF, v35;
	[tilespmem:v2+s13+$0x0] =	vst.idx.add.s32.msk vm7, v1;
	v2 =	vmovc v26  }
0x32c: {  	vm7 =	vlt.s32 v12, $0x0;
	v12 =	vsub.s32 $0xFFF, v32;
	v26 =	vshra.s32 v29, $0x13;
	[tilespmem:v3+s13+$0x0] =	vst.idx.add.s32.msk vm6, v1;
	v3 =	vmovc v28  }
0x32d: {  	vm9 =	vlt.s32 v13, $0x0;
	v13 =	vxor.u32 $0xFFF, v26;
	v26 =	vshra.s32 v31, $0x13;
	[tilespmem:v4+s13+$0x0] =	vst.idx.add.s32.msk vm5, v1;
	v4 =	vmovc v30  }
0x32e: {  	v13 =	vsub.s32 $0xFFF, v13;
	v26 =	vxor.u32 $0xFFF, v26;
	v28 =	vshra.s32 v33, $0x13;
	[tilespmem:v5+s13+$0x0] =	vst.idx.add.s32.msk vm4, v1;
	v5 =	vmovc v11  }
0x32f: {  	v11 =	vshra.s32 v34, $0x13;
	v26 =	vsub.s32 $0xFFF, v26;
	v28 =	vxor.u32 $0xFFF, v28;
	[tilespmem:v6+s13+$0x0] =	vst.idx.add.s32.msk vm3, v1;
	v6 =	vmovc v12  }
0x330: {  	vm10 =	vlt.s32 v34, $0x0;
	v11 =	vxor.u32 $0xFFF, v11;
	v12 =	vsub.s32 $0xFFF, v28;
	[tilespmem:v7+s13+$0x0] =	vst.idx.add.s32.msk vm2, v1;
	v7 =	vmovc v13  }
0x331: {  	vm11 =	vlt.s32 v15, $0x0;
	v11 =	vsub.s32 $0xFFF, v11;
	[tilespmem:v10+s13+$0x0] =	vst.idx.add.s32.msk vm8, v1;
	vm8 =	vlt.s32 v14, $0x0  }
0x332: {  	vm12 =	vlt.s32 v18, $0x0;
	vm6 =	vlt.s32 v21, $0x0;
	[tilespmem:v17+s13+$0x0] =	vst.idx.add.s32.msk vm7, v1;
	vm7 =	vlt.s32 v19, $0x0  }
0x333: {  	vm5 =	vlt.s32 v23, $0x0;
	vm4 =	vlt.s32 v25, $0x0;
	vm3 =	vlt.s32 v27, $0x0;
	[tilespmem:v20+s13+$0x0] =	vst.idx.add.s32.msk vm9, v1  }
0x334: {  	vm2 =	vlt.s32 v29, $0x0;
	vm9 =	vlt.s32 v33, $0x0;
	[tilespmem:v9+s13+$0x0] =	vst.idx.add.s32.msk vm0, v1;
	vm0 =	vlt.s32 v31, $0x0;
	v9 =	vmovc v26  }
.Ltmp19:
0x335: {  	[tilespmem:v8+s13+$0x0] =	vst.idx.add.s32.msk vm1, v1;
	v8 =	vmov v12;
	vm1 =	vmmov vm9;
	(pc) =	sbr.rel @p0 .LBB2_40-.Ltmp19, $4  }
0x336: {  	[tilespmem:v11+s13+$0x0] =	vst.idx.add.s32.msk vm10, v1  }
0x337: {  	[tilespmem:v22+s13+$0x0] =	vst.idx.add.s32.msk vm8, v1  }
0x338: {  	[tilespmem:v24+s13+$0x0] =	vst.idx.add.s32.msk vm11, v1  }
0x339: {  	s29 =	sadd.s32 $0x100, s29;
	[tilespmem:v16+s13+$0x0] =	vst.idx.add.s32.msk vm12, v1  }
0x33a: {  	_ =	sdelay $0x4  }
0x33b: {  	[tilespmem:v2+s13+$0x0] =	vst.idx.add.s32.msk vm7, v1  }
0x33c: {  	[tilespmem:v3+s13+$0x0] =	vst.idx.add.s32.msk vm6, v1  }
0x33d: {  	[tilespmem:v4+s13+$0x0] =	vst.idx.add.s32.msk vm5, v1  }
0x33e: {  	[tilespmem:v5+s13+$0x0] =	vst.idx.add.s32.msk vm4, v1  }
0x33f: {  	[tilespmem:v6+s13+$0x0] =	vst.idx.add.s32.msk vm3, v1  }
0x340: {  	[tilespmem:v7+s13+$0x0] =	vst.idx.add.s32.msk vm2, v1  }
0x341: {  	[tilespmem:v9+s13+$0x0] =	vst.idx.add.s32.msk vm0, v1  }
0x342: {  	[tilespmem:v8+s13+$0x0] =	vst.idx.add.s32.msk vm1, v1;
	s1 =	simm.s32 $0x0  }
.LBB2_42:
0x343: {  	v2 =	vld [tilespmem:s26+$0xFFFFFFC0]  }
0x344: {  	v3 =	vld [tilespmem:s26+$0xFFFFFFD0]  }
0x345: {  	v4 =	vld [tilespmem:s26+$0xFFFFFFE0]  }
0x346: {  	v5 =	vld [tilespmem:s26+$0xFFFFFFF0]  }
0x347: {  	v6 =	vld [tilespmem:s26+$0x0]  }
0x348: {  	(xrf0) =	vadd.scan.msk.s32 $0xffff, v2;
	v2 =	vld [tilespmem:s26+$0x10]  }
0x349: {  	(xrf0) =	vadd.scan.msk.s32 $0xffff, v3;
	v3 =	vld [tilespmem:s26+$0x20]  }
0x34a: {  	v63 =	vld [tilespmem:s26+$0x30];
	(xrf0) =	vadd.scan.msk.s32 $0xffff, v4  }
0x34b: {  	(xrf0) =	vadd.scan.msk.s32 $0xffff, v5  }
0x34c: {  	(xrf0) =	vadd.scan.msk.s32 $0xffff, v6  }
0x34d: {  	(xrf0) =	vadd.scan.msk.s32 $0xffff, v2  }
0x34e: {  	v2, _, _ =	vpop (xrf0);
	(xrf0) =	vadd.scan.msk.s32 $0xffff, v3  }
0x34f: {  	(v2sf) =	vpush v2, $0xF;
	v2, _, _ =	vpop (xrf0);
	(xrf0) =	vadd.scan.msk.s32 $0xffff, v63  }
0x350: {  	v3, _, _ =	vpop (xrf0);
	(v2sf) =	vpush v2, $0xF  }
0x351: {  	v2, _, _ =	vpop (xrf0);
	(v2sf) =	vpush v3, $0xF  }
0x352: {  	v3, _, _ =	vpop (xrf0);
	(v2sf) =	vpush v2, $0xF  }
0x353: {  	v2, _, _ =	vpop (xrf0);
	(v2sf) =	vpush v3, $0xF  }
0x354: {  	v3, _, _ =	vpop (xrf0);
	(v2sf) =	vpush v2, $0xF  }
0x355: {  	(v2sf) =	vpush v3, $0xF;
	v2, _, _ =	vpop (xrf0)  }
0x356: {  	(v2sf) =	vpush v2, $0xF;
	_ =	sdelay $0x7  }
0x357: {  	s0 =	spop (v2sf)  }
0x358: {  	s7 =	spop (v2sf);
	s0 =	sadd.s32 s25, s0  }
0x359: {  	s8 =	spop (v2sf);
	s0 =	sadd.s32 s7, s0  }
0x35a: {  	s31 =	spop (v2sf);
	s0 =	sadd.s32 s8, s0  }
0x35b: {  	s28 =	spop (v2sf);
	s0 =	sadd.s32 s31, s0  }
0x35c: {  	s29 =	spop (v2sf);
	s0 =	sadd.s32 s28, s0  }
0x35d: {  	s30 =	spop (v2sf);
	s0 =	sadd.s32 s29, s0  }
0x35e: {  	s31 =	spop (v2sf);
	s0 =	sadd.s32 s30, s0  }
0x35f: {  	p1 =	sgt.u32 s1, $0x3E;
	s0 =	sadd.s32 s31, s0  }
0x360: {  	p2 =	slt.s32 @!p1 s0, $0x9CC  }
0x361: {  	p1 =	por p1, !p2  }
.Ltmp20:
0x362: {  	_ = 	snop;
	(pc) =	sbr.rel @!p1 .LBB2_42-.Ltmp20, $3  }
0x363: {  	_ =	sdelay $0x1  }
0x364: {  	s1 =	sadd.s32 $0x1, s1;
	p0 =	slt.s32 s0, $0x9CC  }
0x365: {  	s24 =	sadd.s32 $0x80, s24;
	s26 =	sadd.s32 $0x80, s26;
	s25 =	smov.u32 @p0 s0  }
0x366: {  	s24 =	simm.s32 @p0 $0xFFFFFF80  }
0x367: {  	s29 =	simm.s32 $0x0;
	s28 =	sadd.s32 $0x18800, s24  }
.LBB2_44:
0x368: {  	v2 =	vld [tilespmem:s28+$0x0];
	_ =	sdelay $0x4  }
0x369: {  	(xrf0) =	vadd.scan.msk.s32 $0xffff, v2;
	_ =	sdelay $0x5  }
0x36a: {  	s30 =	ssub.s32 $0x9CC, s25;
	v3, _, _ =	vpop (xrf0)  }
0x36b: {  	vm0 =	vlt.s32 v3, s30  }
0x36c: {  	v4 =	vsel vm0, $0x1, v0  }
0x36d: {  	(xrf0) =	vadd.scan.msk.s32 $0xffff, v4;
	_ =	sdelay $0x5  }
0x36e: {  	(v2sf) =	vpush v3, $0xF;
	v4, _, _ =	vpop (xrf0)  }
0x36f: {  	(v2sf) =	vpush v4, $0xF;
	_ =	sdelay $0xd  }
0x370: {  	s0 =	spop (v2sf)  }
0x371: {  	s1 =	smov.u32 s25;
	s25 =	sadd.s32 s25, s0;
	s31 =	spop (v2sf)  }
0x372: {  	p0 =	sgt.s32 s25, $0x9CB;
	s26 =	sadd.s32 s24, s31  }
0x373: {  	p1 =	sgt.u32 s29, $0x6;
	s26 =	simm.s32 @!p0 $0xFFFFFFFF  }
0x374: {  	p2 =	slt.s32 @!p1 s26, $0x0  }
0x375: {  	p1 =	por p1, !p2  }
.Ltmp21:
0x376: {  	_ = 	snop;
	(pc) =	sbr.rel @!p1 .LBB2_44-.Ltmp21, $2  }
0x377: {  	_ =	sdelay $0x2  }
0x378: {  	s29 =	sadd.s32 $0x1, s29;
	s28 =	sadd.s32 $0x10, s28;
	s24 =	sadd.s32 $0x10, s24  }
0x379: {  	v4 =	vmov s30  }
0x37a: {  	vm0 =	vlt.s32 v3, v4  }
0x37b: {  	v2 =	vnsel vm0, $0x0, v2  }
0x37c: {  	(xrf0) =	vadd.scan.msk.s32 $0xffff, v2;
	_ =	sdelay $0x5  }
0x37d: {  	v2, _, _ =	vpop (xrf0)  }
0x37e: {  	(v2sf) =	vpush v2, $0xF;
	_ =	sdelay $0xc  }
.Ltmp22:
0x37f: {  	_ = 	snop;
	(pc) =	sbr.rel .LBB2_46-.Ltmp22, $4  }
0x380: {  	_ = 	snop  }
0x381: {  	s0 =	spop (v2sf)  }
0x382: {  	s24 =	sadd.s32 s1, s0  }
0x383: {  	s24 =	simm.s32 @!p0 $0x0  }
.LBB2_38:
0x384: {  	s24 =	sadd.s32 s25, s0  }
0x385: {  	s26 =	sadd.s32 s1, s26;
	s24 =	simm.s32 @p0 $0x0  }
.LBB2_46:
0x386: {  	s0 =	sadd.s32 $0x2, s23;
	p0 =	seq.s32 s20, $0x17;
	_ =	swait.ge [sflag:s17], $0x6200  }
0x387: {  	s1 =	sshrl.u32 @!p0 s0, $0x3;
	[sflag:s17] =	ssyncset.done $0x0  }
0x388: {  	s0 =	sshll.u32 @!p0 s0, $0x7;
	s7 =	simm.s32 @!p0 $0x80;
	s1 =	smul.u32 @!p0 $0x62000, s1  }
0x389: {  	s8 =	simm.s32 @!p0 $0x400;
	[sflag:s17] =	ssyncadd.s32 $0xFFFF9E00;
	s0 =	sand.u32 @!p0 $0x300, s0  }
0x38a: {  	s23 =	simm.s32 @!p0 $0x0;
	_ =	swait.ge [sflag:s17], $0x6200;
	s0 =	sor.u32 @!p0 s0, s1  }
0x38b: {  	[sflag:s17] =	ssyncset.done $0x0;
	s1 =	sshrl.u32 @!p0 s0, $0x3;
	s0 =	sadd.s32 @!p0 $0x31000, s0  }
0x38c: {  	[sflag:s17] =	ssyncadd.s32 $0xFFFF9E00;
	s1 =	sadd.s32 @!p0 s3, s1;
	s0 =	sshrl.u32 @!p0 s0, $0x3  }
0x38d: {  	[tilespmem:s23], [sflag:$0x1] =	stream.strided.gather @!p0 [hbm4b:s1+s7], $0x6200, s8, s7, $0x38;
	[tilespmem:$0x1AA00] =	vst v63  }
0x38e: {  	s25 =	simm.s32 $0x18880;
	s0 =	sadd.s32 @!p0 s3, s0;
	s1 =	simm.s32 @!p0 $0x6200  }
0x38f: {  	[tilespmem:s1], [sflag:$0x1] =	stream.strided.gather @!p0 [hbm4b:s0+s7], $0x6200, s8, s7, $0x38;
	[tilespmem:$0x1AA00] =	vst v63  }
0x390: {  	[tilespmem:s25+$0xFFFFFF80] =	vst v0  }
0x391: {  	[tilespmem:s25+$0x70] =	vst v0  }
0x392: {  	[tilespmem:s25+$0x60] =	vst v0  }
0x393: {  	[tilespmem:s25+$0x50] =	vst v0  }
0x394: {  	[tilespmem:s25+$0x40] =	vst v0  }
0x395: {  	[tilespmem:s25+$0x30] =	vst v0  }
0x396: {  	[tilespmem:s25+$0x20] =	vst v0  }
0x397: {  	[tilespmem:s25+$0x10] =	vst v0  }
0x398: {  	[tilespmem:s25+$0x0] =	vst v0  }
0x399: {  	[tilespmem:s25+$0xFFFFFFF0] =	vst v0  }
0x39a: {  	[tilespmem:s25+$0xFFFFFFE0] =	vst v0  }
0x39b: {  	[tilespmem:s25+$0xFFFFFFD0] =	vst v0  }
0x39c: {  	[tilespmem:s25+$0xFFFFFFC0] =	vst v0  }
0x39d: {  	[tilespmem:s25+$0xFFFFFFB0] =	vst v0  }
0x39e: {  	s1 =	simm.s32 $0x0;
	[tilespmem:s25+$0xFFFFFFA0] =	vst v0  }
.LBB2_47:
0x39f: {  	s1 =	sadd.s32 $0x10, s1;
	[tilespmem:s25+$0xFFFFFF90] =	vst v0;
	s25 =	sadd.s32 $0x100, s25  }
0x3a0: {  	[tilespmem:s25+$0xFFFFFF80] =	vst v0;
	p0 =	slt.u32 s1, $0x1F0  }
0x3a1: {  	[tilespmem:s25+$0x70] =	vst v0  }
0x3a2: {  	[tilespmem:s25+$0x60] =	vst v0  }
0x3a3: {  	[tilespmem:s25+$0x50] =	vst v0  }
0x3a4: {  	[tilespmem:s25+$0x40] =	vst v0  }
0x3a5: {  	[tilespmem:s25+$0x30] =	vst v0  }
0x3a6: {  	[tilespmem:s25+$0x20] =	vst v0  }
0x3a7: {  	[tilespmem:s25+$0x10] =	vst v0  }
0x3a8: {  	[tilespmem:s25+$0x0] =	vst v0  }
0x3a9: {  	[tilespmem:s25+$0xFFFFFFF0] =	vst v0  }
.Ltmp23:
0x3aa: {  	[tilespmem:s25+$0xFFFFFFE0] =	vst v0;
	(pc) =	sbr.rel @p0 .LBB2_47-.Ltmp23, $4  }
0x3ab: {  	[tilespmem:s25+$0xFFFFFFD0] =	vst v0  }
0x3ac: {  	[tilespmem:s25+$0xFFFFFFC0] =	vst v0  }
0x3ad: {  	[tilespmem:s25+$0xFFFFFFB0] =	vst v0  }
0x3ae: {  	[tilespmem:s25+$0xFFFFFFA0] =	vst v0  }
0x3af: {  	s0 =	ssub.s32 $0xFFF, s26  }
0x3b0: {  	s1 =	sshll.u32 s26, $0x13;
	s23 =	sshll.u32 s0, $0x13  }
0x3b1: {  	s1 =	ssub.s32 $0x80000000, s1;
	v2 =	vmov s23  }
0x3b2: {  	v4 =	vmov s1;
	v3 =	vxor.u32 $0x7FFFFFFF, v2  }
0x3b3: {  	vm0 =	vlt.s32 v2, $0x0;
	v2 =	vxor.u32 $0x7FFFFFFF, v4;
	vm1 =	vlt.s32 v4, $0x0  }
0x3b4: {  	[tilespmem:s25+$0xFFFFFF90] =	vst v0;
	p0 =	sgt.s32 s0, $0xFFE;
	s0 =	sshra.s32 s0, $0x1F;
	v3 =	vnsel vm0, s23, v3;
	v2 =	vnsel vm1, s1, v2  }
0x3b5: {  	s0 =	sand.u32 $0x1FFF, s0;
	[tilespmem:$0x1A800] =	vst v3;
	v2 =	vpsel p0, $0x7F800000, v2  }
0x3b6: {  	[tilespmem:$0x1A880] =	vst v2;
	v2 =	vmov s0  }
0x3b7: {  	s31 =	simm.s32 $0xC480;
	v10 =	vld [tilespmem:$0x1A800];
	[tilespmem:$0x1A980] =	vst v2  }
0x3b8: {  	v13 =	vld [tilespmem:s31+$0x50]  }
0x3b9: {  	v6 =	vld [tilespmem:s31+$0xFFFFFF90]  }
0x3ba: {  	v17 =	vld [tilespmem:s31+$0xFFFFFFA0]  }
0x3bb: {  	v8 =	vld [tilespmem:s31+$0xFFFFFFD0]  }
0x3bc: {  	v4 =	vld [tilespmem:s31+$0xFFFFFFE0]  }
0x3bd: {  	v5 =	vld [tilespmem:s31+$0x40]  }
0x3be: {  	v14 =	vld [tilespmem:s31+$0x70]  }
0x3bf: {  	v15 =	vld [tilespmem:s31+$0x10]  }
0x3c0: {  	v3 =	vld [tilespmem:s31+$0xFFFFFFF0];
	_ =	sdelay $0x1  }
0x3c1: {  	v21 =	vimm.s32 $0x0  }
0x3c2: {  	v7 =	vshrl.u32 v13, $0x6;
	v11 =	vshrl.u32 v5, $0x6;
	vm5 =	vge.f32 v6, v10  }
0x3c3: {  	v2 =	vld [tilespmem:$0x1A980];
	vm13 =	vge.f32 v8, v10;
	vm4 =	vge.f32 v4, v10;
	vm2 =	vge.f32 v15, v10  }
0x3c4: {  	v9 =	vld [tilespmem:s31+$0x60];
	vm0 =	vge.f32 v17, v10;
	vm6 =	vge.f32 v14, v10;
	vm3 =	vge.f32 v3, v10  }
0x3c5: {  	v20 =	vshrl.u32 v15, $0x6;
	v22 =	vshrl.u32 v8, $0x6;
	v16 =	vand.u32 $0x1FFF, v7;
	v7 =	vld [tilespmem:$0x1A880]  }
0x3c6: {  	v23 =	vshrl.u32 v6, $0x6;
	v18 =	vand.u32 $0x1FFF, v11;
	v11 =	vimm.s32 $0x0  }
0x3c7: {  	v23 =	vand.u32 $0x1FFF, v23;
	v11 =	vsel vm0, $0xFFFFFFFF, v11;
	vm0 =	vge.f32 v5, v10  }
0x3c8: {  	v23 =	vxor.u32 v2, v23;
	[tilespmem:$0x1FF90] =	vst v11;
	v11 =	vxor.u32 v2, v16;
	v16 =	vxor.u32 v2, v18  }
0x3c9: {  	v18 =	vshrl.u32 v14, $0x6;
	v19 =	vsub.s32 $0x1FFF, v16;
	v16 =	vshrl.u32 v9, $0x6  }
0x3ca: {  	v18 =	vand.u32 $0x1FFF, v18;
	v16 =	vand.u32 $0x1FFF, v16;
	vm1 =	vlt.f32 v5, v7  }
0x3cb: {  	vm7 =	vlt.f32 v14, v7;
	vm12 =	vlt.f32 v13, v7;
	v16 =	vxor.u32 v2, v16  }
0x3cc: {  	v12 =	vld [tilespmem:s31+$0xFFFFFF80];
	vm10 =	vlt.f32 v17, v7;
	vm1 =	vmand vm0, vm1;
	vm0 =	vmand vm6, vm7  }
0x3cd: {  	v5 =	vld [tilespmem:s31+$0xFFFFFFB0];
	vm7 =	vge.f32 v9, v10;
	vm6 =	vlt.f32 v15, v7;
	v21 =	vsel vm0, $0xFFFFFFFF, v21  }
0x3ce: {  	v14 =	vld [tilespmem:s31+$0x0];
	v15 =	vand.u32 $0x1FFF, v20;
	v20 =	vshrl.u32 v17, $0x6;
	vm0 =	vge.f32 v13, v10;
	[tilespmem:$0x1FFA0] =	vst v21  }
0x3cf: {  	v13 =	vand.u32 $0x1FFF, v22;
	vm6 =	vmand vm2, vm6;
	v15 =	vxor.u32 v2, v15;
	v24 =	vld [tilespmem:s31+$0x30]  }
0x3d0: {  	v22 =	vshrl.u32 v4, $0x6;
	v20 =	vand.u32 $0x1FFF, v20;
	v29 =	vsub.s32 $0x1FFF, v15;
	v28 =	vld [tilespmem:s31+$0xFFFFFFC0]  }
0x3d1: {  	vm9 =	vge.f32 v12, v10;
	v21 =	vshrl.u32 v3, $0x6;
	v15 =	vxor.u32 v2, v20  }
0x3d2: {  	v13 =	vxor.u32 v2, v13;
	v15 =	vsub.s32 $0x1FFF, v15;
	v26 =	vshrl.u32 v5, $0x6  }
0x3d3: {  	v27 =	vshrl.u32 v14, $0x6;
	vm8 =	vge.f32 v5, v10;
	v17 =	vand.u32 $0x1FFF, v26  }
0x3d4: {  	[tilespmem:v19+s13+$0x0] =	vst.idx.add.s32.msk vm1, v1;
	v20 =	vshrl.u32 v24, $0x6;
	vm11 =	vge.f32 v24, v10;
	vm2 =	vlt.f32 v24, v7  }
0x3d5: {  	[tilespmem:v29+s13+$0x0] =	vst.idx.add.s32.msk vm6, v1;
	vm1 =	vge.f32 v28, v10;
	vm6 =	vlt.f32 v28, v7;
	v19 =	vshrl.u32 v28, $0x6  }
0x3d6: {  	v25 =	vand.u32 $0x1FFF, v20;
	v20 =	vxor.u32 v2, v17;
	v17 =	vand.u32 $0x1FFF, v21  }
0x3d7: {  	s25 =	simm.s32 $0x0;
	s26 =	simm.s32 $0xC580;
	v28 =	vld [tilespmem:s31+$0x20];
	vm14 =	vmand vm1, vm6;
	v26 =	vand.u32 $0x1FFF, v19;
	v19 =	vxor.u32 v2, v17  }
.LBB2_49:
0x3d8: {  	vm1 =	vge.f32 v14, v10;
	vm2 =	vmand vm11, vm2  }
0x3d9: {  	v17 =	vimm.s32 $0x0;
	vm11 =	vmand vm0, vm12;
	vm12 =	vlt.f32 v8, v7  }
0x3da: {  	v8 =	vand.u32 $0x1FFF, v27;
	vm0 =	vlt.f32 v14, v7;
	v14 =	vxor.u32 v2, v18  }
0x3db: {  	v22 =	vand.u32 $0x1FFF, v22;
	vm6 =	vmmov vm13;
	v31 =	vimm.s32 $0x0  }
0x3dc: {  	v17 =	vsel vm2, $0xFFFFFFFF, v17;
	vm2 =	vlt.f32 v4, v7;
	v4 =	vxor.u32 v2, v8  }
0x3dd: {  	v27 =	vld [tilespmem:s26+$0xFFFFFF90];
	v11 =	vsub.s32 $0x1FFF, v11;
	v22 =	vxor.u32 v2, v22;
	v29 =	vsub.s32 $0x1FFF, v4  }
0x3de: {  	v24 =	vld [tilespmem:s26+$0x50];
	vm2 =	vmand vm4, vm2;
	v30 =	vsub.s32 $0x1FFF, v22;
	vm4 =	vlt.f32 v12, v7  }
0x3df: {  	v21 =	vld [tilespmem:s26+$0xFFFFFFA0];
	vm15 =	vlt.f32 v28, v7;
	v4 =	vshrl.u32 v28, $0x6;
	vm13 =	vge.f32 v28, v10  }
0x3e0: {  	v18 =	vld [tilespmem:s26+$0xFFFFFFB0];
	v28 =	vshrl.u32 v12, $0x6;
	v10 =	vand.u32 $0x1FFF, v4;
	v4 =	vimm.s32 $0x0  }
0x3e1: {  	v22 =	vld [tilespmem:s26+$0xFFFFFFF0];
	v28 =	vand.u32 $0x1FFF, v28;
	v4 =	vsel vm2, $0xFFFFFFFF, v4;
	vm2 =	vlt.f32 v6, v7  }
0x3e2: {  	v10 =	vxor.u32 v2, v10;
	v6 =	vmovc v27;
	v27 =	vld [tilespmem:s26+$0x40];
	vm2 =	vmand vm5, vm2;
	vm5 =	vlt.f32 v3, v7  }
0x3e3: {  	[tilespmem:v11+s13+$0x0] =	vst.idx.add.s32.msk vm11, v1;
	v12 =	vsel vm2, $0xFFFFFFFF, v31;
	vm2 =	vmand vm9, vm4;
	vm9 =	vmand vm13, vm15  }
0x3e4: {  	v8 =	vld [tilespmem:s26+$0xFFFFFFD0];
	vm15 =	vmand vm3, vm5;
	vm3 =	vlt.f32 v9, v7;
	[tilespmem:$0x1FF70] =	vst v12;
	v12 =	vxor.u32 v2, v28  }
0x3e5: {  	v32 =	vsub.s32 $0x1FFF, v10;
	v10 =	vld [tilespmem:$0x1A800];
	vm11 =	vmand vm7, vm3;
	v12 =	vsub.s32 $0x1FFF, v12  }
0x3e6: {  	v16 =	vsub.s32 $0x1FFF, v16;
	vm4 =	vlt.f32 v5, v7;
	v28 =	vld [tilespmem:s26+$0x70]  }
0x3e7: {  	v5 =	vmovc v18;
	v18 =	vxor.u32 v2, v25;
	v7 =	vshrl.u32 v24, $0x6;
	v25 =	vxor.u32 v2, v26;
	v2 =	vld [tilespmem:$0x1A980]  }
0x3e8: {  	v3 =	vmovc v22;
	v22 =	vand.u32 $0x1FFF, v7;
	v7 =	vld [tilespmem:$0x1FF90];
	vm7 =	vmand vm6, vm12;
	v9 =	vshrl.u32 v27, $0x6  }
0x3e9: {  	v13 =	vsub.s32 $0x1FFF, v13;
	v26 =	vand.u32 $0x1FFF, v9;
	v9 =	vld [tilespmem:s26+$0x60]  }
0x3ea: {  	[tilespmem:v12+s13+$0x0] =	vst.idx.add.s32.msk vm2, v1  }
0x3eb: {  	[tilespmem:v16+s13+$0x0] =	vst.idx.add.s32.msk vm11, v1  }
0x3ec: {  	v16 =	vld [tilespmem:$0x1FFA0]  }
0x3ed: {  	[tilespmem:$0x1FF60] =	vst v17;
	vm2 =	vnez.u8 v7;
	v7 =	vld [tilespmem:$0x1A880]  }
0x3ee: {  	v11 =	vimm.s32 $0x0;
	[tilespmem:v13+s13+$0x0] =	vst.idx.add.s32.msk vm7, v1;
	vm3 =	vmand vm2, vm10;
	vm2 =	vge.f32 v21, v10  }
0x3ef: {  	v13 =	vld [tilespmem:$0x1FF60];
	v11 =	vsel vm2, $0xFFFFFFFF, v11  }
0x3f0: {  	[tilespmem:$0x1FF90] =	vst v11;
	v11 =	vxor.u32 v2, v22;
	v22 =	vxor.u32 v2, v26  }
0x3f1: {  	vm2 =	vmand vm1, vm0;
	vm0 =	vge.f32 v28, v10;
	v62 =	vsub.s32 $0x1FFF, v22  }
0x3f2: {  	[tilespmem:v32+s13+$0x0] =	vst.idx.add.s32.msk vm9, v1;
	v22 =	vshrl.u32 v9, $0x6;
	vm1 =	vnez.u8 v16;
	vm9 =	vlt.f32 v28, v7  }
0x3f3: {  	v16 =	vand.u32 $0x1FFF, v22;
	v22 =	vimm.s32 $0x0;
	vm0 =	vmand vm0, vm9  }
0x3f4: {  	v33 =	vsub.s32 $0x1FFF, v14;
	v22 =	vsel vm0, $0xFFFFFFFF, v22;
	vm0 =	vnez.u8 v13  }
0x3f5: {  	v63 =	vld [tilespmem:s26+$0x30];
	v26 =	vsub.s32 $0x1FFF, v18  }
0x3f6: {  	v14 =	vld [tilespmem:s26+$0x0]  }
0x3f7: {  	[tilespmem:$0x1FF80] =	vst v4;
	v4 =	vld [tilespmem:s26+$0xFFFFFFE0]  }
0x3f8: {  	v19 =	vsub.s32 $0x1FFF, v19;
	v31 =	vld [tilespmem:s26+$0x10];
	vm8 =	vmand vm8, vm4  }
0x3f9: {  	v20 =	vsub.s32 $0x1FFF, v20;
	[tilespmem:v33+s13+$0x0] =	vst.idx.add.s32.msk vm1, v1  }
0x3fa: {  	vm12 =	vge.f32 v27, v10;
	vm1 =	vlt.f32 v27, v7;
	[tilespmem:v26+s13+$0x0] =	vst.idx.add.s32.msk vm0, v1  }
0x3fb: {  	vm1 =	vmand vm12, vm1;
	vm12 =	vlt.f32 v24, v7;
	vm0 =	vge.f32 v24, v10;
	v24 =	vld [tilespmem:$0x1FF70]  }
0x3fc: {  	v17 =	vld [tilespmem:s26+$0xFFFFFFC0]  }
0x3fd: {  	v23 =	vsub.s32 $0x1FFF, v23;
	[tilespmem:v19+s13+$0x0] =	vst.idx.add.s32.msk vm15, v1  }
0x3fe: {  	v35 =	vshrl.u32 v3, $0x6;
	vm5 =	vge.f32 v6, v10;
	vm13 =	vge.f32 v8, v10;
	[tilespmem:v20+s13+$0x0] =	vst.idx.add.s32.msk vm8, v1  }
0x3ff: {  	vm4 =	vge.f32 v4, v10;
	v34 =	vshrl.u32 v31, $0x6;
	v20 =	vshrl.u32 v6, $0x6;
	v12 =	vld [tilespmem:s26+$0xFFFFFF80]  }
0x400: {  	vm8 =	vge.f32 v5, v10;
	vm10 =	vge.f32 v31, v10;
	[tilespmem:v29+s13+$0x0] =	vst.idx.add.s32.msk vm2, v1;
	vm2 =	vnez.u8 v24  }
0x401: {  	v19 =	vand.u32 $0x1FFF, v20;
	vm7 =	vge.f32 v9, v10;
	vm11 =	vlt.f32 v31, v7;
	v24 =	vld [tilespmem:$0x1FF80]  }
0x402: {  	v16 =	vxor.u32 v2, v16;
	[tilespmem:v15+s13+$0x0] =	vst.idx.add.s32.msk vm3, v1;
	vm3 =	vge.f32 v3, v10;
	v15 =	vshrl.u32 v28, $0x6  }
0x403: {  	v18 =	vand.u32 $0x1FFF, v15;
	v15 =	vsub.s32 $0x1FFF, v25;
	v13 =	vshrl.u32 v8, $0x6  }
0x404: {  	vm9 =	vge.f32 v12, v10;
	[tilespmem:$0x1FFA0] =	vst v22;
	v13 =	vand.u32 $0x1FFF, v13;
	v22 =	vshrl.u32 v4, $0x6  }
0x405: {  	v13 =	vxor.u32 v2, v13;
	v27 =	vshrl.u32 v14, $0x6;
	v26 =	vshrl.u32 v5, $0x6;
	[tilespmem:v62+s13+$0x0] =	vst.idx.add.s32.msk vm1, v1  }
0x406: {  	vm1 =	vge.f32 v17, v10;
	vm6 =	vnez.u8 v24;
	[tilespmem:v23+s13+$0x0] =	vst.idx.add.s32.msk vm2, v1;
	v23 =	vand.u32 $0x1FFF, v34  }
0x407: {  	s25 =	sadd.s32 $0x10, s25;
	v24 =	vshrl.u32 v21, $0x6;
	vm2 =	vmand vm10, vm11;
	v23 =	vxor.u32 v2, v23  }
0x408: {  	p0 =	slt.u32 s25, $0xC30;
	[tilespmem:v15+s13+$0x0] =	vst.idx.add.s32.msk vm14, v1;
	v15 =	vand.u32 $0x1FFF, v24;
	vm11 =	vge.f32 v63, v10;
	v24 =	vsub.s32 $0x1FFF, v23  }
.Ltmp24:
0x409: {  	vm10 =	vlt.f32 v21, v7;
	v15 =	vxor.u32 v2, v15;
	v23 =	vshrl.u32 v63, $0x6;
	(pc) =	sbr.rel @p0 .LBB2_49-.Ltmp24, $4  }
0x40a: {  	v25 =	vand.u32 $0x1FFF, v23;
	v23 =	vxor.u32 v2, v19;
	v19 =	vand.u32 $0x1FFF, v26  }
0x40b: {  	v28 =	vld [tilespmem:s26+$0x20];
	v15 =	vsub.s32 $0x1FFF, v15;
	v20 =	vxor.u32 v2, v19;
	v19 =	vand.u32 $0x1FFF, v35  }
0x40c: {  	[tilespmem:v30+s13+$0x0] =	vst.idx.add.s32.msk vm6, v1;
	vm6 =	vlt.f32 v17, v7;
	v17 =	vshrl.u32 v17, $0x6;
	v19 =	vxor.u32 v2, v19  }
0x40d: {  	s26 =	sadd.s32 $0x100, s26;
	vm14 =	vmand vm1, vm6;
	v26 =	vand.u32 $0x1FFF, v17;
	[tilespmem:v24+s13+$0x0] =	vst.idx.add.s32.msk vm2, v1;
	vm2 =	vlt.f32 v63, v7  }
0x40e: {  	vm1 =	vmand vm11, vm2;
	vm2 =	vmand vm0, vm12;
	v51 =	vld [tilespmem:$0x1FF90]  }
0x40f: {  	vm12 =	vlt.f32 v12, v7;
	v49 =	vshrl.u32 v12, $0x6;
	v11 =	vsub.s32 $0x1FFF, v11  }
0x410: {  	vm0 =	vlt.f32 v6, v7;
	vm9 =	vmand vm9, vm12;
	v12 =	vand.u32 $0x1FFF, v49  }
0x411: {  	vm6 =	vlt.f32 v28, v7;
	v17 =	vshrl.u32 v28, $0x6;
	vm15 =	vge.f32 v28, v10  }
0x412: {  	v12 =	vxor.u32 v2, v12;
	v17 =	vand.u32 $0x1FFF, v17;
	vm11 =	vmand vm15, vm6  }
0x413: {  	v12 =	vsub.s32 $0x1FFF, v12;
	v50 =	vxor.u32 v2, v17;
	vm6 =	vnez.u8 v51  }
0x414: {  	v6 =	vsub.s32 $0x1FFF, v50;
	vm10 =	vmand vm6, vm10;
	vm6 =	vlt.f32 v9, v7  }
0x415: {  	vm0 =	vmand vm5, vm0;
	vm5 =	vmand vm7, vm6  }
0x416: {  	v53 =	vsub.s32 $0x1FFF, v16  }
0x417: {  	[tilespmem:v11+s13+$0x0] =	vst.idx.add.s32.msk vm2, v1  }
0x418: {  	v52 =	vxor.u32 v2, v18;
	vm12 =	vlt.f32 v8, v7;
	[tilespmem:v12+s13+$0x0] =	vst.idx.add.s32.msk vm9, v1  }
0x419: {  	v54 =	vand.u32 $0x1FFF, v27;
	v55 =	vxor.u32 v2, v25;
	vm7 =	vmand vm13, vm12;
	[tilespmem:v6+s13+$0x0] =	vst.idx.add.s32.msk vm11, v1  }
0x41a: {  	v56 =	vsub.s32 $0x1FFF, v13;
	vm15 =	vlt.f32 v14, v7;
	vm13 =	vge.f32 v14, v10;
	[tilespmem:v15+s13+$0x0] =	vst.idx.add.s32.msk vm10, v1  }
0x41b: {  	v57 =	vxor.u32 v2, v54;
	v58 =	vsub.s32 $0x1FFF, v55;
	vm2 =	vmand vm13, vm15;
	[tilespmem:v53+s13+$0x0] =	vst.idx.add.s32.msk vm5, v1  }
0x41c: {  	v60 =	vand.u32 $0x1FFF, v22;
	v59 =	vsub.s32 $0x1FFF, v57;
	vm15 =	vlt.f32 v3, v7;
	v62 =	vld [tilespmem:$0x1FFA0]  }
0x41d: {  	v61 =	vsub.s32 $0x1FFF, v23;
	vm6 =	vlt.f32 v4, v7;
	vm3 =	vmand vm3, vm15  }
0x41e: {  	v63 =	vsub.s32 $0x1FFF, v19;
	vm4 =	vmand vm4, vm6;
	v6 =	vxor.u32 v2, v60  }
0x41f: {  	vm13 =	vlt.f32 v5, v7;
	v2 =	vxor.u32 v2, v26;
	v6 =	vsub.s32 $0x1FFF, v6;
	[tilespmem:v56+s13+$0x0] =	vst.idx.add.s32.msk vm7, v1  }
0x420: {  	v2 =	vsub.s32 $0x1FFF, v2;
	vm5 =	vmand vm8, vm13;
	[tilespmem:v58+s13+$0x0] =	vst.idx.add.s32.msk vm1, v1  }
0x421: {  	v3 =	vsub.s32 $0x1FFF, v20;
	[tilespmem:v59+s13+$0x0] =	vst.idx.add.s32.msk vm2, v1;
	vm12 =	vnez.u8 v62  }
0x422: {  	v8 =	vsub.s32 $0x1FFF, v52;
	[tilespmem:v61+s13+$0x0] =	vst.idx.add.s32.msk vm0, v1  }
0x423: {  	[tilespmem:v63+s13+$0x0] =	vst.idx.add.s32.msk vm3, v1  }
0x424: {  	[tilespmem:v6+s13+$0x0] =	vst.idx.add.s32.msk vm4, v1  }
0x425: {  	[tilespmem:v2+s13+$0x0] =	vst.idx.add.s32.msk vm14, v1  }
0x426: {  	s24 =	ssub.s32 $0x9CC, s24;
	s25 =	simm.s32 $0x0;
	[tilespmem:v3+s13+$0x0] =	vst.idx.add.s32.msk vm5, v1  }
0x427: {  	s26 =	simm.s32 $0xFFFFFF80;
	s28 =	simm.s32 $0x18840;
	s1 =	simm.s32 $0x0;
	[tilespmem:v8+s13+$0x0] =	vst.idx.add.s32.msk vm12, v1  }
.LBB2_51:
0x428: {  	v2 =	vld [tilespmem:s28+$0xFFFFFFC0]  }
0x429: {  	v3 =	vld [tilespmem:s28+$0xFFFFFFD0]  }
0x42a: {  	v4 =	vld [tilespmem:s28+$0xFFFFFFE0]  }
0x42b: {  	v5 =	vld [tilespmem:s28+$0xFFFFFFF0]  }
0x42c: {  	v6 =	vld [tilespmem:s28+$0x0]  }
0x42d: {  	(xrf0) =	vadd.scan.msk.s32 $0xffff, v2;
	v2 =	vld [tilespmem:s28+$0x10]  }
0x42e: {  	(xrf0) =	vadd.scan.msk.s32 $0xffff, v3;
	v3 =	vld [tilespmem:s28+$0x20]  }
0x42f: {  	v63 =	vld [tilespmem:s28+$0x30];
	(xrf0) =	vadd.scan.msk.s32 $0xffff, v4  }
0x430: {  	(xrf0) =	vadd.scan.msk.s32 $0xffff, v5  }
0x431: {  	(xrf0) =	vadd.scan.msk.s32 $0xffff, v6  }
0x432: {  	(xrf0) =	vadd.scan.msk.s32 $0xffff, v2  }
0x433: {  	v2, _, _ =	vpop (xrf0);
	(xrf0) =	vadd.scan.msk.s32 $0xffff, v3  }
0x434: {  	(v2sf) =	vpush v2, $0xF;
	v2, _, _ =	vpop (xrf0);
	(xrf0) =	vadd.scan.msk.s32 $0xffff, v63  }
0x435: {  	v3, _, _ =	vpop (xrf0);
	(v2sf) =	vpush v2, $0xF  }
0x436: {  	v2, _, _ =	vpop (xrf0);
	(v2sf) =	vpush v3, $0xF  }
0x437: {  	v3, _, _ =	vpop (xrf0);
	(v2sf) =	vpush v2, $0xF  }
0x438: {  	v2, _, _ =	vpop (xrf0);
	(v2sf) =	vpush v3, $0xF  }
0x439: {  	v3, _, _ =	vpop (xrf0);
	(v2sf) =	vpush v2, $0xF  }
0x43a: {  	(v2sf) =	vpush v3, $0xF;
	v2, _, _ =	vpop (xrf0)  }
0x43b: {  	(v2sf) =	vpush v2, $0xF;
	_ =	sdelay $0x7  }
0x43c: {  	s0 =	spop (v2sf)  }
0x43d: {  	s7 =	spop (v2sf);
	s0 =	sadd.s32 s25, s0  }
0x43e: {  	s8 =	spop (v2sf);
	s0 =	sadd.s32 s7, s0  }
0x43f: {  	s30 =	spop (v2sf);
	s0 =	sadd.s32 s8, s0  }
0x440: {  	s31 =	spop (v2sf);
	s0 =	sadd.s32 s30, s0  }
0x441: {  	s29 =	spop (v2sf);
	s0 =	sadd.s32 s31, s0  }
0x442: {  	s30 =	spop (v2sf);
	s0 =	sadd.s32 s29, s0  }
0x443: {  	s31 =	spop (v2sf);
	s0 =	sadd.s32 s30, s0  }
0x444: {  	p1 =	sgt.u32 s1, $0x3E;
	s0 =	sadd.s32 s31, s0  }
0x445: {  	p2 =	slt.s32 @!p1 s0, s24  }
0x446: {  	p1 =	por p1, !p2  }
.Ltmp25:
0x447: {  	_ = 	snop;
	(pc) =	sbr.rel @!p1 .LBB2_51-.Ltmp25, $3  }
0x448: {  	_ =	sdelay $0x1  }
0x449: {  	s1 =	sadd.s32 $0x1, s1;
	p0 =	slt.s32 s0, s24  }
0x44a: {  	s26 =	sadd.s32 $0x80, s26;
	s28 =	sadd.s32 $0x80, s28;
	s25 =	smov.u32 @p0 s0  }
0x44b: {  	s26 =	simm.s32 @p0 $0xFFFFFF80  }
0x44c: {  	s28 =	simm.s32 $0x0;
	s1 =	sadd.s32 $0x18800, s26  }
.LBB2_53:
0x44d: {  	v2 =	vld [tilespmem:s1+$0x0];
	_ =	sdelay $0x4  }
0x44e: {  	(xrf0) =	vadd.scan.msk.s32 $0xffff, v2;
	_ =	sdelay $0x5  }
0x44f: {  	s0 =	ssub.s32 s24, s25;
	v2, _, _ =	vpop (xrf0)  }
0x450: {  	vm0 =	vlt.s32 v2, s0  }
0x451: {  	v3 =	vsel vm0, $0x1, v0  }
0x452: {  	(xrf0) =	vadd.scan.msk.s32 $0xffff, v3;
	_ =	sdelay $0x5  }
0x453: {  	(v2sf) =	vpush v2, $0xF;
	v2, _, _ =	vpop (xrf0)  }
0x454: {  	(v2sf) =	vpush v2, $0xF;
	_ =	sdelay $0xd  }
0x455: {  	s30 =	spop (v2sf)  }
0x456: {  	s25 =	sadd.s32 s25, s30;
	s31 =	spop (v2sf)  }
0x457: {  	p0 =	slt.s32 s25, s24;
	s0 =	sadd.s32 s26, s31  }
0x458: {  	s0 =	simm.s32 @p0 $0xFFFFFFFF;
	p0 =	sgt.u32 s28, $0x6  }
0x459: {  	p1 =	slt.s32 @!p0 s0, $0x0  }
0x45a: {  	p0 =	por p0, !p1  }
.Ltmp26:
0x45b: {  	_ = 	snop;
	(pc) =	sbr.rel @!p0 .LBB2_53-.Ltmp26, $2  }
0x45c: {  	_ =	sdelay $0x2  }
0x45d: {  	s1 =	sadd.s32 $0x10, s1;
	s26 =	sadd.s32 $0x10, s26;
	s28 =	sadd.s32 $0x1, s28  }
0x45e: {  	s0 =	sshll.u32 s0, $0x6  }
0x45f: {  	s0 =	ssub.s32 $0x7FFC0, s0  }
0x460: {  	s0 =	sor.u32 s23, s0  }
0x461: {  	v2 =	vmov s0  }
0x462: {  	v3 =	vxor.u32 $0x7FFFFFFF, v2;
	vm0 =	vlt.s32 v2, $0x0  }
0x463: {  	v2 =	vnsel vm0, s0, v3  }
0x464: {  	[tilespmem:$0x1A900] =	vst v2  }
0x465: {  	s23 =	simm.s32 $0xC480;
	v2 =	vld [tilespmem:$0x1A900]  }
0x466: {  	v3 =	vld [tilespmem:s23+$0x70]  }
0x467: {  	v4 =	vld [tilespmem:s23+$0xFFFFFF90]  }
0x468: {  	v5 =	vld [tilespmem:s23+$0xFFFFFFA0]  }
0x469: {  	v6 =	vld [tilespmem:s23+$0xFFFFFFB0]  }
0x46a: {  	v7 =	vld [tilespmem:s23+$0xFFFFFFC0]  }
0x46b: {  	v8 =	vld [tilespmem:s23+$0xFFFFFFD0];
	vm0 =	vge.f32 v3, v2  }
0x46c: {  	v9 =	vld [tilespmem:s23+$0xFFFFFFE0];
	vm1 =	vge.f32 v4, v2;
	v3 =	vnsel vm0, $0x0, v3  }
0x46d: {  	v10 =	vld [tilespmem:s23+$0xFFFFFFF0];
	v4 =	vnsel vm1, $0x0, v4;
	vm0 =	vge.f32 v5, v2;
	[tilespmem:s23+$0x70] =	vst v3  }
0x46e: {  	[tilespmem:s23+$0xFFFFFF90] =	vst v4;
	v3 =	vnsel vm0, $0x0, v5;
	vm0 =	vge.f32 v6, v2;
	v5 =	vld [tilespmem:s23+$0x0]  }
0x46f: {  	v11 =	vld [tilespmem:s23+$0x10];
	[tilespmem:s23+$0xFFFFFFA0] =	vst v3;
	v3 =	vnsel vm0, $0x0, v6;
	vm0 =	vge.f32 v7, v2  }
0x470: {  	[tilespmem:s23+$0xFFFFFFB0] =	vst v3;
	v3 =	vnsel vm0, $0x0, v7;
	vm0 =	vge.f32 v8, v2;
	v7 =	vld [tilespmem:s23+$0x20]  }
0x471: {  	[tilespmem:s23+$0xFFFFFFC0] =	vst v3;
	v4 =	vnsel vm0, $0x0, v8;
	vm0 =	vge.f32 v9, v2;
	v3 =	vld [tilespmem:s23+$0x30]  }
0x472: {  	[tilespmem:s23+$0xFFFFFFD0] =	vst v4;
	v6 =	vnsel vm0, $0x0, v9;
	vm0 =	vge.f32 v10, v2;
	v4 =	vld [tilespmem:s23+$0x40]  }
0x473: {  	v8 =	vld [tilespmem:s23+$0x50];
	[tilespmem:s23+$0xFFFFFFE0] =	vst v6;
	v6 =	vnsel vm0, $0x0, v10;
	vm0 =	vge.f32 v5, v2  }
0x474: {  	[tilespmem:s23+$0xFFFFFFF0] =	vst v6;
	v9 =	vnsel vm0, $0x0, v5;
	vm0 =	vge.f32 v11, v2;
	v5 =	vld [tilespmem:s23+$0x60]  }
0x475: {  	s24 =	simm.s32 $0x0;
	s25 =	simm.s32 $0xC480;
	v6 =	vld [tilespmem:s23+$0xFFFFFF80];
	[tilespmem:s23+$0x0] =	vst v9;
	v9 =	vnsel vm0, $0x0, v11;
	vm0 =	vge.f32 v7, v2  }
.LBB2_55:
0x476: {  	v10 =	vld [tilespmem:$0x1A900];
	[tilespmem:s23+$0x10] =	vst v9;
	v7 =	vnsel vm0, $0x0, v7;
	vm0 =	vge.f32 v3, v2;
	s25 =	sadd.s32 $0x100, s25  }
0x477: {  	s24 =	sadd.s32 $0x10, s24;
	v9 =	vld [tilespmem:s25+$0x70];
	[tilespmem:s23+$0x20] =	vst v7;
	v3 =	vnsel vm0, $0x0, v3;
	vm0 =	vge.f32 v4, v2  }
0x478: {  	p0 =	slt.u32 s24, $0xC30;
	v7 =	vld [tilespmem:s25+$0xFFFFFF90];
	[tilespmem:s23+$0x30] =	vst v3;
	v3 =	vnsel vm0, $0x0, v4;
	vm0 =	vge.f32 v8, v2  }
0x479: {  	v4 =	vld [tilespmem:s25+$0xFFFFFFA0];
	[tilespmem:s23+$0x40] =	vst v3;
	v3 =	vnsel vm0, $0x0, v8;
	vm0 =	vge.f32 v5, v2  }
0x47a: {  	v8 =	vld [tilespmem:s25+$0xFFFFFFB0];
	vm1 =	vge.f32 v6, v2;
	[tilespmem:s23+$0x50] =	vst v3;
	v11 =	vnsel vm0, $0x0, v5  }
0x47b: {  	v3 =	vld [tilespmem:s25+$0xFFFFFFC0];
	v5 =	vnsel vm1, $0x0, v6;
	[tilespmem:s23+$0x60] =	vst v11;
	v2 =	vmov v10  }
0x47c: {  	v6 =	vld [tilespmem:s25+$0xFFFFFFD0];
	vm0 =	vge.f32 v9, v2;
	[tilespmem:s23+$0xFFFFFF80] =	vst v5;
	s23 =	smov.u32 s25  }
0x47d: {  	vm1 =	vge.f32 v7, v2;
	v5 =	vld [tilespmem:s25+$0xFFFFFFE0];
	v9 =	vnsel vm0, $0x0, v9  }
0x47e: {  	v7 =	vnsel vm1, $0x0, v7;
	vm0 =	vge.f32 v4, v2;
	v10 =	vld [tilespmem:s25+$0xFFFFFFF0];
	[tilespmem:s25+$0x70] =	vst v9  }
0x47f: {  	[tilespmem:s25+$0xFFFFFF90] =	vst v7;
	v4 =	vnsel vm0, $0x0, v4;
	vm0 =	vge.f32 v8, v2;
	v9 =	vld [tilespmem:s25+$0x0]  }
0x480: {  	[tilespmem:s25+$0xFFFFFFA0] =	vst v4;
	v4 =	vnsel vm0, $0x0, v8;
	vm0 =	vge.f32 v3, v2;
	v11 =	vld [tilespmem:s25+$0x10]  }
0x481: {  	[tilespmem:s25+$0xFFFFFFB0] =	vst v4;
	v3 =	vnsel vm0, $0x0, v3;
	vm0 =	vge.f32 v6, v2;
	v7 =	vld [tilespmem:s25+$0x20]  }
.Ltmp27:
0x482: {  	[tilespmem:s25+$0xFFFFFFC0] =	vst v3;
	v4 =	vnsel vm0, $0x0, v6;
	vm0 =	vge.f32 v5, v2;
	v3 =	vld [tilespmem:s25+$0x30];
	(pc) =	sbr.rel @p0 .LBB2_55-.Ltmp27, $4  }
0x483: {  	[tilespmem:s25+$0xFFFFFFD0] =	vst v4;
	v5 =	vnsel vm0, $0x0, v5;
	vm0 =	vge.f32 v10, v2;
	v4 =	vld [tilespmem:s25+$0x40]  }
0x484: {  	[tilespmem:s25+$0xFFFFFFE0] =	vst v5;
	v5 =	vnsel vm0, $0x0, v10;
	vm0 =	vge.f32 v9, v2;
	v8 =	vld [tilespmem:s25+$0x50]  }
0x485: {  	[tilespmem:s25+$0xFFFFFFF0] =	vst v5;
	v9 =	vnsel vm0, $0x0, v9;
	vm0 =	vge.f32 v11, v2;
	v5 =	vld [tilespmem:s25+$0x60]  }
0x486: {  	v6 =	vld [tilespmem:s25+$0xFFFFFF80];
	[tilespmem:s25+$0x0] =	vst v9;
	v9 =	vnsel vm0, $0x0, v11;
	vm0 =	vge.f32 v7, v2  }
0x487: {  	[tilespmem:s23+$0x10] =	vst v9;
	v7 =	vnsel vm0, $0x0, v7;
	vm12 =	vge.f32 v3, v2  }
0x488: {  	[tilespmem:s23+$0x20] =	vst v7;
	v3 =	vnsel vm12, $0x0, v3;
	vm13 =	vge.f32 v4, v2  }
0x489: {  	[tilespmem:s23+$0x30] =	vst v3;
	v3 =	vnsel vm13, $0x0, v4;
	vm14 =	vge.f32 v8, v2  }
0x48a: {  	s20 =	sadd.s32 $0x1, s20;
	[tilespmem:s23+$0x40] =	vst v3;
	v3 =	vnsel vm14, $0x0, v8;
	vm15 =	vge.f32 v5, v2  }
0x48b: {  	p0 =	sne.s32 s20, $0x18;
	vm1 =	vge.f32 v6, v2;
	[tilespmem:s23+$0x50] =	vst v3;
	v2 =	vnsel vm15, $0x0, v5  }
.Ltmp28:
0x48c: {  	v3 =	vnsel vm1, $0x0, v6;
	[tilespmem:s23+$0x60] =	vst v2;
	(pc) =	sbr.rel @p0 .LBB2_2-.Ltmp28, $4  }
0x48d: {  	s0 =	sadd.s32 s6, s21;
	[tilespmem:s23+$0xFFFFFF80] =	vst v3  }
0x48e: {  	[hbm4b:s0+s9] =	stream.strided.scatter [tilespmem:s14], [sflag:$0x4], $0x6200, s10, s9, $0x38;
	[tilespmem:$0x1AA00] =	vst v63  }
0x48f: {  	s31 =	sadd.s32 s6, s22  }
0x490: {  	[hbm4b:s31+s9] =	stream.strided.scatter [tilespmem:s15], [sflag:$0x4], $0x6200, s10, s9, $0x38;
	[tilespmem:$0x1AA00] =	vst v63  }
0x491: {  	_ =	swait.ge [sflag:s18], $0x6200  }
0x492: {  	[sflag:s18] =	ssyncset.done $0x0  }
0x493: {  	[sflag:s18] =	ssyncadd.s32 $0xFFFF9E00  }
0x494: {  	_ =	swait.ge [sflag:s18], $0x6200  }
0x495: {  	s19 =	sadd.s32 $0x1, s19;
	s0 =	rddreg [dreg:$0x4]  }
0x496: {  	p0 =	sne.s32 s19, s0  }
.Ltmp29:
0x497: {  	_ = 	snop;
	(pc) =	sbr.rel @p0 .LBB2_1-.Ltmp29, $3  }
0x498: {  	_ =	sdelay $0x1  }
0x499: {  	[sflag:s18] =	ssyncset.done $0x0  }
0x49a: {  	[sflag:s18] =	ssyncadd.s32 $0xFFFF9E00  }
0x49b: {  	_ =	sfence.sel $0x180000  }
0x49c: {  	[bflag:$0x0] =	sbarrier.arrive $0xFFFF  }
0x49d: {  	_ =	strace $0x90000047  }
0x49e: {  	s0 =	stileid.u32;
	[bflag:$0x2] =	sbarrier.arrive $0xFFFF  }
0x49f: {  	p0 =	sne.s32 s0, $0x0;
	s0 =	rddreg [dreg:$0x2]  }
0x4a0: {  	s0 =	sadd.s32 @!p0 $0x100000, s0  }
0x4a1: {  	[sflag:s0] =	ssyncadd.tile.s32 @!p0 $0x1;
	_ =	shalt  }
.Lfunc_end2:
_tile_overlayer_lowered:
.L_overlay_start_2:
0x4a2: {  	(tag) =	ssettag $0x2  }
0x4a3: {  	s0 =	rddreg [dreg:$0x0];
	s2 =	stileid.u32  }
0x4a4: {  	s1 =	rddreg [dreg:$0x1];
	p0 =	sne.s32 s2, $0x0  }
0x4a5: {  	s3 =	rddreg [dreg:$0x2];
	[bflag:$0x3] =	sbarrier.arrive $0xFFFF;
	s2 =	simm.s32 @!p0 $0x1C05  }
0x4a6: {  	[timem:s3], [sflag:s2] =	dma.local @!p0 [hbm:s0], s1  }
0x4a7: {  	s0 =	simm.s32 @!p0 $0x5  }
0x4a8: {  	_ =	swait.ge @!p0 [sflag:s0], s1  }
0x4a9: {  	s1 =	ssub.s32 @!p0 $0x0, s1;
	[sflag:s0] =	ssyncset.done @!p0 $0x0  }
0x4aa: {  	[sflag:s0] =	ssyncadd.s32 @!p0 s1  }
0x4ab: {  	[bflag:$0x3] =	sbarrier.arrive $0xFFFF  }
0x4ac: {  	_ =	shalt  }

</sc_bundles>
